<compile_context>
chip_gen: v7x
topology: tpu7x:2x2x1
jax: 0.10.2.dev20260603
libtpu: 0.0.44.dev20260713+nightly
codegen_flags: <defaults>
</compile_context>

<pallas_src>
import functools

import jax
import jax.numpy as jnp
from jax import lax
from jax.experimental import pallas as pl
from jax.experimental.pallas import tpu as pltpu
from jax.experimental.pallas import tpu_sc as plsc

N_NODES = 10000
N_EDGES = 320000
D_FEAT = 128
HIDDEN = 8
OUT2 = 2
N_CLASSES = 4

NC = 2
NS = 16
NW = NC * NS
BLK = 128
NBW = N_EDGES // BLK
NB0 = NBW // NW
XTRA = NBW - NB0 * NW
P = 10240
RPT = P // NS
RPN = N_NODES // NS

_mesh = plsc.VectorSubcoreMesh(
    core_axis_name="c", subcore_axis_name="s", num_cores=NC, num_subcores=NS
)
_cp = pltpu.CompilerParams(use_tc_tiling_on_sc=False)



@functools.partial(
    pl.kernel,
    out_type=jax.ShapeDtypeStruct((NC * P,), jnp.float32),
    mesh=_mesh,
    compiler_params=_cp,
    scratch_types=[
        pltpu.VMEM((NB0 + 1, BLK), jnp.int32),
        pltpu.VMEM((BLK,), jnp.float32),
        pltpu.VMEM_SHARED((P,), jnp.float32),
        pltpu.SemaphoreType.DMA,
        pltpu.SemaphoreType.DMA,
    ],
)
def _deg_kernel(e_hbm, z_hbm, out_hbm, di, ones, hist, hs0, hs1):
    c = lax.axis_index("c")
    s = lax.axis_index("s")
    w = c * NS + s
    pltpu.sync_copy(z_hbm.at[pl.ds(s * RPT, RPT)], hist.at[pl.ds(s * RPT, RPT)])
    for i in range(BLK // 16):
        ones[pl.ds(i * 16, 16)] = jnp.ones((16,), jnp.float32)
    pltpu.sync_copy(e_hbm.at[1, pl.ds(w * NB0, NB0)], di.at[pl.ds(0, NB0)])

    @pl.when(w < XTRA)
    def _():
        pltpu.sync_copy(e_hbm.at[1, pl.ds(NW * NB0 + w, 1)], di.at[pl.ds(NB0, 1)])

    plsc.subcore_barrier()

    def body(i, carry):
        d0 = pltpu.async_copy(ones, hist.at[di.at[2 * i]], hs0, add=True)
        d1 = pltpu.async_copy(ones, hist.at[di.at[2 * i + 1]], hs1, add=True)
        d0.wait()
        d1.wait()
        return carry

    lax.fori_loop(0, NB0 // 2, body, 0)

    @pl.when(w < XTRA)
    def _():
        pltpu.sync_copy(ones, hist.at[di.at[NB0]], add=True)

    plsc.subcore_barrier()
    pltpu.sync_copy(
        hist.at[pl.ds(s * RPT, RPT)], out_hbm.at[pl.ds(c * P + s * RPT, RPT)]
    )


def _make_scatter(D):
    @functools.partial(
        pl.kernel,
        out_type=jax.ShapeDtypeStruct((NC, N_NODES, D), jnp.float32),
        mesh=_mesh,
        compiler_params=_cp,
        scratch_types=[
            pltpu.VMEM((NB0 + 1, BLK), jnp.int32),
            pltpu.VMEM((NB0 + 1, BLK), jnp.int32),
            pltpu.VMEM((4, BLK, D), jnp.float32),
            pltpu.VMEM_SHARED((N_NODES, D), jnp.float32),
            pltpu.VMEM_SHARED((N_NODES, D), jnp.float32),
            pltpu.SemaphoreType.DMA,
            pltpu.SemaphoreType.DMA,
            pltpu.SemaphoreType.DMA,
            pltpu.SemaphoreType.DMA,
            pltpu.SemaphoreType.DMA,
            pltpu.SemaphoreType.DMA,
            pltpu.SemaphoreType.DMA,
            pltpu.SemaphoreType.DMA,
        ],
    )
    def scat(e_hbm, y_hbm, z_hbm, out_hbm, si, di, rows, ytab, agg,
             gs0, gs1, gs2, gs3, ss0, ss1, ss2, ss3):
        c = lax.axis_index("c")
        s = lax.axis_index("s")
        w = c * NS + s
        p0 = pltpu.async_copy(
            z_hbm.at[pl.ds(s * RPN, RPN)], agg.at[pl.ds(s * RPN, RPN)], gs0)
        p1 = pltpu.async_copy(
            y_hbm.at[pl.ds(s * RPN, RPN)], ytab.at[pl.ds(s * RPN, RPN)], gs1)
        p2 = pltpu.async_copy(
            e_hbm.at[0, pl.ds(w * NB0, NB0)], si.at[pl.ds(0, NB0)], gs2)
        p3 = pltpu.async_copy(
            e_hbm.at[1, pl.ds(w * NB0, NB0)], di.at[pl.ds(0, NB0)], gs3)
        p0.wait()
        p1.wait()
        p2.wait()
        p3.wait()

        @pl.when(w < XTRA)
        def _():
            pltpu.sync_copy(e_hbm.at[0, pl.ds(NW * NB0 + w, 1)], si.at[pl.ds(NB0, 1)])
            pltpu.sync_copy(e_hbm.at[1, pl.ds(NW * NB0 + w, 1)], di.at[pl.ds(NB0, 1)])

        plsc.subcore_barrier()
        gsems = (gs0, gs1, gs2, gs3)
        ssems = (ss0, ss1, ss2, ss3)

        def body(i, carry):
            j = 4 * i
            gd = [
                pltpu.async_copy(ytab.at[si.at[j + k]], rows.at[k], gsems[k])
                for k in range(4)
            ]
            sd = []
            for k in range(4):
                gd[k].wait()
                sd.append(
                    pltpu.async_copy(rows.at[k], agg.at[di.at[j + k]], ssems[k],
                                     add=True)
                )
            for k in range(4):
                sd[k].wait()
            return carry

        lax.fori_loop(0, NB0 // 4, body, 0)

        t0 = NB0 - 2
        d0 = pltpu.async_copy(ytab.at[si.at[t0]], rows.at[0], gs0)
        d1 = pltpu.async_copy(ytab.at[si.at[t0 + 1]], rows.at[1], gs1)
        d0.wait()
        s0 = pltpu.async_copy(rows.at[0], agg.at[di.at[t0]], ss0, add=True)
        d1.wait()
        s1 = pltpu.async_copy(rows.at[1], agg.at[di.at[t0 + 1]], ss1, add=True)
        s0.wait()
        s1.wait()

        @pl.when(w < XTRA)
        def _():
            pltpu.async_copy(ytab.at[si.at[NB0]], rows.at[2], gs2).wait()
            pltpu.sync_copy(rows.at[2], agg.at[di.at[NB0]], add=True)

        plsc.subcore_barrier()
        pltpu.sync_copy(agg.at[pl.ds(s * RPN, RPN)], out_hbm.at[c, pl.ds(s * RPN, RPN)])

    return scat


_scatter8 = _make_scatter(HIDDEN)



def _tc1_body(x_ref, w_ref, hist_ref, y_ref):
    h = hist_ref[...]
    dis = lax.rsqrt(h[0:P] + h[P:2 * P] + 1.0)[:N_NODES, None]
    xw = jnp.dot(x_ref[...], w_ref[...], preferred_element_type=jnp.float32)
    y_ref[...] = xw * dis


_tc1 = pl.pallas_call(
    _tc1_body,
    out_shape=jax.ShapeDtypeStruct((N_NODES, HIDDEN), jnp.float32),
)


def _tc2_body(hist_ref, agg_ref, y1_ref, b1_ref, w2_ref, y2_ref):
    h = hist_ref[...]
    dis = lax.rsqrt(h[0:P] + h[P:2 * P] + 1.0)[:N_NODES, None]
    a = agg_ref[...]
    s = a[0] + a[1] + y1_ref[...]
    hh = jnp.tanh(dis * s + b1_ref[...])
    y2_ref[...] = jnp.dot(hh, w2_ref[...], preferred_element_type=jnp.float32) * dis


_tc2 = pl.pallas_call(
    _tc2_body,
    out_shape=jax.ShapeDtypeStruct((N_NODES, HIDDEN), jnp.float32),
)


def _tc3_body(hist_ref, agg_ref, y2_ref, b2_ref, wc_ref, bc_ref, out_ref, h2_ref):
    h = hist_ref[...]
    dis = lax.rsqrt(h[0:P] + h[P:2 * P] + 1.0)[:N_NODES, None]
    a = agg_ref[...]
    s = a[0] + a[1] + y2_ref[...]
    hh = jnp.tanh(dis * s + b2_ref[...])
    h2 = hh[:, :OUT2]
    h2_ref[...] = h2
    out_ref[...] = (
        jnp.dot(h2, wc_ref[...], preferred_element_type=jnp.float32) + bc_ref[...]
    )


_tc3 = pl.pallas_call(
    _tc3_body,
    out_shape=[
        jax.ShapeDtypeStruct((N_NODES, N_CLASSES), jnp.float32),
        jax.ShapeDtypeStruct((N_NODES, OUT2), jnp.float32),
    ],
)



def kernel(x, edge_index, W1, b1, W2, b2, Wc, bc):
    f32 = jnp.float32
    e3 = edge_index.reshape(2, NBW, BLK)
    z1 = jnp.zeros((P,), f32)
    z8 = jnp.zeros((N_NODES, HIDDEN), f32)
    w2p = jnp.pad(W2, ((0, 0), (0, HIDDEN - OUT2)))
    b2p = jnp.pad(b2, (0, HIDDEN - OUT2)).reshape(1, HIDDEN)

    hist = _deg_kernel(e3, z1)
    y1 = _tc1(x, W1, hist)
    agg1 = _scatter8(e3, y1, z8)
    y2 = _tc2(hist, agg1, y1, b1.reshape(1, HIDDEN), w2p)
    agg2 = _scatter8(e3, y2, z8)
    out, h2 = _tc3(hist, agg2, y2, b2p, Wc, bc.reshape(1, N_CLASSES))
    return (out, h2)

# --- scband reference (transcript-rebuilt; emitter-appended) ---
"""Pipeline reference for scband-gcn-2-layers-58033598103986 (READ-ONLY COPY).

The authoritative reference and input builder live on the scoring server;
editing this copy changes nothing except your own understanding.
"""

import jax, jax.numpy as jnp
import numpy as np

N_NODES = 10000
N_EDGES = 320000
D_FEAT = 128
HIDDEN = 8
OUT2 = 2
N_CLASSES = 4


def _glorot(key, shape):
    limit = float(np.sqrt(6.0 / (shape[0] + shape[1])))
    return jax.random.uniform(key, shape, minval=-limit, maxval=limit, dtype=jnp.float32)


def setup_inputs(seed: int = 0) -> dict:
    key = jax.random.key(seed)
    ks = jax.random.split(key, 8)
    x = jax.random.normal(ks[0], (N_NODES, D_FEAT), dtype=jnp.float32)
    edge_index = jax.random.randint(ks[1], (2, N_EDGES), 0, N_NODES, dtype=jnp.int32)
    W1 = _glorot(ks[2], (D_FEAT, HIDDEN))
    b1 = jnp.zeros((HIDDEN,), dtype=jnp.float32)
    W2 = _glorot(ks[3], (HIDDEN, OUT2))
    b2 = jnp.zeros((OUT2,), dtype=jnp.float32)
    Wc = _glorot(ks[4], (OUT2, N_CLASSES))
    bc = jnp.zeros((N_CLASSES,), dtype=jnp.float32)
    return {"x": x, "edge_index": edge_index, "W1": W1, "b1": b1, "W2": W2, "b2": b2, "Wc": Wc, "bc": bc}


def _gcn_conv(x, src, dst, W, b):
    # linear transform then symmetric-normalized sum aggregation (GCNConv with self loops)
    xw = x @ W
    ones = jnp.ones((src.shape[0],), dtype=jnp.float32)
    deg = jnp.zeros((N_NODES,), dtype=jnp.float32).at[dst].add(ones)
    deg_inv_sqrt = jnp.where(deg > 0, jax.lax.rsqrt(jnp.maximum(deg, 1e-12)), 0.0)
    norm = deg_inv_sqrt[src] * deg_inv_sqrt[dst]
    msg = xw[src] * norm[:, None]
    out = jnp.zeros((N_NODES, W.shape[1]), dtype=jnp.float32).at[dst].add(msg)
    return out + b


def reference(x, edge_index, W1, b1, W2, b2, Wc, bc):
    loop = jnp.arange(N_NODES, dtype=edge_index.dtype)
    src = jnp.concatenate([edge_index[0], loop])
    dst = jnp.concatenate([edge_index[1], loop])
    h = jnp.tanh(_gcn_conv(x, src, dst, W1, b1))
    h = jnp.tanh(_gcn_conv(h, src, dst, W2, b2))
    out = h @ Wc + bc
    return (out, h)

if __name__ == "__main__":
    import jax
    _d = setup_inputs()
    print(jax.jit(kernel)(*tuple(_d.values())))

</pallas_src>

<mosaic_0001>
#map = affine_map<(d0, d1) -> (0, 0, 0)>
#map1 = affine_map<(d0, d1) -> (0, 0)>
module attributes {stable_mosaic.version = 14 : i64} {
  func.func @scat(%arg0: i32, %arg1: i32, %arg2: memref<2x2500x128xi32, #tpu.memory_space<hbm>>, %arg3: memref<10000x8xf32, #tpu.memory_space<hbm>>, %arg4: memref<10000x8xf32, #tpu.memory_space<hbm>>, %arg5: memref<2x10000x8xf32, #tpu.memory_space<hbm>>, %arg6: memref<79x128xi32, #tpu.memory_space<vmem>>, %arg7: memref<79x128xi32, #tpu.memory_space<vmem>>, %arg8: memref<4x128x8xf32, #tpu.memory_space<vmem>>, %arg9: memref<10000x8xf32, #tpu.memory_space<vmem_shared>>, %arg10: memref<10000x8xf32, #tpu.memory_space<vmem_shared>>, %arg11: memref<!tpu.dma_semaphore, #tpu.memory_space<semaphore_mem>>, %arg12: memref<!tpu.dma_semaphore, #tpu.memory_space<semaphore_mem>>, %arg13: memref<!tpu.dma_semaphore, #tpu.memory_space<semaphore_mem>>, %arg14: memref<!tpu.dma_semaphore, #tpu.memory_space<semaphore_mem>>, %arg15: memref<!tpu.dma_semaphore, #tpu.memory_space<semaphore_mem>>, %arg16: memref<!tpu.dma_semaphore, #tpu.memory_space<semaphore_mem>>, %arg17: memref<!tpu.dma_semaphore, #tpu.memory_space<semaphore_mem>>, %arg18: memref<!tpu.dma_semaphore, #tpu.memory_space<semaphore_mem>>) attributes {dimension_semantics = [#tpu.dimension_semantics<core_parallel>, #tpu.dimension_semantics<subcore_parallel>], iteration_bounds = array<i64: 2, 16>, scalar_prefetch = 0 : i64, scratch_operands = 13 : i64, tpu.core_type = #tpu.core_type<sc_vector_subcore>, window_params = [{transform_indices = #map}, {transform_indices = #map1}, {transform_indices = #map1}, {transform_indices = #map}]} {
    %mul3A = arith.constant 16 : i32
    %mul3A_0 = arith.muli %arg0, %mul3A : i32
    %add3A = arith.addi %mul3A_0, %arg1 : i32
    %mul3A_1 = arith.constant 625 : i32
    %mul3A_2 = arith.muli %arg1, %mul3A_1 : i32
    %mul3A_3 = arith.constant 625 : i32
    %mul3A_4 = arith.muli %arg1, %mul3A_3 : i32
    %dma_start3A = arith.constant 0 : i32
    %dma_start3A_5 = tpu.memref_slice %arg10[%mul3A_4, %dma_start3A] : memref<10000x8xf32, #tpu.memory_space<vmem_shared>> -> memref<625x8xf32, #tpu.memory_space<vmem_shared>>
    %dma_start3A_6 = arith.constant 0 : i32
    %dma_start3A_7 = tpu.memref_slice %arg4[%mul3A_2, %dma_start3A_6] : memref<10000x8xf32, #tpu.memory_space<hbm>> -> memref<625x8xf32, #tpu.memory_space<hbm>>
    tpu.enqueue_dma source(%dma_start3A_7 : memref<625x8xf32, #tpu.memory_space<hbm>>) target(%dma_start3A_5 : memref<625x8xf32, #tpu.memory_space<vmem_shared>>) target_semaphore(%arg11 : memref<!tpu.dma_semaphore, #tpu.memory_space<semaphore_mem>>)
    %mul3A_8 = arith.constant 625 : i32
    %mul3A_9 = arith.muli %arg1, %mul3A_8 : i32
    %mul3A_10 = arith.constant 625 : i32
    %mul3A_11 = arith.muli %arg1, %mul3A_10 : i32
    %dma_start3A_12 = arith.constant 0 : i32
    %dma_start3A_13 = tpu.memref_slice %arg9[%mul3A_11, %dma_start3A_12] : memref<10000x8xf32, #tpu.memory_space<vmem_shared>> -> memref<625x8xf32, #tpu.memory_space<vmem_shared>>
    %dma_start3A_14 = arith.constant 0 : i32
    %dma_start3A_15 = tpu.memref_slice %arg3[%mul3A_9, %dma_start3A_14] : memref<10000x8xf32, #tpu.memory_space<hbm>> -> memref<625x8xf32, #tpu.memory_space<hbm>>
    tpu.enqueue_dma source(%dma_start3A_15 : memref<625x8xf32, #tpu.memory_space<hbm>>) target(%dma_start3A_13 : memref<625x8xf32, #tpu.memory_space<vmem_shared>>) target_semaphore(%arg12 : memref<!tpu.dma_semaphore, #tpu.memory_space<semaphore_mem>>)
    %mul3A_16 = arith.constant 78 : i32
    %mul3A_17 = arith.muli %add3A, %mul3A_16 : i32
    %dma_start3A_18 = arith.constant 0 : i32
    %dma_start3A_19 = arith.constant 0 : i32
    %dma_start3A_20 = arith.constant 0 : i32
    %dma_start3A_21 = tpu.memref_slice %arg6[%dma_start3A_19, %dma_start3A_20] : memref<79x128xi32, #tpu.memory_space<vmem>> -> memref<78x128xi32, #tpu.memory_space<vmem>>
    %dma_start3A_22 = arith.constant 0 : i32
    %dma_start3A_23 = tpu.memref_slice %arg2[%dma_start3A_18, %mul3A_17, %dma_start3A_22] : memref<2x2500x128xi32, #tpu.memory_space<hbm>> -> memref<1x78x128xi32, #tpu.memory_space<hbm>>
    %dma_start3A_24 = tpu.memref_squeeze %dma_start3A_23 : memref<1x78x128xi32, #tpu.memory_space<hbm>> -> memref<78x128xi32, #tpu.memory_space<hbm>>
    %dma_start3A_25 = arith.constant 0 : i32
    %dma_start3A_26 = arith.constant 0 : i32
    %dma_start3A_27 = tpu.memref_slice %arg6[%dma_start3A_25, %dma_start3A_26] : memref<79x128xi32, #tpu.memory_space<vmem>> -> memref<78x128xi32, #tpu.memory_space<vmem>>
    %dma_start3A_28 = arith.constant 0 : i32
    %dma_start3A_29 = tpu.memref_slice %arg2[%dma_start3A_18, %mul3A_17, %dma_start3A_28] : memref<2x2500x128xi32, #tpu.memory_space<hbm>> -> memref<1x78x128xi32, #tpu.memory_space<hbm>>
    %dma_start3A_30 = tpu.memref_squeeze %dma_start3A_29 : memref<1x78x128xi32, #tpu.memory_space<hbm>> -> memref<78x128xi32, #tpu.memory_space<hbm>>
    tpu.enqueue_dma source(%dma_start3A_30 : memref<78x128xi32, #tpu.memory_space<hbm>>) target(%dma_start3A_27 : memref<78x128xi32, #tpu.memory_space<vmem>>) target_semaphore(%arg13 : memref<!tpu.dma_semaphore, #tpu.memory_space<semaphore_mem>>)
    %mul3A_31 = arith.constant 78 : i32
    %mul3A_32 = arith.muli %add3A, %mul3A_31 : i32
    %dma_start3A_33 = arith.constant 1 : i32
    %dma_start3A_34 = arith.constant 0 : i32
    %dma_start3A_35 = arith.constant 0 : i32
    %dma_start3A_36 = tpu.memref_slice %arg7[%dma_start3A_34, %dma_start3A_35] : memref<79x128xi32, #tpu.memory_space<vmem>> -> memref<78x128xi32, #tpu.memory_space<vmem>>
    %dma_start3A_37 = arith.constant 0 : i32
    %dma_start3A_38 = tpu.memref_slice %arg2[%dma_start3A_33, %mul3A_32, %dma_start3A_37] : memref<2x2500x128xi32, #tpu.memory_space<hbm>> -> memref<1x78x128xi32, #tpu.memory_space<hbm>>
    %dma_start3A_39 = tpu.memref_squeeze %dma_start3A_38 : memref<1x78x128xi32, #tpu.memory_space<hbm>> -> memref<78x128xi32, #tpu.memory_space<hbm>>
    %dma_start3A_40 = arith.constant 0 : i32
    %dma_start3A_41 = arith.constant 0 : i32
    %dma_start3A_42 = tpu.memref_slice %arg7[%dma_start3A_40, %dma_start3A_41] : memref<79x128xi32, #tpu.memory_space<vmem>> -> memref<78x128xi32, #tpu.memory_space<vmem>>
    %dma_start3A_43 = arith.constant 0 : i32
    %dma_start3A_44 = tpu.memref_slice %arg2[%dma_start3A_33, %mul3A_32, %dma_start3A_43] : memref<2x2500x128xi32, #tpu.memory_space<hbm>> -> memref<1x78x128xi32, #tpu.memory_space<hbm>>
    %dma_start3A_45 = tpu.memref_squeeze %dma_start3A_44 : memref<1x78x128xi32, #tpu.memory_space<hbm>> -> memref<78x128xi32, #tpu.memory_space<hbm>>
    tpu.enqueue_dma source(%dma_start3A_45 : memref<78x128xi32, #tpu.memory_space<hbm>>) target(%dma_start3A_42 : memref<78x128xi32, #tpu.memory_space<vmem>>) target_semaphore(%arg14 : memref<!tpu.dma_semaphore, #tpu.memory_space<semaphore_mem>>)
    %dma_wait3A = arith.constant 0 : i32
    %dma_wait3A_46 = tpu.memref_slice %arg10[%mul3A_4, %dma_wait3A] : memref<10000x8xf32, #tpu.memory_space<vmem_shared>> -> memref<625x8xf32, #tpu.memory_space<vmem_shared>>
    %dma_wait3A_47 = arith.constant 0 : i32
    %dma_wait3A_48 = tpu.memref_slice %arg4[%mul3A_2, %dma_wait3A_47] : memref<10000x8xf32, #tpu.memory_space<hbm>> -> memref<625x8xf32, #tpu.memory_space<hbm>>
    tpu.wait_dma2 semaphore(%arg11 : memref<!tpu.dma_semaphore, #tpu.memory_space<semaphore_mem>>) src(%dma_wait3A_48 : memref<625x8xf32, #tpu.memory_space<hbm>>) dst(%dma_wait3A_46 : memref<625x8xf32, #tpu.memory_space<vmem_shared>>)
    %dma_wait3A_49 = arith.constant 0 : i32
    %dma_wait3A_50 = tpu.memref_slice %arg9[%mul3A_11, %dma_wait3A_49] : memref<10000x8xf32, #tpu.memory_space<vmem_shared>> -> memref<625x8xf32, #tpu.memory_space<vmem_shared>>
    %dma_wait3A_51 = arith.constant 0 : i32
    %dma_wait3A_52 = tpu.memref_slice %arg3[%mul3A_9, %dma_wait3A_51] : memref<10000x8xf32, #tpu.memory_space<hbm>> -> memref<625x8xf32, #tpu.memory_space<hbm>>
    tpu.wait_dma2 semaphore(%arg12 : memref<!tpu.dma_semaphore, #tpu.memory_space<semaphore_mem>>) src(%dma_wait3A_52 : memref<625x8xf32, #tpu.memory_space<hbm>>) dst(%dma_wait3A_50 : memref<625x8xf32, #tpu.memory_space<vmem_shared>>)
    %dma_wait3A_53 = arith.constant 0 : i32
    %dma_wait3A_54 = arith.constant 0 : i32
    %dma_wait3A_55 = arith.constant 0 : i32
    %dma_wait3A_56 = tpu.memref_slice %arg6[%dma_wait3A_54, %dma_wait3A_55] : memref<79x128xi32, #tpu.memory_space<vmem>> -> memref<78x128xi32, #tpu.memory_space<vmem>>
    %dma_wait3A_57 = arith.constant 0 : i32
    %dma_wait3A_58 = tpu.memref_slice %arg2[%dma_wait3A_53, %mul3A_17, %dma_wait3A_57] : memref<2x2500x128xi32, #tpu.memory_space<hbm>> -> memref<1x78x128xi32, #tpu.memory_space<hbm>>
    %dma_wait3A_59 = tpu.memref_squeeze %dma_wait3A_58 : memref<1x78x128xi32, #tpu.memory_space<hbm>> -> memref<78x128xi32, #tpu.memory_space<hbm>>
    %dma_wait3A_60 = arith.constant 0 : i32
    %dma_wait3A_61 = arith.constant 0 : i32
    %dma_wait3A_62 = tpu.memref_slice %arg6[%dma_wait3A_60, %dma_wait3A_61] : memref<79x128xi32, #tpu.memory_space<vmem>> -> memref<78x128xi32, #tpu.memory_space<vmem>>
    %dma_wait3A_63 = arith.constant 0 : i32
    %dma_wait3A_64 = tpu.memref_slice %arg2[%dma_wait3A_53, %mul3A_17, %dma_wait3A_63] : memref<2x2500x128xi32, #tpu.memory_space<hbm>> -> memref<1x78x128xi32, #tpu.memory_space<hbm>>
    %dma_wait3A_65 = tpu.memref_squeeze %dma_wait3A_64 : memref<1x78x128xi32, #tpu.memory_space<hbm>> -> memref<78x128xi32, #tpu.memory_space<hbm>>
    tpu.wait_dma2 semaphore(%arg13 : memref<!tpu.dma_semaphore, #tpu.memory_space<semaphore_mem>>) src(%dma_wait3A_65 : memref<78x128xi32, #tpu.memory_space<hbm>>) dst(%dma_wait3A_62 : memref<78x128xi32, #tpu.memory_space<vmem>>)
    %dma_wait3A_66 = arith.constant 1 : i32
    %dma_wait3A_67 = arith.constant 0 : i32
    %dma_wait3A_68 = arith.constant 0 : i32
    %dma_wait3A_69 = tpu.memref_slice %arg7[%dma_wait3A_67, %dma_wait3A_68] : memref<79x128xi32, #tpu.memory_space<vmem>> -> memref<78x128xi32, #tpu.memory_space<vmem>>
    %dma_wait3A_70 = arith.constant 0 : i32
    %dma_wait3A_71 = tpu.memref_slice %arg2[%dma_wait3A_66, %mul3A_32, %dma_wait3A_70] : memref<2x2500x128xi32, #tpu.memory_space<hbm>> -> memref<1x78x128xi32, #tpu.memory_space<hbm>>
    %dma_wait3A_72 = tpu.memref_squeeze %dma_wait3A_71 : memref<1x78x128xi32, #tpu.memory_space<hbm>> -> memref<78x128xi32, #tpu.memory_space<hbm>>
    %dma_wait3A_73 = arith.constant 0 : i32
    %dma_wait3A_74 = arith.constant 0 : i32
    %dma_wait3A_75 = tpu.memref_slice %arg7[%dma_wait3A_73, %dma_wait3A_74] : memref<79x128xi32, #tpu.memory_space<vmem>> -> memref<78x128xi32, #tpu.memory_space<vmem>>
    %dma_wait3A_76 = arith.constant 0 : i32
    %dma_wait3A_77 = tpu.memref_slice %arg2[%dma_wait3A_66, %mul3A_32, %dma_wait3A_76] : memref<2x2500x128xi32, #tpu.memory_space<hbm>> -> memref<1x78x128xi32, #tpu.memory_space<hbm>>
    %dma_wait3A_78 = tpu.memref_squeeze %dma_wait3A_77 : memref<1x78x128xi32, #tpu.memory_space<hbm>> -> memref<78x128xi32, #tpu.memory_space<hbm>>
    tpu.wait_dma2 semaphore(%arg14 : memref<!tpu.dma_semaphore, #tpu.memory_space<semaphore_mem>>) src(%dma_wait3A_78 : memref<78x128xi32, #tpu.memory_space<hbm>>) dst(%dma_wait3A_75 : memref<78x128xi32, #tpu.memory_space<vmem>>)
    %lt3A = arith.constant 4 : i32
    %lt3A_79 = arith.cmpi slt, %add3A, %lt3A : i32
    %convert_element_type3A = arith.extui %lt3A_79 : i1 to i32
    %cond3A = arith.constant 0 : i32
    %cond3A_80 = arith.cmpi ne, %convert_element_type3A, %cond3A : i32
    scf.if %cond3A_80 {
      %add3A_192 = arith.constant 2496 : i32
      %add3A_193 = arith.addi %add3A_192, %add3A : i32
      %run_scoped3A = arith.constant 0 : i32
      "tpu.region"() ({
        %run_scoped3A_197 = tpu.sem_alloc : memref<!tpu.dma_semaphore, #tpu.memory_space<semaphore_mem>>
        %dma_start3A_198 = arith.constant 78 : i32
        %dma_start3A_199 = arith.constant 0 : i32
        %dma_start3A_200 = tpu.memref_slice %arg6[%dma_start3A_198, %dma_start3A_199] : memref<79x128xi32, #tpu.memory_space<vmem>> -> memref<1x128xi32, #tpu.memory_space<vmem>>
        %dma_start3A_201 = arith.constant 0 : i32
        %dma_start3A_202 = tpu.memref_slice %arg2[%run_scoped3A, %add3A_193, %dma_start3A_201] : memref<2x2500x128xi32, #tpu.memory_space<hbm>> -> memref<1x1x128xi32, #tpu.memory_space<hbm>>
        %dma_start3A_203 = tpu.memref_squeeze %dma_start3A_202 : memref<1x1x128xi32, #tpu.memory_space<hbm>> -> memref<1x128xi32, #tpu.memory_space<hbm>>
        %dma_start3A_204 = arith.constant 78 : i32
        %dma_start3A_205 = arith.constant 0 : i32
        %dma_start3A_206 = tpu.memref_slice %arg6[%dma_start3A_204, %dma_start3A_205] : memref<79x128xi32, #tpu.memory_space<vmem>> -> memref<1x128xi32, #tpu.memory_space<vmem>>
        %dma_start3A_207 = arith.constant 0 : i32
        %dma_start3A_208 = tpu.memref_slice %arg2[%run_scoped3A, %add3A_193, %dma_start3A_207] : memref<2x2500x128xi32, #tpu.memory_space<hbm>> -> memref<1x1x128xi32, #tpu.memory_space<hbm>>
        %dma_start3A_209 = tpu.memref_squeeze %dma_start3A_208 : memref<1x1x128xi32, #tpu.memory_space<hbm>> -> memref<1x128xi32, #tpu.memory_space<hbm>>
        tpu.enqueue_dma source(%dma_start3A_209 : memref<1x128xi32, #tpu.memory_space<hbm>>) target(%dma_start3A_206 : memref<1x128xi32, #tpu.memory_space<vmem>>) target_semaphore(%run_scoped3A_197 : memref<!tpu.dma_semaphore, #tpu.memory_space<semaphore_mem>>)
        %dma_wait3A_210 = arith.constant 78 : i32
        %dma_wait3A_211 = arith.constant 0 : i32
        %dma_wait3A_212 = tpu.memref_slice %arg6[%dma_wait3A_210, %dma_wait3A_211] : memref<79x128xi32, #tpu.memory_space<vmem>> -> memref<1x128xi32, #tpu.memory_space<vmem>>
        %dma_wait3A_213 = arith.constant 0 : i32
        %dma_wait3A_214 = tpu.memref_slice %arg2[%run_scoped3A, %add3A_193, %dma_wait3A_213] : memref<2x2500x128xi32, #tpu.memory_space<hbm>> -> memref<1x1x128xi32, #tpu.memory_space<hbm>>
        %dma_wait3A_215 = tpu.memref_squeeze %dma_wait3A_214 : memref<1x1x128xi32, #tpu.memory_space<hbm>> -> memref<1x128xi32, #tpu.memory_space<hbm>>
        %dma_wait3A_216 = arith.constant 78 : i32
        %dma_wait3A_217 = arith.constant 0 : i32
        %dma_wait3A_218 = tpu.memref_slice %arg6[%dma_wait3A_216, %dma_wait3A_217] : memref<79x128xi32, #tpu.memory_space<vmem>> -> memref<1x128xi32, #tpu.memory_space<vmem>>
        %dma_wait3A_219 = arith.constant 0 : i32
        %dma_wait3A_220 = tpu.memref_slice %arg2[%run_scoped3A, %add3A_193, %dma_wait3A_219] : memref<2x2500x128xi32, #tpu.memory_space<hbm>> -> memref<1x1x128xi32, #tpu.memory_space<hbm>>
        %dma_wait3A_221 = tpu.memref_squeeze %dma_wait3A_220 : memref<1x1x128xi32, #tpu.memory_space<hbm>> -> memref<1x128xi32, #tpu.memory_space<hbm>>
        tpu.wait_dma2 semaphore(%run_scoped3A_197 : memref<!tpu.dma_semaphore, #tpu.memory_space<semaphore_mem>>) src(%dma_wait3A_221 : memref<1x128xi32, #tpu.memory_space<hbm>>) dst(%dma_wait3A_218 : memref<1x128xi32, #tpu.memory_space<vmem>>)
        tpu.yield
      }) : () -> ()
      %add3A_194 = arith.constant 2496 : i32
      %add3A_195 = arith.addi %add3A_194, %add3A : i32
      %run_scoped3A_196 = arith.constant 1 : i32
      "tpu.region"() ({
        %run_scoped3A_197 = tpu.sem_alloc : memref<!tpu.dma_semaphore, #tpu.memory_space<semaphore_mem>>
        %dma_start3A_198 = arith.constant 78 : i32
        %dma_start3A_199 = arith.constant 0 : i32
        %dma_start3A_200 = tpu.memref_slice %arg7[%dma_start3A_198, %dma_start3A_199] : memref<79x128xi32, #tpu.memory_space<vmem>> -> memref<1x128xi32, #tpu.memory_space<vmem>>
        %dma_start3A_201 = arith.constant 0 : i32
        %dma_start3A_202 = tpu.memref_slice %arg2[%run_scoped3A_196, %add3A_195, %dma_start3A_201] : memref<2x2500x128xi32, #tpu.memory_space<hbm>> -> memref<1x1x128xi32, #tpu.memory_space<hbm>>
        %dma_start3A_203 = tpu.memref_squeeze %dma_start3A_202 : memref<1x1x128xi32, #tpu.memory_space<hbm>> -> memref<1x128xi32, #tpu.memory_space<hbm>>
        %dma_start3A_204 = arith.constant 78 : i32
        %dma_start3A_205 = arith.constant 0 : i32
        %dma_start3A_206 = tpu.memref_slice %arg7[%dma_start3A_204, %dma_start3A_205] : memref<79x128xi32, #tpu.memory_space<vmem>> -> memref<1x128xi32, #tpu.memory_space<vmem>>
        %dma_start3A_207 = arith.constant 0 : i32
        %dma_start3A_208 = tpu.memref_slice %arg2[%run_scoped3A_196, %add3A_195, %dma_start3A_207] : memref<2x2500x128xi32, #tpu.memory_space<hbm>> -> memref<1x1x128xi32, #tpu.memory_space<hbm>>
        %dma_start3A_209 = tpu.memref_squeeze %dma_start3A_208 : memref<1x1x128xi32, #tpu.memory_space<hbm>> -> memref<1x128xi32, #tpu.memory_space<hbm>>
        tpu.enqueue_dma source(%dma_start3A_209 : memref<1x128xi32, #tpu.memory_space<hbm>>) target(%dma_start3A_206 : memref<1x128xi32, #tpu.memory_space<vmem>>) target_semaphore(%run_scoped3A_197 : memref<!tpu.dma_semaphore, #tpu.memory_space<semaphore_mem>>)
        %dma_wait3A_210 = arith.constant 78 : i32
        %dma_wait3A_211 = arith.constant 0 : i32
        %dma_wait3A_212 = tpu.memref_slice %arg7[%dma_wait3A_210, %dma_wait3A_211] : memref<79x128xi32, #tpu.memory_space<vmem>> -> memref<1x128xi32, #tpu.memory_space<vmem>>
        %dma_wait3A_213 = arith.constant 0 : i32
        %dma_wait3A_214 = tpu.memref_slice %arg2[%run_scoped3A_196, %add3A_195, %dma_wait3A_213] : memref<2x2500x128xi32, #tpu.memory_space<hbm>> -> memref<1x1x128xi32, #tpu.memory_space<hbm>>
        %dma_wait3A_215 = tpu.memref_squeeze %dma_wait3A_214 : memref<1x1x128xi32, #tpu.memory_space<hbm>> -> memref<1x128xi32, #tpu.memory_space<hbm>>
        %dma_wait3A_216 = arith.constant 78 : i32
        %dma_wait3A_217 = arith.constant 0 : i32
        %dma_wait3A_218 = tpu.memref_slice %arg7[%dma_wait3A_216, %dma_wait3A_217] : memref<79x128xi32, #tpu.memory_space<vmem>> -> memref<1x128xi32, #tpu.memory_space<vmem>>
        %dma_wait3A_219 = arith.constant 0 : i32
        %dma_wait3A_220 = tpu.memref_slice %arg2[%run_scoped3A_196, %add3A_195, %dma_wait3A_219] : memref<2x2500x128xi32, #tpu.memory_space<hbm>> -> memref<1x1x128xi32, #tpu.memory_space<hbm>>
        %dma_wait3A_221 = tpu.memref_squeeze %dma_wait3A_220 : memref<1x1x128xi32, #tpu.memory_space<hbm>> -> memref<1x128xi32, #tpu.memory_space<hbm>>
        tpu.wait_dma2 semaphore(%run_scoped3A_197 : memref<!tpu.dma_semaphore, #tpu.memory_space<semaphore_mem>>) src(%dma_wait3A_221 : memref<1x128xi32, #tpu.memory_space<hbm>>) dst(%dma_wait3A_218 : memref<1x128xi32, #tpu.memory_space<vmem>>)
        tpu.yield
      }) : () -> ()
    } else {
    }
    %barrier3A = arith.constant 0 : index
    tpu.barrier barrier_id(%barrier3A)
    %scan3A = arith.constant 0 : i32
    %scan3A_81 = arith.constant 0 : i32
    %scan3A_82 = arith.constant 19 : i32
    %scan3A_83 = arith.addi %scan3A_81, %scan3A_82 : i32
    %scan3A_84 = arith.constant 1 : i32
    scf.for %scan3A_192 = %scan3A_81 to %scan3A_83 step %scan3A_84  : i32 {
      %mul3A_193 = arith.constant 4 : i32
      %mul3A_194 = arith.muli %mul3A_193, %scan3A_192 : i32
      %add3A_195 = arith.constant 0 : i32
      %add3A_196 = arith.addi %mul3A_194, %add3A_195 : i32
      %dma_start3A_197 = arith.constant 0 : i32
      %dma_start3A_198 = arith.constant 0 : i32
      %dma_start3A_199 = arith.constant 0 : i32
      %dma_start3A_200 = tpu.memref_slice %arg8[%dma_start3A_197, %dma_start3A_198, %dma_start3A_199] : memref<4x128x8xf32, #tpu.memory_space<vmem>> -> memref<1x128x8xf32, #tpu.memory_space<vmem>>
      %dma_start3A_201 = tpu.memref_squeeze %dma_start3A_200 : memref<1x128x8xf32, #tpu.memory_space<vmem>> -> memref<128x8xf32, #tpu.memory_space<vmem>>
      %dma_start3A_202 = arith.constant 0 : i32
      %dma_start3A_203 = tpu.memref_slice %arg6[%add3A_196, %dma_start3A_202] : memref<79x128xi32, #tpu.memory_space<vmem>> -> memref<1x128xi32, #tpu.memory_space<vmem>>
      %dma_start3A_204 = tpu.memref_squeeze %dma_start3A_203 : memref<1x128xi32, #tpu.memory_space<vmem>> -> memref<128xi32, #tpu.memory_space<vmem>>
      %dma_start3A_205 = arith.constant 0 : i32
      %dma_start3A_206 = arith.constant 0 : i32
      %dma_start3A_207 = tpu.memref_slice %arg9[%dma_start3A_205, %dma_start3A_206] : memref<10000x8xf32, #tpu.memory_space<vmem_shared>> -> memref<10000x8xf32, #tpu.memory_space<vmem_shared>>
      tpu.enqueue_indirect_dma source(%dma_start3A_207 : memref<10000x8xf32, #tpu.memory_space<vmem_shared>>) target(%dma_start3A_201 : memref<128x8xf32, #tpu.memory_space<vmem>>) offsets(%dma_start3A_204 : memref<128xi32, #tpu.memory_space<vmem>>) semaphore(%arg11 : memref<!tpu.dma_semaphore, #tpu.memory_space<semaphore_mem>>)
      %add3A_208 = arith.constant 1 : i32
      %add3A_209 = arith.addi %mul3A_194, %add3A_208 : i32
      %dma_start3A_210 = arith.constant 1 : i32
      %dma_start3A_211 = arith.constant 0 : i32
      %dma_start3A_212 = arith.constant 0 : i32
      %dma_start3A_213 = tpu.memref_slice %arg8[%dma_start3A_210, %dma_start3A_211, %dma_start3A_212] : memref<4x128x8xf32, #tpu.memory_space<vmem>> -> memref<1x128x8xf32, #tpu.memory_space<vmem>>
      %dma_start3A_214 = tpu.memref_squeeze %dma_start3A_213 : memref<1x128x8xf32, #tpu.memory_space<vmem>> -> memref<128x8xf32, #tpu.memory_space<vmem>>
      %dma_start3A_215 = arith.constant 0 : i32
      %dma_start3A_216 = tpu.memref_slice %arg6[%add3A_209, %dma_start3A_215] : memref<79x128xi32, #tpu.memory_space<vmem>> -> memref<1x128xi32, #tpu.memory_space<vmem>>
      %dma_start3A_217 = tpu.memref_squeeze %dma_start3A_216 : memref<1x128xi32, #tpu.memory_space<vmem>> -> memref<128xi32, #tpu.memory_space<vmem>>
      %dma_start3A_218 = arith.constant 0 : i32
      %dma_start3A_219 = arith.constant 0 : i32
      %dma_start3A_220 = tpu.memref_slice %arg9[%dma_start3A_218, %dma_start3A_219] : memref<10000x8xf32, #tpu.memory_space<vmem_shared>> -> memref<10000x8xf32, #tpu.memory_space<vmem_shared>>
      tpu.enqueue_indirect_dma source(%dma_start3A_220 : memref<10000x8xf32, #tpu.memory_space<vmem_shared>>) target(%dma_start3A_214 : memref<128x8xf32, #tpu.memory_space<vmem>>) offsets(%dma_start3A_217 : memref<128xi32, #tpu.memory_space<vmem>>) semaphore(%arg12 : memref<!tpu.dma_semaphore, #tpu.memory_space<semaphore_mem>>)
      %add3A_221 = arith.constant 2 : i32
      %add3A_222 = arith.addi %mul3A_194, %add3A_221 : i32
      %dma_start3A_223 = arith.constant 2 : i32
      %dma_start3A_224 = arith.constant 0 : i32
      %dma_start3A_225 = arith.constant 0 : i32
      %dma_start3A_226 = tpu.memref_slice %arg8[%dma_start3A_223, %dma_start3A_224, %dma_start3A_225] : memref<4x128x8xf32, #tpu.memory_space<vmem>> -> memref<1x128x8xf32, #tpu.memory_space<vmem>>
      %dma_start3A_227 = tpu.memref_squeeze %dma_start3A_226 : memref<1x128x8xf32, #tpu.memory_space<vmem>> -> memref<128x8xf32, #tpu.memory_space<vmem>>
      %dma_start3A_228 = arith.constant 0 : i32
      %dma_start3A_229 = tpu.memref_slice %arg6[%add3A_222, %dma_start3A_228] : memref<79x128xi32, #tpu.memory_space<vmem>> -> memref<1x128xi32, #tpu.memory_space<vmem>>
      %dma_start3A_230 = tpu.memref_squeeze %dma_start3A_229 : memref<1x128xi32, #tpu.memory_space<vmem>> -> memref<128xi32, #tpu.memory_space<vmem>>
      %dma_start3A_231 = arith.constant 0 : i32
      %dma_start3A_232 = arith.constant 0 : i32
      %dma_start3A_233 = tpu.memref_slice %arg9[%dma_start3A_231, %dma_start3A_232] : memref<10000x8xf32, #tpu.memory_space<vmem_shared>> -> memref<10000x8xf32, #tpu.memory_space<vmem_shared>>
      tpu.enqueue_indirect_dma source(%dma_start3A_233 : memref<10000x8xf32, #tpu.memory_space<vmem_shared>>) target(%dma_start3A_227 : memref<128x8xf32, #tpu.memory_space<vmem>>) offsets(%dma_start3A_230 : memref<128xi32, #tpu.memory_space<vmem>>) semaphore(%arg13 : memref<!tpu.dma_semaphore, #tpu.memory_space<semaphore_mem>>)
      %add3A_234 = arith.constant 3 : i32
      %add3A_235 = arith.addi %mul3A_194, %add3A_234 : i32
      %dma_start3A_236 = arith.constant 3 : i32
      %dma_start3A_237 = arith.constant 0 : i32
      %dma_start3A_238 = arith.constant 0 : i32
      %dma_start3A_239 = tpu.memref_slice %arg8[%dma_start3A_236, %dma_start3A_237, %dma_start3A_238] : memref<4x128x8xf32, #tpu.memory_space<vmem>> -> memref<1x128x8xf32, #tpu.memory_space<vmem>>
      %dma_start3A_240 = tpu.memref_squeeze %dma_start3A_239 : memref<1x128x8xf32, #tpu.memory_space<vmem>> -> memref<128x8xf32, #tpu.memory_space<vmem>>
      %dma_start3A_241 = arith.constant 0 : i32
      %dma_start3A_242 = tpu.memref_slice %arg6[%add3A_235, %dma_start3A_241] : memref<79x128xi32, #tpu.memory_space<vmem>> -> memref<1x128xi32, #tpu.memory_space<vmem>>
      %dma_start3A_243 = tpu.memref_squeeze %dma_start3A_242 : memref<1x128xi32, #tpu.memory_space<vmem>> -> memref<128xi32, #tpu.memory_space<vmem>>
      %dma_start3A_244 = arith.constant 0 : i32
      %dma_start3A_245 = arith.constant 0 : i32
      %dma_start3A_246 = tpu.memref_slice %arg9[%dma_start3A_244, %dma_start3A_245] : memref<10000x8xf32, #tpu.memory_space<vmem_shared>> -> memref<10000x8xf32, #tpu.memory_space<vmem_shared>>
      tpu.enqueue_indirect_dma source(%dma_start3A_246 : memref<10000x8xf32, #tpu.memory_space<vmem_shared>>) target(%dma_start3A_240 : memref<128x8xf32, #tpu.memory_space<vmem>>) offsets(%dma_start3A_243 : memref<128xi32, #tpu.memory_space<vmem>>) semaphore(%arg14 : memref<!tpu.dma_semaphore, #tpu.memory_space<semaphore_mem>>)
      %dma_wait3A_247 = arith.constant 0 : i32
      %dma_wait3A_248 = arith.constant 0 : i32
      %dma_wait3A_249 = arith.constant 0 : i32
      %dma_wait3A_250 = tpu.memref_slice %arg8[%dma_wait3A_247, %dma_wait3A_248, %dma_wait3A_249] : memref<4x128x8xf32, #tpu.memory_space<vmem>> -> memref<1x128x8xf32, #tpu.memory_space<vmem>>
      %dma_wait3A_251 = tpu.memref_squeeze %dma_wait3A_250 : memref<1x128x8xf32, #tpu.memory_space<vmem>> -> memref<128x8xf32, #tpu.memory_space<vmem>>
      %dma_wait3A_252 = arith.constant 0 : i32
      %dma_wait3A_253 = tpu.memref_slice %arg6[%add3A_196, %dma_wait3A_252] : memref<79x128xi32, #tpu.memory_space<vmem>> -> memref<1x128xi32, #tpu.memory_space<vmem>>
      %dma_wait3A_254 = tpu.memref_squeeze %dma_wait3A_253 : memref<1x128xi32, #tpu.memory_space<vmem>> -> memref<128xi32, #tpu.memory_space<vmem>>
      %dma_wait3A_255 = arith.constant 0 : i32
      %dma_wait3A_256 = arith.constant 0 : i32
      %dma_wait3A_257 = tpu.memref_slice %arg9[%dma_wait3A_255, %dma_wait3A_256] : memref<10000x8xf32, #tpu.memory_space<vmem_shared>> -> memref<10000x8xf32, #tpu.memory_space<vmem_shared>>
      tpu.wait_indirect_dma semaphore(%arg11 : memref<!tpu.dma_semaphore, #tpu.memory_space<semaphore_mem>>) src(%dma_wait3A_257 : memref<10000x8xf32, #tpu.memory_space<vmem_shared>>) dst(%dma_wait3A_251 : memref<128x8xf32, #tpu.memory_space<vmem>>)
      %add3A_258 = arith.constant 0 : i32
      %add3A_259 = arith.addi %mul3A_194, %add3A_258 : i32
      %dma_start3A_260 = arith.constant 0 : i32
      %dma_start3A_261 = arith.constant 0 : i32
      %dma_start3A_262 = arith.constant 0 : i32
      %dma_start3A_263 = tpu.memref_slice %arg8[%dma_start3A_260, %dma_start3A_261, %dma_start3A_262] : memref<4x128x8xf32, #tpu.memory_space<vmem>> -> memref<1x128x8xf32, #tpu.memory_space<vmem>>
      %dma_start3A_264 = tpu.memref_squeeze %dma_start3A_263 : memref<1x128x8xf32, #tpu.memory_space<vmem>> -> memref<128x8xf32, #tpu.memory_space<vmem>>
      %dma_start3A_265 = arith.constant 0 : i32
      %dma_start3A_266 = tpu.memref_slice %arg7[%add3A_259, %dma_start3A_265] : memref<79x128xi32, #tpu.memory_space<vmem>> -> memref<1x128xi32, #tpu.memory_space<vmem>>
      %dma_start3A_267 = tpu.memref_squeeze %dma_start3A_266 : memref<1x128xi32, #tpu.memory_space<vmem>> -> memref<128xi32, #tpu.memory_space<vmem>>
      %dma_start3A_268 = arith.constant 0 : i32
      %dma_start3A_269 = arith.constant 0 : i32
      %dma_start3A_270 = tpu.memref_slice %arg10[%dma_start3A_268, %dma_start3A_269] : memref<10000x8xf32, #tpu.memory_space<vmem_shared>> -> memref<10000x8xf32, #tpu.memory_space<vmem_shared>>
      tpu.enqueue_indirect_dma source(%dma_start3A_264 : memref<128x8xf32, #tpu.memory_space<vmem>>) target(%dma_start3A_270 : memref<10000x8xf32, #tpu.memory_space<vmem_shared>>) offsets(%dma_start3A_267 : memref<128xi32, #tpu.memory_space<vmem>>) semaphore(%arg15 : memref<!tpu.dma_semaphore, #tpu.memory_space<semaphore_mem>>) {add = true}
      %dma_wait3A_271 = arith.constant 1 : i32
      %dma_wait3A_272 = arith.constant 0 : i32
      %dma_wait3A_273 = arith.constant 0 : i32
      %dma_wait3A_274 = tpu.memref_slice %arg8[%dma_wait3A_271, %dma_wait3A_272, %dma_wait3A_273] : memref<4x128x8xf32, #tpu.memory_space<vmem>> -> memref<1x128x8xf32, #tpu.memory_space<vmem>>
      %dma_wait3A_275 = tpu.memref_squeeze %dma_wait3A_274 : memref<1x128x8xf32, #tpu.memory_space<vmem>> -> memref<128x8xf32, #tpu.memory_space<vmem>>
      %dma_wait3A_276 = arith.constant 0 : i32
      %dma_wait3A_277 = tpu.memref_slice %arg6[%add3A_209, %dma_wait3A_276] : memref<79x128xi32, #tpu.memory_space<vmem>> -> memref<1x128xi32, #tpu.memory_space<vmem>>
      %dma_wait3A_278 = tpu.memref_squeeze %dma_wait3A_277 : memref<1x128xi32, #tpu.memory_space<vmem>> -> memref<128xi32, #tpu.memory_space<vmem>>
      %dma_wait3A_279 = arith.constant 0 : i32
      %dma_wait3A_280 = arith.constant 0 : i32
      %dma_wait3A_281 = tpu.memref_slice %arg9[%dma_wait3A_279, %dma_wait3A_280] : memref<10000x8xf32, #tpu.memory_space<vmem_shared>> -> memref<10000x8xf32, #tpu.memory_space<vmem_shared>>
      tpu.wait_indirect_dma semaphore(%arg12 : memref<!tpu.dma_semaphore, #tpu.memory_space<semaphore_mem>>) src(%dma_wait3A_281 : memref<10000x8xf32, #tpu.memory_space<vmem_shared>>) dst(%dma_wait3A_275 : memref<128x8xf32, #tpu.memory_space<vmem>>)
      %add3A_282 = arith.constant 1 : i32
      %add3A_283 = arith.addi %mul3A_194, %add3A_282 : i32
      %dma_start3A_284 = arith.constant 1 : i32
      %dma_start3A_285 = arith.constant 0 : i32
      %dma_start3A_286 = arith.constant 0 : i32
      %dma_start3A_287 = tpu.memref_slice %arg8[%dma_start3A_284, %dma_start3A_285, %dma_start3A_286] : memref<4x128x8xf32, #tpu.memory_space<vmem>> -> memref<1x128x8xf32, #tpu.memory_space<vmem>>
      %dma_start3A_288 = tpu.memref_squeeze %dma_start3A_287 : memref<1x128x8xf32, #tpu.memory_space<vmem>> -> memref<128x8xf32, #tpu.memory_space<vmem>>
      %dma_start3A_289 = arith.constant 0 : i32
      %dma_start3A_290 = tpu.memref_slice %arg7[%add3A_283, %dma_start3A_289] : memref<79x128xi32, #tpu.memory_space<vmem>> -> memref<1x128xi32, #tpu.memory_space<vmem>>
      %dma_start3A_291 = tpu.memref_squeeze %dma_start3A_290 : memref<1x128xi32, #tpu.memory_space<vmem>> -> memref<128xi32, #tpu.memory_space<vmem>>
      %dma_start3A_292 = arith.constant 0 : i32
      %dma_start3A_293 = arith.constant 0 : i32
      %dma_start3A_294 = tpu.memref_slice %arg10[%dma_start3A_292, %dma_start3A_293] : memref<10000x8xf32, #tpu.memory_space<vmem_shared>> -> memref<10000x8xf32, #tpu.memory_space<vmem_shared>>
      tpu.enqueue_indirect_dma source(%dma_start3A_288 : memref<128x8xf32, #tpu.memory_space<vmem>>) target(%dma_start3A_294 : memref<10000x8xf32, #tpu.memory_space<vmem_shared>>) offsets(%dma_start3A_291 : memref<128xi32, #tpu.memory_space<vmem>>) semaphore(%arg16 : memref<!tpu.dma_semaphore, #tpu.memory_space<semaphore_mem>>) {add = true}
      %dma_wait3A_295 = arith.constant 2 : i32
      %dma_wait3A_296 = arith.constant 0 : i32
      %dma_wait3A_297 = arith.constant 0 : i32
      %dma_wait3A_298 = tpu.memref_slice %arg8[%dma_wait3A_295, %dma_wait3A_296, %dma_wait3A_297] : memref<4x128x8xf32, #tpu.memory_space<vmem>> -> memref<1x128x8xf32, #tpu.memory_space<vmem>>
      %dma_wait3A_299 = tpu.memref_squeeze %dma_wait3A_298 : memref<1x128x8xf32, #tpu.memory_space<vmem>> -> memref<128x8xf32, #tpu.memory_space<vmem>>
      %dma_wait3A_300 = arith.constant 0 : i32
      %dma_wait3A_301 = tpu.memref_slice %arg6[%add3A_222, %dma_wait3A_300] : memref<79x128xi32, #tpu.memory_space<vmem>> -> memref<1x128xi32, #tpu.memory_space<vmem>>
      %dma_wait3A_302 = tpu.memref_squeeze %dma_wait3A_301 : memref<1x128xi32, #tpu.memory_space<vmem>> -> memref<128xi32, #tpu.memory_space<vmem>>
      %dma_wait3A_303 = arith.constant 0 : i32
      %dma_wait3A_304 = arith.constant 0 : i32
      %dma_wait3A_305 = tpu.memref_slice %arg9[%dma_wait3A_303, %dma_wait3A_304] : memref<10000x8xf32, #tpu.memory_space<vmem_shared>> -> memref<10000x8xf32, #tpu.memory_space<vmem_shared>>
      tpu.wait_indirect_dma semaphore(%arg13 : memref<!tpu.dma_semaphore, #tpu.memory_space<semaphore_mem>>) src(%dma_wait3A_305 : memref<10000x8xf32, #tpu.memory_space<vmem_shared>>) dst(%dma_wait3A_299 : memref<128x8xf32, #tpu.memory_space<vmem>>)
      %add3A_306 = arith.constant 2 : i32
      %add3A_307 = arith.addi %mul3A_194, %add3A_306 : i32
      %dma_start3A_308 = arith.constant 2 : i32
      %dma_start3A_309 = arith.constant 0 : i32
      %dma_start3A_310 = arith.constant 0 : i32
      %dma_start3A_311 = tpu.memref_slice %arg8[%dma_start3A_308, %dma_start3A_309, %dma_start3A_310] : memref<4x128x8xf32, #tpu.memory_space<vmem>> -> memref<1x128x8xf32, #tpu.memory_space<vmem>>
      %dma_start3A_312 = tpu.memref_squeeze %dma_start3A_311 : memref<1x128x8xf32, #tpu.memory_space<vmem>> -> memref<128x8xf32, #tpu.memory_space<vmem>>
      %dma_start3A_313 = arith.constant 0 : i32
      %dma_start3A_314 = tpu.memref_slice %arg7[%add3A_307, %dma_start3A_313] : memref<79x128xi32, #tpu.memory_space<vmem>> -> memref<1x128xi32, #tpu.memory_space<vmem>>
      %dma_start3A_315 = tpu.memref_squeeze %dma_start3A_314 : memref<1x128xi32, #tpu.memory_space<vmem>> -> memref<128xi32, #tpu.memory_space<vmem>>
      %dma_start3A_316 = arith.constant 0 : i32
      %dma_start3A_317 = arith.constant 0 : i32
      %dma_start3A_318 = tpu.memref_slice %arg10[%dma_start3A_316, %dma_start3A_317] : memref<10000x8xf32, #tpu.memory_space<vmem_shared>> -> memref<10000x8xf32, #tpu.memory_space<vmem_shared>>
      tpu.enqueue_indirect_dma source(%dma_start3A_312 : memref<128x8xf32, #tpu.memory_space<vmem>>) target(%dma_start3A_318 : memref<10000x8xf32, #tpu.memory_space<vmem_shared>>) offsets(%dma_start3A_315 : memref<128xi32, #tpu.memory_space<vmem>>) semaphore(%arg17 : memref<!tpu.dma_semaphore, #tpu.memory_space<semaphore_mem>>) {add = true}
      %dma_wait3A_319 = arith.constant 3 : i32
      %dma_wait3A_320 = arith.constant 0 : i32
      %dma_wait3A_321 = arith.constant 0 : i32
      %dma_wait3A_322 = tpu.memref_slice %arg8[%dma_wait3A_319, %dma_wait3A_320, %dma_wait3A_321] : memref<4x128x8xf32, #tpu.memory_space<vmem>> -> memref<1x128x8xf32, #tpu.memory_space<vmem>>
      %dma_wait3A_323 = tpu.memref_squeeze %dma_wait3A_322 : memref<1x128x8xf32, #tpu.memory_space<vmem>> -> memref<128x8xf32, #tpu.memory_space<vmem>>
      %dma_wait3A_324 = arith.constant 0 : i32
      %dma_wait3A_325 = tpu.memref_slice %arg6[%add3A_235, %dma_wait3A_324] : memref<79x128xi32, #tpu.memory_space<vmem>> -> memref<1x128xi32, #tpu.memory_space<vmem>>
      %dma_wait3A_326 = tpu.memref_squeeze %dma_wait3A_325 : memref<1x128xi32, #tpu.memory_space<vmem>> -> memref<128xi32, #tpu.memory_space<vmem>>
      %dma_wait3A_327 = arith.constant 0 : i32
      %dma_wait3A_328 = arith.constant 0 : i32
      %dma_wait3A_329 = tpu.memref_slice %arg9[%dma_wait3A_327, %dma_wait3A_328] : memref<10000x8xf32, #tpu.memory_space<vmem_shared>> -> memref<10000x8xf32, #tpu.memory_space<vmem_shared>>
      tpu.wait_indirect_dma semaphore(%arg14 : memref<!tpu.dma_semaphore, #tpu.memory_space<semaphore_mem>>) src(%dma_wait3A_329 : memref<10000x8xf32, #tpu.memory_space<vmem_shared>>) dst(%dma_wait3A_323 : memref<128x8xf32, #tpu.memory_space<vmem>>)
      %add3A_330 = arith.constant 3 : i32
      %add3A_331 = arith.addi %mul3A_194, %add3A_330 : i32
      %dma_start3A_332 = arith.constant 3 : i32
      %dma_start3A_333 = arith.constant 0 : i32
      %dma_start3A_334 = arith.constant 0 : i32
      %dma_start3A_335 = tpu.memref_slice %arg8[%dma_start3A_332, %dma_start3A_333, %dma_start3A_334] : memref<4x128x8xf32, #tpu.memory_space<vmem>> -> memref<1x128x8xf32, #tpu.memory_space<vmem>>
      %dma_start3A_336 = tpu.memref_squeeze %dma_start3A_335 : memref<1x128x8xf32, #tpu.memory_space<vmem>> -> memref<128x8xf32, #tpu.memory_space<vmem>>
      %dma_start3A_337 = arith.constant 0 : i32
      %dma_start3A_338 = tpu.memref_slice %arg7[%add3A_331, %dma_start3A_337] : memref<79x128xi32, #tpu.memory_space<vmem>> -> memref<1x128xi32, #tpu.memory_space<vmem>>
      %dma_start3A_339 = tpu.memref_squeeze %dma_start3A_338 : memref<1x128xi32, #tpu.memory_space<vmem>> -> memref<128xi32, #tpu.memory_space<vmem>>
      %dma_start3A_340 = arith.constant 0 : i32
      %dma_start3A_341 = arith.constant 0 : i32
      %dma_start3A_342 = tpu.memref_slice %arg10[%dma_start3A_340, %dma_start3A_341] : memref<10000x8xf32, #tpu.memory_space<vmem_shared>> -> memref<10000x8xf32, #tpu.memory_space<vmem_shared>>
      tpu.enqueue_indirect_dma source(%dma_start3A_336 : memref<128x8xf32, #tpu.memory_space<vmem>>) target(%dma_start3A_342 : memref<10000x8xf32, #tpu.memory_space<vmem_shared>>) offsets(%dma_start3A_339 : memref<128xi32, #tpu.memory_space<vmem>>) semaphore(%arg18 : memref<!tpu.dma_semaphore, #tpu.memory_space<semaphore_mem>>) {add = true}
      %dma_wait3A_343 = arith.constant 0 : i32
      %dma_wait3A_344 = arith.constant 0 : i32
      %dma_wait3A_345 = arith.constant 0 : i32
      %dma_wait3A_346 = tpu.memref_slice %arg8[%dma_wait3A_343, %dma_wait3A_344, %dma_wait3A_345] : memref<4x128x8xf32, #tpu.memory_space<vmem>> -> memref<1x128x8xf32, #tpu.memory_space<vmem>>
      %dma_wait3A_347 = tpu.memref_squeeze %dma_wait3A_346 : memref<1x128x8xf32, #tpu.memory_space<vmem>> -> memref<128x8xf32, #tpu.memory_space<vmem>>
      %dma_wait3A_348 = arith.constant 0 : i32
      %dma_wait3A_349 = tpu.memref_slice %arg7[%add3A_259, %dma_wait3A_348] : memref<79x128xi32, #tpu.memory_space<vmem>> -> memref<1x128xi32, #tpu.memory_space<vmem>>
      %dma_wait3A_350 = tpu.memref_squeeze %dma_wait3A_349 : memref<1x128xi32, #tpu.memory_space<vmem>> -> memref<128xi32, #tpu.memory_space<vmem>>
      %dma_wait3A_351 = arith.constant 0 : i32
      %dma_wait3A_352 = arith.constant 0 : i32
      %dma_wait3A_353 = tpu.memref_slice %arg10[%dma_wait3A_351, %dma_wait3A_352] : memref<10000x8xf32, #tpu.memory_space<vmem_shared>> -> memref<10000x8xf32, #tpu.memory_space<vmem_shared>>
      tpu.wait_indirect_dma semaphore(%arg15 : memref<!tpu.dma_semaphore, #tpu.memory_space<semaphore_mem>>) src(%dma_wait3A_347 : memref<128x8xf32, #tpu.memory_space<vmem>>) dst(%dma_wait3A_353 : memref<10000x8xf32, #tpu.memory_space<vmem_shared>>)
      %dma_wait3A_354 = arith.constant 1 : i32
      %dma_wait3A_355 = arith.constant 0 : i32
      %dma_wait3A_356 = arith.constant 0 : i32
      %dma_wait3A_357 = tpu.memref_slice %arg8[%dma_wait3A_354, %dma_wait3A_355, %dma_wait3A_356] : memref<4x128x8xf32, #tpu.memory_space<vmem>> -> memref<1x128x8xf32, #tpu.memory_space<vmem>>
      %dma_wait3A_358 = tpu.memref_squeeze %dma_wait3A_357 : memref<1x128x8xf32, #tpu.memory_space<vmem>> -> memref<128x8xf32, #tpu.memory_space<vmem>>
      %dma_wait3A_359 = arith.constant 0 : i32
      %dma_wait3A_360 = tpu.memref_slice %arg7[%add3A_283, %dma_wait3A_359] : memref<79x128xi32, #tpu.memory_space<vmem>> -> memref<1x128xi32, #tpu.memory_space<vmem>>
      %dma_wait3A_361 = tpu.memref_squeeze %dma_wait3A_360 : memref<1x128xi32, #tpu.memory_space<vmem>> -> memref<128xi32, #tpu.memory_space<vmem>>
      %dma_wait3A_362 = arith.constant 0 : i32
      %dma_wait3A_363 = arith.constant 0 : i32
      %dma_wait3A_364 = tpu.memref_slice %arg10[%dma_wait3A_362, %dma_wait3A_363] : memref<10000x8xf32, #tpu.memory_space<vmem_shared>> -> memref<10000x8xf32, #tpu.memory_space<vmem_shared>>
      tpu.wait_indirect_dma semaphore(%arg16 : memref<!tpu.dma_semaphore, #tpu.memory_space<semaphore_mem>>) src(%dma_wait3A_358 : memref<128x8xf32, #tpu.memory_space<vmem>>) dst(%dma_wait3A_364 : memref<10000x8xf32, #tpu.memory_space<vmem_shared>>)
      %dma_wait3A_365 = arith.constant 2 : i32
      %dma_wait3A_366 = arith.constant 0 : i32
      %dma_wait3A_367 = arith.constant 0 : i32
      %dma_wait3A_368 = tpu.memref_slice %arg8[%dma_wait3A_365, %dma_wait3A_366, %dma_wait3A_367] : memref<4x128x8xf32, #tpu.memory_space<vmem>> -> memref<1x128x8xf32, #tpu.memory_space<vmem>>
      %dma_wait3A_369 = tpu.memref_squeeze %dma_wait3A_368 : memref<1x128x8xf32, #tpu.memory_space<vmem>> -> memref<128x8xf32, #tpu.memory_space<vmem>>
      %dma_wait3A_370 = arith.constant 0 : i32
      %dma_wait3A_371 = tpu.memref_slice %arg7[%add3A_307, %dma_wait3A_370] : memref<79x128xi32, #tpu.memory_space<vmem>> -> memref<1x128xi32, #tpu.memory_space<vmem>>
      %dma_wait3A_372 = tpu.memref_squeeze %dma_wait3A_371 : memref<1x128xi32, #tpu.memory_space<vmem>> -> memref<128xi32, #tpu.memory_space<vmem>>
      %dma_wait3A_373 = arith.constant 0 : i32
      %dma_wait3A_374 = arith.constant 0 : i32
      %dma_wait3A_375 = tpu.memref_slice %arg10[%dma_wait3A_373, %dma_wait3A_374] : memref<10000x8xf32, #tpu.memory_space<vmem_shared>> -> memref<10000x8xf32, #tpu.memory_space<vmem_shared>>
      tpu.wait_indirect_dma semaphore(%arg17 : memref<!tpu.dma_semaphore, #tpu.memory_space<semaphore_mem>>) src(%dma_wait3A_369 : memref<128x8xf32, #tpu.memory_space<vmem>>) dst(%dma_wait3A_375 : memref<10000x8xf32, #tpu.memory_space<vmem_shared>>)
      %dma_wait3A_376 = arith.constant 3 : i32
      %dma_wait3A_377 = arith.constant 0 : i32
      %dma_wait3A_378 = arith.constant 0 : i32
      %dma_wait3A_379 = tpu.memref_slice %arg8[%dma_wait3A_376, %dma_wait3A_377, %dma_wait3A_378] : memref<4x128x8xf32, #tpu.memory_space<vmem>> -> memref<1x128x8xf32, #tpu.memory_space<vmem>>
      %dma_wait3A_380 = tpu.memref_squeeze %dma_wait3A_379 : memref<1x128x8xf32, #tpu.memory_space<vmem>> -> memref<128x8xf32, #tpu.memory_space<vmem>>
      %dma_wait3A_381 = arith.constant 0 : i32
      %dma_wait3A_382 = tpu.memref_slice %arg7[%add3A_331, %dma_wait3A_381] : memref<79x128xi32, #tpu.memory_space<vmem>> -> memref<1x128xi32, #tpu.memory_space<vmem>>
      %dma_wait3A_383 = tpu.memref_squeeze %dma_wait3A_382 : memref<1x128xi32, #tpu.memory_space<vmem>> -> memref<128xi32, #tpu.memory_space<vmem>>
      %dma_wait3A_384 = arith.constant 0 : i32
      %dma_wait3A_385 = arith.constant 0 : i32
      %dma_wait3A_386 = tpu.memref_slice %arg10[%dma_wait3A_384, %dma_wait3A_385] : memref<10000x8xf32, #tpu.memory_space<vmem_shared>> -> memref<10000x8xf32, #tpu.memory_space<vmem_shared>>
      tpu.wait_indirect_dma semaphore(%arg18 : memref<!tpu.dma_semaphore, #tpu.memory_space<semaphore_mem>>) src(%dma_wait3A_380 : memref<128x8xf32, #tpu.memory_space<vmem>>) dst(%dma_wait3A_386 : memref<10000x8xf32, #tpu.memory_space<vmem_shared>>)
    }
    %scan3A_85 = arith.constant 19 : i32
    %dma_start3A_86 = arith.constant 76 : i32
    %dma_start3A_87 = arith.constant 0 : i32
    %dma_start3A_88 = arith.constant 0 : i32
    %dma_start3A_89 = arith.constant 0 : i32
    %dma_start3A_90 = tpu.memref_slice %arg8[%dma_start3A_87, %dma_start3A_88, %dma_start3A_89] : memref<4x128x8xf32, #tpu.memory_space<vmem>> -> memref<1x128x8xf32, #tpu.memory_space<vmem>>
    %dma_start3A_91 = tpu.memref_squeeze %dma_start3A_90 : memref<1x128x8xf32, #tpu.memory_space<vmem>> -> memref<128x8xf32, #tpu.memory_space<vmem>>
    %dma_start3A_92 = arith.constant 0 : i32
    %dma_start3A_93 = tpu.memref_slice %arg6[%dma_start3A_86, %dma_start3A_92] : memref<79x128xi32, #tpu.memory_space<vmem>> -> memref<1x128xi32, #tpu.memory_space<vmem>>
    %dma_start3A_94 = tpu.memref_squeeze %dma_start3A_93 : memref<1x128xi32, #tpu.memory_space<vmem>> -> memref<128xi32, #tpu.memory_space<vmem>>
    %dma_start3A_95 = arith.constant 0 : i32
    %dma_start3A_96 = arith.constant 0 : i32
    %dma_start3A_97 = tpu.memref_slice %arg9[%dma_start3A_95, %dma_start3A_96] : memref<10000x8xf32, #tpu.memory_space<vmem_shared>> -> memref<10000x8xf32, #tpu.memory_space<vmem_shared>>
    tpu.enqueue_indirect_dma source(%dma_start3A_97 : memref<10000x8xf32, #tpu.memory_space<vmem_shared>>) target(%dma_start3A_91 : memref<128x8xf32, #tpu.memory_space<vmem>>) offsets(%dma_start3A_94 : memref<128xi32, #tpu.memory_space<vmem>>) semaphore(%arg11 : memref<!tpu.dma_semaphore, #tpu.memory_space<semaphore_mem>>)
    %dma_start3A_98 = arith.constant 77 : i32
    %dma_start3A_99 = arith.constant 1 : i32
    %dma_start3A_100 = arith.constant 0 : i32
    %dma_start3A_101 = arith.constant 0 : i32
    %dma_start3A_102 = tpu.memref_slice %arg8[%dma_start3A_99, %dma_start3A_100, %dma_start3A_101] : memref<4x128x8xf32, #tpu.memory_space<vmem>> -> memref<1x128x8xf32, #tpu.memory_space<vmem>>
    %dma_start3A_103 = tpu.memref_squeeze %dma_start3A_102 : memref<1x128x8xf32, #tpu.memory_space<vmem>> -> memref<128x8xf32, #tpu.memory_space<vmem>>
    %dma_start3A_104 = arith.constant 0 : i32
    %dma_start3A_105 = tpu.memref_slice %arg6[%dma_start3A_98, %dma_start3A_104] : memref<79x128xi32, #tpu.memory_space<vmem>> -> memref<1x128xi32, #tpu.memory_space<vmem>>
    %dma_start3A_106 = tpu.memref_squeeze %dma_start3A_105 : memref<1x128xi32, #tpu.memory_space<vmem>> -> memref<128xi32, #tpu.memory_space<vmem>>
    %dma_start3A_107 = arith.constant 0 : i32
    %dma_start3A_108 = arith.constant 0 : i32
    %dma_start3A_109 = tpu.memref_slice %arg9[%dma_start3A_107, %dma_start3A_108] : memref<10000x8xf32, #tpu.memory_space<vmem_shared>> -> memref<10000x8xf32, #tpu.memory_space<vmem_shared>>
    tpu.enqueue_indirect_dma source(%dma_start3A_109 : memref<10000x8xf32, #tpu.memory_space<vmem_shared>>) target(%dma_start3A_103 : memref<128x8xf32, #tpu.memory_space<vmem>>) offsets(%dma_start3A_106 : memref<128xi32, #tpu.memory_space<vmem>>) semaphore(%arg12 : memref<!tpu.dma_semaphore, #tpu.memory_space<semaphore_mem>>)
    %dma_wait3A_110 = arith.constant 76 : i32
    %dma_wait3A_111 = arith.constant 0 : i32
    %dma_wait3A_112 = arith.constant 0 : i32
    %dma_wait3A_113 = arith.constant 0 : i32
    %dma_wait3A_114 = tpu.memref_slice %arg8[%dma_wait3A_111, %dma_wait3A_112, %dma_wait3A_113] : memref<4x128x8xf32, #tpu.memory_space<vmem>> -> memref<1x128x8xf32, #tpu.memory_space<vmem>>
    %dma_wait3A_115 = tpu.memref_squeeze %dma_wait3A_114 : memref<1x128x8xf32, #tpu.memory_space<vmem>> -> memref<128x8xf32, #tpu.memory_space<vmem>>
    %dma_wait3A_116 = arith.constant 0 : i32
    %dma_wait3A_117 = tpu.memref_slice %arg6[%dma_wait3A_110, %dma_wait3A_116] : memref<79x128xi32, #tpu.memory_space<vmem>> -> memref<1x128xi32, #tpu.memory_space<vmem>>
    %dma_wait3A_118 = tpu.memref_squeeze %dma_wait3A_117 : memref<1x128xi32, #tpu.memory_space<vmem>> -> memref<128xi32, #tpu.memory_space<vmem>>
    %dma_wait3A_119 = arith.constant 0 : i32
    %dma_wait3A_120 = arith.constant 0 : i32
    %dma_wait3A_121 = tpu.memref_slice %arg9[%dma_wait3A_119, %dma_wait3A_120] : memref<10000x8xf32, #tpu.memory_space<vmem_shared>> -> memref<10000x8xf32, #tpu.memory_space<vmem_shared>>
    tpu.wait_indirect_dma semaphore(%arg11 : memref<!tpu.dma_semaphore, #tpu.memory_space<semaphore_mem>>) src(%dma_wait3A_121 : memref<10000x8xf32, #tpu.memory_space<vmem_shared>>) dst(%dma_wait3A_115 : memref<128x8xf32, #tpu.memory_space<vmem>>)
    %dma_start3A_122 = arith.constant 0 : i32
    %dma_start3A_123 = arith.constant 76 : i32
    %dma_start3A_124 = arith.constant 0 : i32
    %dma_start3A_125 = arith.constant 0 : i32
    %dma_start3A_126 = tpu.memref_slice %arg8[%dma_start3A_122, %dma_start3A_124, %dma_start3A_125] : memref<4x128x8xf32, #tpu.memory_space<vmem>> -> memref<1x128x8xf32, #tpu.memory_space<vmem>>
    %dma_start3A_127 = tpu.memref_squeeze %dma_start3A_126 : memref<1x128x8xf32, #tpu.memory_space<vmem>> -> memref<128x8xf32, #tpu.memory_space<vmem>>
    %dma_start3A_128 = arith.constant 0 : i32
    %dma_start3A_129 = tpu.memref_slice %arg7[%dma_start3A_123, %dma_start3A_128] : memref<79x128xi32, #tpu.memory_space<vmem>> -> memref<1x128xi32, #tpu.memory_space<vmem>>
    %dma_start3A_130 = tpu.memref_squeeze %dma_start3A_129 : memref<1x128xi32, #tpu.memory_space<vmem>> -> memref<128xi32, #tpu.memory_space<vmem>>
    %dma_start3A_131 = arith.constant 0 : i32
    %dma_start3A_132 = arith.constant 0 : i32
    %dma_start3A_133 = tpu.memref_slice %arg10[%dma_start3A_131, %dma_start3A_132] : memref<10000x8xf32, #tpu.memory_space<vmem_shared>> -> memref<10000x8xf32, #tpu.memory_space<vmem_shared>>
    tpu.enqueue_indirect_dma source(%dma_start3A_127 : memref<128x8xf32, #tpu.memory_space<vmem>>) target(%dma_start3A_133 : memref<10000x8xf32, #tpu.memory_space<vmem_shared>>) offsets(%dma_start3A_130 : memref<128xi32, #tpu.memory_space<vmem>>) semaphore(%arg15 : memref<!tpu.dma_semaphore, #tpu.memory_space<semaphore_mem>>) {add = true}
    %dma_wait3A_134 = arith.constant 77 : i32
    %dma_wait3A_135 = arith.constant 1 : i32
    %dma_wait3A_136 = arith.constant 0 : i32
    %dma_wait3A_137 = arith.constant 0 : i32
    %dma_wait3A_138 = tpu.memref_slice %arg8[%dma_wait3A_135, %dma_wait3A_136, %dma_wait3A_137] : memref<4x128x8xf32, #tpu.memory_space<vmem>> -> memref<1x128x8xf32, #tpu.memory_space<vmem>>
    %dma_wait3A_139 = tpu.memref_squeeze %dma_wait3A_138 : memref<1x128x8xf32, #tpu.memory_space<vmem>> -> memref<128x8xf32, #tpu.memory_space<vmem>>
    %dma_wait3A_140 = arith.constant 0 : i32
    %dma_wait3A_141 = tpu.memref_slice %arg6[%dma_wait3A_134, %dma_wait3A_140] : memref<79x128xi32, #tpu.memory_space<vmem>> -> memref<1x128xi32, #tpu.memory_space<vmem>>
    %dma_wait3A_142 = tpu.memref_squeeze %dma_wait3A_141 : memref<1x128xi32, #tpu.memory_space<vmem>> -> memref<128xi32, #tpu.memory_space<vmem>>
    %dma_wait3A_143 = arith.constant 0 : i32
    %dma_wait3A_144 = arith.constant 0 : i32
    %dma_wait3A_145 = tpu.memref_slice %arg9[%dma_wait3A_143, %dma_wait3A_144] : memref<10000x8xf32, #tpu.memory_space<vmem_shared>> -> memref<10000x8xf32, #tpu.memory_space<vmem_shared>>
    tpu.wait_indirect_dma semaphore(%arg12 : memref<!tpu.dma_semaphore, #tpu.memory_space<semaphore_mem>>) src(%dma_wait3A_145 : memref<10000x8xf32, #tpu.memory_space<vmem_shared>>) dst(%dma_wait3A_139 : memref<128x8xf32, #tpu.memory_space<vmem>>)
    %dma_start3A_146 = arith.constant 1 : i32
    %dma_start3A_147 = arith.constant 77 : i32
    %dma_start3A_148 = arith.constant 0 : i32
    %dma_start3A_149 = arith.constant 0 : i32
    %dma_start3A_150 = tpu.memref_slice %arg8[%dma_start3A_146, %dma_start3A_148, %dma_start3A_149] : memref<4x128x8xf32, #tpu.memory_space<vmem>> -> memref<1x128x8xf32, #tpu.memory_space<vmem>>
    %dma_start3A_151 = tpu.memref_squeeze %dma_start3A_150 : memref<1x128x8xf32, #tpu.memory_space<vmem>> -> memref<128x8xf32, #tpu.memory_space<vmem>>
    %dma_start3A_152 = arith.constant 0 : i32
    %dma_start3A_153 = tpu.memref_slice %arg7[%dma_start3A_147, %dma_start3A_152] : memref<79x128xi32, #tpu.memory_space<vmem>> -> memref<1x128xi32, #tpu.memory_space<vmem>>
    %dma_start3A_154 = tpu.memref_squeeze %dma_start3A_153 : memref<1x128xi32, #tpu.memory_space<vmem>> -> memref<128xi32, #tpu.memory_space<vmem>>
    %dma_start3A_155 = arith.constant 0 : i32
    %dma_start3A_156 = arith.constant 0 : i32
    %dma_start3A_157 = tpu.memref_slice %arg10[%dma_start3A_155, %dma_start3A_156] : memref<10000x8xf32, #tpu.memory_space<vmem_shared>> -> memref<10000x8xf32, #tpu.memory_space<vmem_shared>>
    tpu.enqueue_indirect_dma source(%dma_start3A_151 : memref<128x8xf32, #tpu.memory_space<vmem>>) target(%dma_start3A_157 : memref<10000x8xf32, #tpu.memory_space<vmem_shared>>) offsets(%dma_start3A_154 : memref<128xi32, #tpu.memory_space<vmem>>) semaphore(%arg16 : memref<!tpu.dma_semaphore, #tpu.memory_space<semaphore_mem>>) {add = true}
    %dma_wait3A_158 = arith.constant 0 : i32
    %dma_wait3A_159 = arith.constant 76 : i32
    %dma_wait3A_160 = arith.constant 0 : i32
    %dma_wait3A_161 = arith.constant 0 : i32
    %dma_wait3A_162 = tpu.memref_slice %arg8[%dma_wait3A_158, %dma_wait3A_160, %dma_wait3A_161] : memref<4x128x8xf32, #tpu.memory_space<vmem>> -> memref<1x128x8xf32, #tpu.memory_space<vmem>>
    %dma_wait3A_163 = tpu.memref_squeeze %dma_wait3A_162 : memref<1x128x8xf32, #tpu.memory_space<vmem>> -> memref<128x8xf32, #tpu.memory_space<vmem>>
    %dma_wait3A_164 = arith.constant 0 : i32
    %dma_wait3A_165 = tpu.memref_slice %arg7[%dma_wait3A_159, %dma_wait3A_164] : memref<79x128xi32, #tpu.memory_space<vmem>> -> memref<1x128xi32, #tpu.memory_space<vmem>>
    %dma_wait3A_166 = tpu.memref_squeeze %dma_wait3A_165 : memref<1x128xi32, #tpu.memory_space<vmem>> -> memref<128xi32, #tpu.memory_space<vmem>>
    %dma_wait3A_167 = arith.constant 0 : i32
    %dma_wait3A_168 = arith.constant 0 : i32
    %dma_wait3A_169 = tpu.memref_slice %arg10[%dma_wait3A_167, %dma_wait3A_168] : memref<10000x8xf32, #tpu.memory_space<vmem_shared>> -> memref<10000x8xf32, #tpu.memory_space<vmem_shared>>
    tpu.wait_indirect_dma semaphore(%arg15 : memref<!tpu.dma_semaphore, #tpu.memory_space<semaphore_mem>>) src(%dma_wait3A_163 : memref<128x8xf32, #tpu.memory_space<vmem>>) dst(%dma_wait3A_169 : memref<10000x8xf32, #tpu.memory_space<vmem_shared>>)
    %dma_wait3A_170 = arith.constant 1 : i32
    %dma_wait3A_171 = arith.constant 77 : i32
    %dma_wait3A_172 = arith.constant 0 : i32
    %dma_wait3A_173 = arith.constant 0 : i32
    %dma_wait3A_174 = tpu.memref_slice %arg8[%dma_wait3A_170, %dma_wait3A_172, %dma_wait3A_173] : memref<4x128x8xf32, #tpu.memory_space<vmem>> -> memref<1x128x8xf32, #tpu.memory_space<vmem>>
    %dma_wait3A_175 = tpu.memref_squeeze %dma_wait3A_174 : memref<1x128x8xf32, #tpu.memory_space<vmem>> -> memref<128x8xf32, #tpu.memory_space<vmem>>
    %dma_wait3A_176 = arith.constant 0 : i32
    %dma_wait3A_177 = tpu.memref_slice %arg7[%dma_wait3A_171, %dma_wait3A_176] : memref<79x128xi32, #tpu.memory_space<vmem>> -> memref<1x128xi32, #tpu.memory_space<vmem>>
    %dma_wait3A_178 = tpu.memref_squeeze %dma_wait3A_177 : memref<1x128xi32, #tpu.memory_space<vmem>> -> memref<128xi32, #tpu.memory_space<vmem>>
    %dma_wait3A_179 = arith.constant 0 : i32
    %dma_wait3A_180 = arith.constant 0 : i32
    %dma_wait3A_181 = tpu.memref_slice %arg10[%dma_wait3A_179, %dma_wait3A_180] : memref<10000x8xf32, #tpu.memory_space<vmem_shared>> -> memref<10000x8xf32, #tpu.memory_space<vmem_shared>>
    tpu.wait_indirect_dma semaphore(%arg16 : memref<!tpu.dma_semaphore, #tpu.memory_space<semaphore_mem>>) src(%dma_wait3A_175 : memref<128x8xf32, #tpu.memory_space<vmem>>) dst(%dma_wait3A_181 : memref<10000x8xf32, #tpu.memory_space<vmem_shared>>)
    %lt3A_182 = arith.constant 4 : i32
    %lt3A_183 = arith.cmpi slt, %add3A, %lt3A_182 : i32
    %convert_element_type3A_184 = arith.extui %lt3A_183 : i1 to i32
    %cond3A_185 = arith.constant 0 : i32
    %cond3A_186 = arith.cmpi ne, %convert_element_type3A_184, %cond3A_185 : i32
    scf.if %cond3A_186 {
      %dma_start3A_192 = arith.constant 78 : i32
      %dma_start3A_193 = arith.constant 2 : i32
      %dma_start3A_194 = arith.constant 0 : i32
      %dma_start3A_195 = arith.constant 0 : i32
      %dma_start3A_196 = tpu.memref_slice %arg8[%dma_start3A_193, %dma_start3A_194, %dma_start3A_195] : memref<4x128x8xf32, #tpu.memory_space<vmem>> -> memref<1x128x8xf32, #tpu.memory_space<vmem>>
      %dma_start3A_197 = tpu.memref_squeeze %dma_start3A_196 : memref<1x128x8xf32, #tpu.memory_space<vmem>> -> memref<128x8xf32, #tpu.memory_space<vmem>>
      %dma_start3A_198 = arith.constant 0 : i32
      %dma_start3A_199 = tpu.memref_slice %arg6[%dma_start3A_192, %dma_start3A_198] : memref<79x128xi32, #tpu.memory_space<vmem>> -> memref<1x128xi32, #tpu.memory_space<vmem>>
      %dma_start3A_200 = tpu.memref_squeeze %dma_start3A_199 : memref<1x128xi32, #tpu.memory_space<vmem>> -> memref<128xi32, #tpu.memory_space<vmem>>
      %dma_start3A_201 = arith.constant 0 : i32
      %dma_start3A_202 = arith.constant 0 : i32
      %dma_start3A_203 = tpu.memref_slice %arg9[%dma_start3A_201, %dma_start3A_202] : memref<10000x8xf32, #tpu.memory_space<vmem_shared>> -> memref<10000x8xf32, #tpu.memory_space<vmem_shared>>
      tpu.enqueue_indirect_dma source(%dma_start3A_203 : memref<10000x8xf32, #tpu.memory_space<vmem_shared>>) target(%dma_start3A_197 : memref<128x8xf32, #tpu.memory_space<vmem>>) offsets(%dma_start3A_200 : memref<128xi32, #tpu.memory_space<vmem>>) semaphore(%arg13 : memref<!tpu.dma_semaphore, #tpu.memory_space<semaphore_mem>>)
      %dma_wait3A_204 = arith.constant 78 : i32
      %dma_wait3A_205 = arith.constant 2 : i32
      %dma_wait3A_206 = arith.constant 0 : i32
      %dma_wait3A_207 = arith.constant 0 : i32
      %dma_wait3A_208 = tpu.memref_slice %arg8[%dma_wait3A_205, %dma_wait3A_206, %dma_wait3A_207] : memref<4x128x8xf32, #tpu.memory_space<vmem>> -> memref<1x128x8xf32, #tpu.memory_space<vmem>>
      %dma_wait3A_209 = tpu.memref_squeeze %dma_wait3A_208 : memref<1x128x8xf32, #tpu.memory_space<vmem>> -> memref<128x8xf32, #tpu.memory_space<vmem>>
      %dma_wait3A_210 = arith.constant 0 : i32
      %dma_wait3A_211 = tpu.memref_slice %arg6[%dma_wait3A_204, %dma_wait3A_210] : memref<79x128xi32, #tpu.memory_space<vmem>> -> memref<1x128xi32, #tpu.memory_space<vmem>>
      %dma_wait3A_212 = tpu.memref_squeeze %dma_wait3A_211 : memref<1x128xi32, #tpu.memory_space<vmem>> -> memref<128xi32, #tpu.memory_space<vmem>>
      %dma_wait3A_213 = arith.constant 0 : i32
      %dma_wait3A_214 = arith.constant 0 : i32
      %dma_wait3A_215 = tpu.memref_slice %arg9[%dma_wait3A_213, %dma_wait3A_214] : memref<10000x8xf32, #tpu.memory_space<vmem_shared>> -> memref<10000x8xf32, #tpu.memory_space<vmem_shared>>
      tpu.wait_indirect_dma semaphore(%arg13 : memref<!tpu.dma_semaphore, #tpu.memory_space<semaphore_mem>>) src(%dma_wait3A_215 : memref<10000x8xf32, #tpu.memory_space<vmem_shared>>) dst(%dma_wait3A_209 : memref<128x8xf32, #tpu.memory_space<vmem>>)
      %run_scoped3A = arith.constant 2 : i32
      %run_scoped3A_216 = arith.constant 78 : i32
      "tpu.region"() ({
        %run_scoped3A_217 = tpu.sem_alloc : memref<!tpu.dma_semaphore, #tpu.memory_space<semaphore_mem>>
        %dma_start3A_218 = arith.constant 0 : i32
        %dma_start3A_219 = arith.constant 0 : i32
        %dma_start3A_220 = tpu.memref_slice %arg8[%run_scoped3A, %dma_start3A_218, %dma_start3A_219] : memref<4x128x8xf32, #tpu.memory_space<vmem>> -> memref<1x128x8xf32, #tpu.memory_space<vmem>>
        %dma_start3A_221 = tpu.memref_squeeze %dma_start3A_220 : memref<1x128x8xf32, #tpu.memory_space<vmem>> -> memref<128x8xf32, #tpu.memory_space<vmem>>
        %dma_start3A_222 = arith.constant 0 : i32
        %dma_start3A_223 = tpu.memref_slice %arg7[%run_scoped3A_216, %dma_start3A_222] : memref<79x128xi32, #tpu.memory_space<vmem>> -> memref<1x128xi32, #tpu.memory_space<vmem>>
        %dma_start3A_224 = tpu.memref_squeeze %dma_start3A_223 : memref<1x128xi32, #tpu.memory_space<vmem>> -> memref<128xi32, #tpu.memory_space<vmem>>
        %dma_start3A_225 = arith.constant 0 : i32
        %dma_start3A_226 = arith.constant 0 : i32
        %dma_start3A_227 = tpu.memref_slice %arg10[%dma_start3A_225, %dma_start3A_226] : memref<10000x8xf32, #tpu.memory_space<vmem_shared>> -> memref<10000x8xf32, #tpu.memory_space<vmem_shared>>
        tpu.enqueue_indirect_dma source(%dma_start3A_221 : memref<128x8xf32, #tpu.memory_space<vmem>>) target(%dma_start3A_227 : memref<10000x8xf32, #tpu.memory_space<vmem_shared>>) offsets(%dma_start3A_224 : memref<128xi32, #tpu.memory_space<vmem>>) semaphore(%run_scoped3A_217 : memref<!tpu.dma_semaphore, #tpu.memory_space<semaphore_mem>>) {add = true}
        %dma_wait3A_228 = arith.constant 0 : i32
        %dma_wait3A_229 = arith.constant 0 : i32
        %dma_wait3A_230 = tpu.memref_slice %arg8[%run_scoped3A, %dma_wait3A_228, %dma_wait3A_229] : memref<4x128x8xf32, #tpu.memory_space<vmem>> -> memref<1x128x8xf32, #tpu.memory_space<vmem>>
        %dma_wait3A_231 = tpu.memref_squeeze %dma_wait3A_230 : memref<1x128x8xf32, #tpu.memory_space<vmem>> -> memref<128x8xf32, #tpu.memory_space<vmem>>
        %dma_wait3A_232 = arith.constant 0 : i32
        %dma_wait3A_233 = tpu.memref_slice %arg7[%run_scoped3A_216, %dma_wait3A_232] : memref<79x128xi32, #tpu.memory_space<vmem>> -> memref<1x128xi32, #tpu.memory_space<vmem>>
        %dma_wait3A_234 = tpu.memref_squeeze %dma_wait3A_233 : memref<1x128xi32, #tpu.memory_space<vmem>> -> memref<128xi32, #tpu.memory_space<vmem>>
        %dma_wait3A_235 = arith.constant 0 : i32
        %dma_wait3A_236 = arith.constant 0 : i32
        %dma_wait3A_237 = tpu.memref_slice %arg10[%dma_wait3A_235, %dma_wait3A_236] : memref<10000x8xf32, #tpu.memory_space<vmem_shared>> -> memref<10000x8xf32, #tpu.memory_space<vmem_shared>>
        tpu.wait_indirect_dma semaphore(%run_scoped3A_217 : memref<!tpu.dma_semaphore, #tpu.memory_space<semaphore_mem>>) src(%dma_wait3A_231 : memref<128x8xf32, #tpu.memory_space<vmem>>) dst(%dma_wait3A_237 : memref<10000x8xf32, #tpu.memory_space<vmem_shared>>)
        tpu.yield
      }) : () -> ()
    } else {
    }
    %barrier3A_187 = arith.constant 0 : index
    tpu.barrier barrier_id(%barrier3A_187)
    %mul3A_188 = arith.constant 625 : i32
    %mul3A_189 = arith.muli %arg1, %mul3A_188 : i32
    %mul3A_190 = arith.constant 625 : i32
    %mul3A_191 = arith.muli %arg1, %mul3A_190 : i32
    "tpu.region"() ({
      %run_scoped3A = tpu.sem_alloc : memref<!tpu.dma_semaphore, #tpu.memory_space<semaphore_mem>>
      %dma_start3A_192 = arith.constant 0 : i32
      %dma_start3A_193 = tpu.memref_slice %arg5[%arg0, %mul3A_191, %dma_start3A_192] : memref<2x10000x8xf32, #tpu.memory_space<hbm>> -> memref<1x625x8xf32, #tpu.memory_space<hbm>>
      %dma_start3A_194 = tpu.memref_squeeze %dma_start3A_193 : memref<1x625x8xf32, #tpu.memory_space<hbm>> -> memref<625x8xf32, #tpu.memory_space<hbm>>
      %dma_start3A_195 = arith.constant 0 : i32
      %dma_start3A_196 = tpu.memref_slice %arg10[%mul3A_189, %dma_start3A_195] : memref<10000x8xf32, #tpu.memory_space<vmem_shared>> -> memref<625x8xf32, #tpu.memory_space<vmem_shared>>
      tpu.enqueue_dma source(%dma_start3A_196 : memref<625x8xf32, #tpu.memory_space<vmem_shared>>) target(%dma_start3A_194 : memref<625x8xf32, #tpu.memory_space<hbm>>) target_semaphore(%run_scoped3A : memref<!tpu.dma_semaphore, #tpu.memory_space<semaphore_mem>>)
      %dma_wait3A_197 = arith.constant 0 : i32
      %dma_wait3A_198 = tpu.memref_slice %arg5[%arg0, %mul3A_191, %dma_wait3A_197] : memref<2x10000x8xf32, #tpu.memory_space<hbm>> -> memref<1x625x8xf32, #tpu.memory_space<hbm>>
      %dma_wait3A_199 = tpu.memref_squeeze %dma_wait3A_198 : memref<1x625x8xf32, #tpu.memory_space<hbm>> -> memref<625x8xf32, #tpu.memory_space<hbm>>
      %dma_wait3A_200 = arith.constant 0 : i32
      %dma_wait3A_201 = tpu.memref_slice %arg10[%mul3A_189, %dma_wait3A_200] : memref<10000x8xf32, #tpu.memory_space<vmem_shared>> -> memref<625x8xf32, #tpu.memory_space<vmem_shared>>
      tpu.wait_dma2 semaphore(%run_scoped3A : memref<!tpu.dma_semaphore, #tpu.memory_space<semaphore_mem>>) src(%dma_wait3A_201 : memref<625x8xf32, #tpu.memory_space<vmem_shared>>) dst(%dma_wait3A_199 : memref<625x8xf32, #tpu.memory_space<hbm>>)
      tpu.yield
    }) : () -> ()
    return
  }
}

#map = affine_map<(d0, d1) -> (0, 0, 0)>
#map1 = affine_map<(d0, d1) -> (0)>
module attributes {stable_mosaic.version = 14 : i64} {
  func.func @_deg_kernel(%arg0: i32, %arg1: i32, %arg2: memref<2x2500x128xi32, #tpu.memory_space<hbm>>, %arg3: memref<10240xf32, #tpu.memory_space<hbm>>, %arg4: memref<20480xf32, #tpu.memory_space<hbm>>, %arg5: memref<79x128xi32, #tpu.memory_space<vmem>>, %arg6: memref<128xf32, #tpu.memory_space<vmem>>, %arg7: memref<10240xf32, #tpu.memory_space<vmem_shared>>, %arg8: memref<!tpu.dma_semaphore, #tpu.memory_space<semaphore_mem>>, %arg9: memref<!tpu.dma_semaphore, #tpu.memory_space<semaphore_mem>>) attributes {dimension_semantics = [#tpu.dimension_semantics<core_parallel>, #tpu.dimension_semantics<subcore_parallel>], iteration_bounds = array<i64: 2, 16>, scalar_prefetch = 0 : i64, scratch_operands = 5 : i64, tpu.core_type = #tpu.core_type<sc_vector_subcore>, window_params = [{transform_indices = #map}, {transform_indices = #map1}, {transform_indices = #map1}]} {
    %mul3A = arith.constant 16 : i32
    %mul3A_0 = arith.muli %arg0, %mul3A : i32
    %add3A = arith.addi %mul3A_0, %arg1 : i32
    %mul3A_1 = arith.constant 640 : i32
    %mul3A_2 = arith.muli %arg1, %mul3A_1 : i32
    %mul3A_3 = arith.constant 640 : i32
    %mul3A_4 = arith.muli %arg1, %mul3A_3 : i32
    "tpu.region"() ({
      %run_scoped3A_73 = tpu.sem_alloc : memref<!tpu.dma_semaphore, #tpu.memory_space<semaphore_mem>>
      %dma_start3A = tpu.memref_slice %arg7[%mul3A_4] : memref<10240xf32, #tpu.memory_space<vmem_shared>> -> memref<640xf32, #tpu.memory_space<vmem_shared>>
      %dma_start3A_74 = tpu.memref_slice %arg3[%mul3A_2] : memref<10240xf32, #tpu.memory_space<hbm>> -> memref<640xf32, #tpu.memory_space<hbm>>
      tpu.enqueue_dma source(%dma_start3A_74 : memref<640xf32, #tpu.memory_space<hbm>>) target(%dma_start3A : memref<640xf32, #tpu.memory_space<vmem_shared>>) target_semaphore(%run_scoped3A_73 : memref<!tpu.dma_semaphore, #tpu.memory_space<semaphore_mem>>)
      %dma_wait3A = tpu.memref_slice %arg7[%mul3A_4] : memref<10240xf32, #tpu.memory_space<vmem_shared>> -> memref<640xf32, #tpu.memory_space<vmem_shared>>
      %dma_wait3A_75 = tpu.memref_slice %arg3[%mul3A_2] : memref<10240xf32, #tpu.memory_space<hbm>> -> memref<640xf32, #tpu.memory_space<hbm>>
      tpu.wait_dma2 semaphore(%run_scoped3A_73 : memref<!tpu.dma_semaphore, #tpu.memory_space<semaphore_mem>>) src(%dma_wait3A_75 : memref<640xf32, #tpu.memory_space<hbm>>) dst(%dma_wait3A : memref<640xf32, #tpu.memory_space<vmem_shared>>)
      tpu.yield
    }) : () -> ()
    %broadcast_in_dim3A = arith.constant 1.000000e+00 : f32
    %broadcast_in_dim3A_5 = vector.broadcast %broadcast_in_dim3A : f32 to vector<16xf32>
    %swap3A = arith.constant 0 : index
    %swap3A_6 = tpu.vector_load %arg6[%swap3A] {strides = array<i32>} : memref<128xf32, #tpu.memory_space<vmem>>, vector<16xf32>,
    %swap3A_7 = vector.shape_cast %swap3A_6 : vector<16xf32> to vector<16xf32>
    %swap3A_8 = vector.shape_cast %broadcast_in_dim3A_5 : vector<16xf32> to vector<16xf32>
    tpu.vector_store %arg6[%swap3A], %swap3A_8 {strides = array<i32>} : memref<128xf32, #tpu.memory_space<vmem>>, vector<16xf32>,
    %broadcast_in_dim3A_9 = arith.constant 1.000000e+00 : f32
    %broadcast_in_dim3A_10 = vector.broadcast %broadcast_in_dim3A_9 : f32 to vector<16xf32>
    %swap3A_11 = arith.constant 16 : index
    %swap3A_12 = tpu.vector_load %arg6[%swap3A_11] {strides = array<i32>} : memref<128xf32, #tpu.memory_space<vmem>>, vector<16xf32>,
    %swap3A_13 = vector.shape_cast %swap3A_12 : vector<16xf32> to vector<16xf32>
    %swap3A_14 = vector.shape_cast %broadcast_in_dim3A_10 : vector<16xf32> to vector<16xf32>
    tpu.vector_store %arg6[%swap3A_11], %swap3A_14 {strides = array<i32>} : memref<128xf32, #tpu.memory_space<vmem>>, vector<16xf32>,
    %broadcast_in_dim3A_15 = arith.constant 1.000000e+00 : f32
    %broadcast_in_dim3A_16 = vector.broadcast %broadcast_in_dim3A_15 : f32 to vector<16xf32>
    %swap3A_17 = arith.constant 32 : index
    %swap3A_18 = tpu.vector_load %arg6[%swap3A_17] {strides = array<i32>} : memref<128xf32, #tpu.memory_space<vmem>>, vector<16xf32>,
    %swap3A_19 = vector.shape_cast %swap3A_18 : vector<16xf32> to vector<16xf32>
    %swap3A_20 = vector.shape_cast %broadcast_in_dim3A_16 : vector<16xf32> to vector<16xf32>
    tpu.vector_store %arg6[%swap3A_17], %swap3A_20 {strides = array<i32>} : memref<128xf32, #tpu.memory_space<vmem>>, vector<16xf32>,
    %broadcast_in_dim3A_21 = arith.constant 1.000000e+00 : f32
    %broadcast_in_dim3A_22 = vector.broadcast %broadcast_in_dim3A_21 : f32 to vector<16xf32>
    %swap3A_23 = arith.constant 48 : index
    %swap3A_24 = tpu.vector_load %arg6[%swap3A_23] {strides = array<i32>} : memref<128xf32, #tpu.memory_space<vmem>>, vector<16xf32>,
    %swap3A_25 = vector.shape_cast %swap3A_24 : vector<16xf32> to vector<16xf32>
    %swap3A_26 = vector.shape_cast %broadcast_in_dim3A_22 : vector<16xf32> to vector<16xf32>
    tpu.vector_store %arg6[%swap3A_23], %swap3A_26 {strides = array<i32>} : memref<128xf32, #tpu.memory_space<vmem>>, vector<16xf32>,
    %broadcast_in_dim3A_27 = arith.constant 1.000000e+00 : f32
    %broadcast_in_dim3A_28 = vector.broadcast %broadcast_in_dim3A_27 : f32 to vector<16xf32>
    %swap3A_29 = arith.constant 64 : index
    %swap3A_30 = tpu.vector_load %arg6[%swap3A_29] {strides = array<i32>} : memref<128xf32, #tpu.memory_space<vmem>>, vector<16xf32>,
    %swap3A_31 = vector.shape_cast %swap3A_30 : vector<16xf32> to vector<16xf32>
    %swap3A_32 = vector.shape_cast %broadcast_in_dim3A_28 : vector<16xf32> to vector<16xf32>
    tpu.vector_store %arg6[%swap3A_29], %swap3A_32 {strides = array<i32>} : memref<128xf32, #tpu.memory_space<vmem>>, vector<16xf32>,
    %broadcast_in_dim3A_33 = arith.constant 1.000000e+00 : f32
    %broadcast_in_dim3A_34 = vector.broadcast %broadcast_in_dim3A_33 : f32 to vector<16xf32>
    %swap3A_35 = arith.constant 80 : index
    %swap3A_36 = tpu.vector_load %arg6[%swap3A_35] {strides = array<i32>} : memref<128xf32, #tpu.memory_space<vmem>>, vector<16xf32>,
    %swap3A_37 = vector.shape_cast %swap3A_36 : vector<16xf32> to vector<16xf32>
    %swap3A_38 = vector.shape_cast %broadcast_in_dim3A_34 : vector<16xf32> to vector<16xf32>
    tpu.vector_store %arg6[%swap3A_35], %swap3A_38 {strides = array<i32>} : memref<128xf32, #tpu.memory_space<vmem>>, vector<16xf32>,
    %broadcast_in_dim3A_39 = arith.constant 1.000000e+00 : f32
    %broadcast_in_dim3A_40 = vector.broadcast %broadcast_in_dim3A_39 : f32 to vector<16xf32>
    %swap3A_41 = arith.constant 96 : index
    %swap3A_42 = tpu.vector_load %arg6[%swap3A_41] {strides = array<i32>} : memref<128xf32, #tpu.memory_space<vmem>>, vector<16xf32>,
    %swap3A_43 = vector.shape_cast %swap3A_42 : vector<16xf32> to vector<16xf32>
    %swap3A_44 = vector.shape_cast %broadcast_in_dim3A_40 : vector<16xf32> to vector<16xf32>
    tpu.vector_store %arg6[%swap3A_41], %swap3A_44 {strides = array<i32>} : memref<128xf32, #tpu.memory_space<vmem>>, vector<16xf32>,
    %broadcast_in_dim3A_45 = arith.constant 1.000000e+00 : f32
    %broadcast_in_dim3A_46 = vector.broadcast %broadcast_in_dim3A_45 : f32 to vector<16xf32>
    %swap3A_47 = arith.constant 112 : index
    %swap3A_48 = tpu.vector_load %arg6[%swap3A_47] {strides = array<i32>} : memref<128xf32, #tpu.memory_space<vmem>>, vector<16xf32>,
    %swap3A_49 = vector.shape_cast %swap3A_48 : vector<16xf32> to vector<16xf32>
    %swap3A_50 = vector.shape_cast %broadcast_in_dim3A_46 : vector<16xf32> to vector<16xf32>
    tpu.vector_store %arg6[%swap3A_47], %swap3A_50 {strides = array<i32>} : memref<128xf32, #tpu.memory_space<vmem>>, vector<16xf32>,
    %mul3A_51 = arith.constant 78 : i32
    %mul3A_52 = arith.muli %add3A, %mul3A_51 : i32
    %run_scoped3A = arith.constant 1 : i32
    "tpu.region"() ({
      %run_scoped3A_73 = tpu.sem_alloc : memref<!tpu.dma_semaphore, #tpu.memory_space<semaphore_mem>>
      %dma_start3A = arith.constant 0 : i32
      %dma_start3A_74 = arith.constant 0 : i32
      %dma_start3A_75 = tpu.memref_slice %arg5[%dma_start3A, %dma_start3A_74] : memref<79x128xi32, #tpu.memory_space<vmem>> -> memref<78x128xi32, #tpu.memory_space<vmem>>
      %dma_start3A_76 = arith.constant 0 : i32
      %dma_start3A_77 = tpu.memref_slice %arg2[%run_scoped3A, %mul3A_52, %dma_start3A_76] : memref<2x2500x128xi32, #tpu.memory_space<hbm>> -> memref<1x78x128xi32, #tpu.memory_space<hbm>>
      %dma_start3A_78 = tpu.memref_squeeze %dma_start3A_77 : memref<1x78x128xi32, #tpu.memory_space<hbm>> -> memref<78x128xi32, #tpu.memory_space<hbm>>
      %dma_start3A_79 = arith.constant 0 : i32
      %dma_start3A_80 = arith.constant 0 : i32
      %dma_start3A_81 = tpu.memref_slice %arg5[%dma_start3A_79, %dma_start3A_80] : memref<79x128xi32, #tpu.memory_space<vmem>> -> memref<78x128xi32, #tpu.memory_space<vmem>>
      %dma_start3A_82 = arith.constant 0 : i32
      %dma_start3A_83 = tpu.memref_slice %arg2[%run_scoped3A, %mul3A_52, %dma_start3A_82] : memref<2x2500x128xi32, #tpu.memory_space<hbm>> -> memref<1x78x128xi32, #tpu.memory_space<hbm>>
      %dma_start3A_84 = tpu.memref_squeeze %dma_start3A_83 : memref<1x78x128xi32, #tpu.memory_space<hbm>> -> memref<78x128xi32, #tpu.memory_space<hbm>>
      tpu.enqueue_dma source(%dma_start3A_84 : memref<78x128xi32, #tpu.memory_space<hbm>>) target(%dma_start3A_81 : memref<78x128xi32, #tpu.memory_space<vmem>>) target_semaphore(%run_scoped3A_73 : memref<!tpu.dma_semaphore, #tpu.memory_space<semaphore_mem>>)
      %dma_wait3A = arith.constant 0 : i32
      %dma_wait3A_85 = arith.constant 0 : i32
      %dma_wait3A_86 = tpu.memref_slice %arg5[%dma_wait3A, %dma_wait3A_85] : memref<79x128xi32, #tpu.memory_space<vmem>> -> memref<78x128xi32, #tpu.memory_space<vmem>>
      %dma_wait3A_87 = arith.constant 0 : i32
      %dma_wait3A_88 = tpu.memref_slice %arg2[%run_scoped3A, %mul3A_52, %dma_wait3A_87] : memref<2x2500x128xi32, #tpu.memory_space<hbm>> -> memref<1x78x128xi32, #tpu.memory_space<hbm>>
      %dma_wait3A_89 = tpu.memref_squeeze %dma_wait3A_88 : memref<1x78x128xi32, #tpu.memory_space<hbm>> -> memref<78x128xi32, #tpu.memory_space<hbm>>
      %dma_wait3A_90 = arith.constant 0 : i32
      %dma_wait3A_91 = arith.constant 0 : i32
      %dma_wait3A_92 = tpu.memref_slice %arg5[%dma_wait3A_90, %dma_wait3A_91] : memref<79x128xi32, #tpu.memory_space<vmem>> -> memref<78x128xi32, #tpu.memory_space<vmem>>
      %dma_wait3A_93 = arith.constant 0 : i32
      %dma_wait3A_94 = tpu.memref_slice %arg2[%run_scoped3A, %mul3A_52, %dma_wait3A_93] : memref<2x2500x128xi32, #tpu.memory_space<hbm>> -> memref<1x78x128xi32, #tpu.memory_space<hbm>>
      %dma_wait3A_95 = tpu.memref_squeeze %dma_wait3A_94 : memref<1x78x128xi32, #tpu.memory_space<hbm>> -> memref<78x128xi32, #tpu.memory_space<hbm>>
      tpu.wait_dma2 semaphore(%run_scoped3A_73 : memref<!tpu.dma_semaphore, #tpu.memory_space<semaphore_mem>>) src(%dma_wait3A_95 : memref<78x128xi32, #tpu.memory_space<hbm>>) dst(%dma_wait3A_92 : memref<78x128xi32, #tpu.memory_space<vmem>>)
      tpu.yield
    }) : () -> ()
    %lt3A = arith.constant 4 : i32
    %lt3A_53 = arith.cmpi slt, %add3A, %lt3A : i32
    %convert_element_type3A = arith.extui %lt3A_53 : i1 to i32
    %cond3A = arith.constant 0 : i32
    %cond3A_54 = arith.cmpi ne, %convert_element_type3A, %cond3A : i32
    scf.if %cond3A_54 {
      %add3A_73 = arith.constant 2496 : i32
      %add3A_74 = arith.addi %add3A_73, %add3A : i32
      %run_scoped3A_75 = arith.constant 1 : i32
      "tpu.region"() ({
        %run_scoped3A_76 = tpu.sem_alloc : memref<!tpu.dma_semaphore, #tpu.memory_space<semaphore_mem>>
        %dma_start3A = arith.constant 78 : i32
        %dma_start3A_77 = arith.constant 0 : i32
        %dma_start3A_78 = tpu.memref_slice %arg5[%dma_start3A, %dma_start3A_77] : memref<79x128xi32, #tpu.memory_space<vmem>> -> memref<1x128xi32, #tpu.memory_space<vmem>>
        %dma_start3A_79 = arith.constant 0 : i32
        %dma_start3A_80 = tpu.memref_slice %arg2[%run_scoped3A_75, %add3A_74, %dma_start3A_79] : memref<2x2500x128xi32, #tpu.memory_space<hbm>> -> memref<1x1x128xi32, #tpu.memory_space<hbm>>
        %dma_start3A_81 = tpu.memref_squeeze %dma_start3A_80 : memref<1x1x128xi32, #tpu.memory_space<hbm>> -> memref<1x128xi32, #tpu.memory_space<hbm>>
        %dma_start3A_82 = arith.constant 78 : i32
        %dma_start3A_83 = arith.constant 0 : i32
        %dma_start3A_84 = tpu.memref_slice %arg5[%dma_start3A_82, %dma_start3A_83] : memref<79x128xi32, #tpu.memory_space<vmem>> -> memref<1x128xi32, #tpu.memory_space<vmem>>
        %dma_start3A_85 = arith.constant 0 : i32
        %dma_start3A_86 = tpu.memref_slice %arg2[%run_scoped3A_75, %add3A_74, %dma_start3A_85] : memref<2x2500x128xi32, #tpu.memory_space<hbm>> -> memref<1x1x128xi32, #tpu.memory_space<hbm>>
        %dma_start3A_87 = tpu.memref_squeeze %dma_start3A_86 : memref<1x1x128xi32, #tpu.memory_space<hbm>> -> memref<1x128xi32, #tpu.memory_space<hbm>>
        tpu.enqueue_dma source(%dma_start3A_87 : memref<1x128xi32, #tpu.memory_space<hbm>>) target(%dma_start3A_84 : memref<1x128xi32, #tpu.memory_space<vmem>>) target_semaphore(%run_scoped3A_76 : memref<!tpu.dma_semaphore, #tpu.memory_space<semaphore_mem>>)
        %dma_wait3A = arith.constant 78 : i32
        %dma_wait3A_88 = arith.constant 0 : i32
        %dma_wait3A_89 = tpu.memref_slice %arg5[%dma_wait3A, %dma_wait3A_88] : memref<79x128xi32, #tpu.memory_space<vmem>> -> memref<1x128xi32, #tpu.memory_space<vmem>>
        %dma_wait3A_90 = arith.constant 0 : i32
        %dma_wait3A_91 = tpu.memref_slice %arg2[%run_scoped3A_75, %add3A_74, %dma_wait3A_90] : memref<2x2500x128xi32, #tpu.memory_space<hbm>> -> memref<1x1x128xi32, #tpu.memory_space<hbm>>
        %dma_wait3A_92 = tpu.memref_squeeze %dma_wait3A_91 : memref<1x1x128xi32, #tpu.memory_space<hbm>> -> memref<1x128xi32, #tpu.memory_space<hbm>>
        %dma_wait3A_93 = arith.constant 78 : i32
        %dma_wait3A_94 = arith.constant 0 : i32
        %dma_wait3A_95 = tpu.memref_slice %arg5[%dma_wait3A_93, %dma_wait3A_94] : memref<79x128xi32, #tpu.memory_space<vmem>> -> memref<1x128xi32, #tpu.memory_space<vmem>>
        %dma_wait3A_96 = arith.constant 0 : i32
        %dma_wait3A_97 = tpu.memref_slice %arg2[%run_scoped3A_75, %add3A_74, %dma_wait3A_96] : memref<2x2500x128xi32, #tpu.memory_space<hbm>> -> memref<1x1x128xi32, #tpu.memory_space<hbm>>
        %dma_wait3A_98 = tpu.memref_squeeze %dma_wait3A_97 : memref<1x1x128xi32, #tpu.memory_space<hbm>> -> memref<1x128xi32, #tpu.memory_space<hbm>>
        tpu.wait_dma2 semaphore(%run_scoped3A_76 : memref<!tpu.dma_semaphore, #tpu.memory_space<semaphore_mem>>) src(%dma_wait3A_98 : memref<1x128xi32, #tpu.memory_space<hbm>>) dst(%dma_wait3A_95 : memref<1x128xi32, #tpu.memory_space<vmem>>)
        tpu.yield
      }) : () -> ()
    } else {
    }
    %barrier3A = arith.constant 0 : index
    tpu.barrier barrier_id(%barrier3A)
    %scan3A = arith.constant 0 : i32
    %scan3A_55 = arith.constant 0 : i32
    %scan3A_56 = arith.constant 39 : i32
    %scan3A_57 = arith.addi %scan3A_55, %scan3A_56 : i32
    %scan3A_58 = arith.constant 1 : i32
    scf.for %scan3A_73 = %scan3A_55 to %scan3A_57 step %scan3A_58  : i32 {
      %mul3A_74 = arith.constant 2 : i32
      %mul3A_75 = arith.muli %mul3A_74, %scan3A_73 : i32
      %dma_start3A = arith.constant 0 : i32
      %dma_start3A_76 = tpu.memref_slice %arg5[%mul3A_75, %dma_start3A] : memref<79x128xi32, #tpu.memory_space<vmem>> -> memref<1x128xi32, #tpu.memory_space<vmem>>
      %dma_start3A_77 = tpu.memref_squeeze %dma_start3A_76 : memref<1x128xi32, #tpu.memory_space<vmem>> -> memref<128xi32, #tpu.memory_space<vmem>>
      %dma_start3A_78 = arith.constant 0 : i32
      %dma_start3A_79 = tpu.memref_slice %arg7[%dma_start3A_78] : memref<10240xf32, #tpu.memory_space<vmem_shared>> -> memref<10240xf32, #tpu.memory_space<vmem_shared>>
      tpu.enqueue_indirect_dma source(%arg6 : memref<128xf32, #tpu.memory_space<vmem>>) target(%dma_start3A_79 : memref<10240xf32, #tpu.memory_space<vmem_shared>>) offsets(%dma_start3A_77 : memref<128xi32, #tpu.memory_space<vmem>>) semaphore(%arg8 : memref<!tpu.dma_semaphore, #tpu.memory_space<semaphore_mem>>) {add = true}
      %mul3A_80 = arith.constant 2 : i32
      %mul3A_81 = arith.muli %mul3A_80, %scan3A_73 : i32
      %add3A_82 = arith.constant 1 : i32
      %add3A_83 = arith.addi %mul3A_81, %add3A_82 : i32
      %dma_start3A_84 = arith.constant 0 : i32
      %dma_start3A_85 = tpu.memref_slice %arg5[%add3A_83, %dma_start3A_84] : memref<79x128xi32, #tpu.memory_space<vmem>> -> memref<1x128xi32, #tpu.memory_space<vmem>>
      %dma_start3A_86 = tpu.memref_squeeze %dma_start3A_85 : memref<1x128xi32, #tpu.memory_space<vmem>> -> memref<128xi32, #tpu.memory_space<vmem>>
      %dma_start3A_87 = arith.constant 0 : i32
      %dma_start3A_88 = tpu.memref_slice %arg7[%dma_start3A_87] : memref<10240xf32, #tpu.memory_space<vmem_shared>> -> memref<10240xf32, #tpu.memory_space<vmem_shared>>
      tpu.enqueue_indirect_dma source(%arg6 : memref<128xf32, #tpu.memory_space<vmem>>) target(%dma_start3A_88 : memref<10240xf32, #tpu.memory_space<vmem_shared>>) offsets(%dma_start3A_86 : memref<128xi32, #tpu.memory_space<vmem>>) semaphore(%arg9 : memref<!tpu.dma_semaphore, #tpu.memory_space<semaphore_mem>>) {add = true}
      %dma_wait3A = arith.constant 0 : i32
      %dma_wait3A_89 = tpu.memref_slice %arg5[%mul3A_75, %dma_wait3A] : memref<79x128xi32, #tpu.memory_space<vmem>> -> memref<1x128xi32, #tpu.memory_space<vmem>>
      %dma_wait3A_90 = tpu.memref_squeeze %dma_wait3A_89 : memref<1x128xi32, #tpu.memory_space<vmem>> -> memref<128xi32, #tpu.memory_space<vmem>>
      %dma_wait3A_91 = arith.constant 0 : i32
      %dma_wait3A_92 = tpu.memref_slice %arg7[%dma_wait3A_91] : memref<10240xf32, #tpu.memory_space<vmem_shared>> -> memref<10240xf32, #tpu.memory_space<vmem_shared>>
      tpu.wait_indirect_dma semaphore(%arg8 : memref<!tpu.dma_semaphore, #tpu.memory_space<semaphore_mem>>) src(%arg6 : memref<128xf32, #tpu.memory_space<vmem>>) dst(%dma_wait3A_92 : memref<10240xf32, #tpu.memory_space<vmem_shared>>)
      %dma_wait3A_93 = arith.constant 0 : i32
      %dma_wait3A_94 = tpu.memref_slice %arg5[%add3A_83, %dma_wait3A_93] : memref<79x128xi32, #tpu.memory_space<vmem>> -> memref<1x128xi32, #tpu.memory_space<vmem>>
      %dma_wait3A_95 = tpu.memref_squeeze %dma_wait3A_94 : memref<1x128xi32, #tpu.memory_space<vmem>> -> memref<128xi32, #tpu.memory_space<vmem>>
      %dma_wait3A_96 = arith.constant 0 : i32
      %dma_wait3A_97 = tpu.memref_slice %arg7[%dma_wait3A_96] : memref<10240xf32, #tpu.memory_space<vmem_shared>> -> memref<10240xf32, #tpu.memory_space<vmem_shared>>
      tpu.wait_indirect_dma semaphore(%arg9 : memref<!tpu.dma_semaphore, #tpu.memory_space<semaphore_mem>>) src(%arg6 : memref<128xf32, #tpu.memory_space<vmem>>) dst(%dma_wait3A_97 : memref<10240xf32, #tpu.memory_space<vmem_shared>>)
    }
    %scan3A_59 = arith.constant 39 : i32
    %lt3A_60 = arith.constant 4 : i32
    %lt3A_61 = arith.cmpi slt, %add3A, %lt3A_60 : i32
    %convert_element_type3A_62 = arith.extui %lt3A_61 : i1 to i32
    %cond3A_63 = arith.constant 0 : i32
    %cond3A_64 = arith.cmpi ne, %convert_element_type3A_62, %cond3A_63 : i32
    scf.if %cond3A_64 {
      %run_scoped3A_73 = arith.constant 78 : i32
      "tpu.region"() ({
        %run_scoped3A_74 = tpu.sem_alloc : memref<!tpu.dma_semaphore, #tpu.memory_space<semaphore_mem>>
        %dma_start3A = arith.constant 0 : i32
        %dma_start3A_75 = tpu.memref_slice %arg5[%run_scoped3A_73, %dma_start3A] : memref<79x128xi32, #tpu.memory_space<vmem>> -> memref<1x128xi32, #tpu.memory_space<vmem>>
        %dma_start3A_76 = tpu.memref_squeeze %dma_start3A_75 : memref<1x128xi32, #tpu.memory_space<vmem>> -> memref<128xi32, #tpu.memory_space<vmem>>
        %dma_start3A_77 = arith.constant 0 : i32
        %dma_start3A_78 = tpu.memref_slice %arg7[%dma_start3A_77] : memref<10240xf32, #tpu.memory_space<vmem_shared>> -> memref<10240xf32, #tpu.memory_space<vmem_shared>>
        tpu.enqueue_indirect_dma source(%arg6 : memref<128xf32, #tpu.memory_space<vmem>>) target(%dma_start3A_78 : memref<10240xf32, #tpu.memory_space<vmem_shared>>) offsets(%dma_start3A_76 : memref<128xi32, #tpu.memory_space<vmem>>) semaphore(%run_scoped3A_74 : memref<!tpu.dma_semaphore, #tpu.memory_space<semaphore_mem>>) {add = true}
        %dma_wait3A = arith.constant 0 : i32
        %dma_wait3A_79 = tpu.memref_slice %arg5[%run_scoped3A_73, %dma_wait3A] : memref<79x128xi32, #tpu.memory_space<vmem>> -> memref<1x128xi32, #tpu.memory_space<vmem>>
        %dma_wait3A_80 = tpu.memref_squeeze %dma_wait3A_79 : memref<1x128xi32, #tpu.memory_space<vmem>> -> memref<128xi32, #tpu.memory_space<vmem>>
        %dma_wait3A_81 = arith.constant 0 : i32
        %dma_wait3A_82 = tpu.memref_slice %arg7[%dma_wait3A_81] : memref<10240xf32, #tpu.memory_space<vmem_shared>> -> memref<10240xf32, #tpu.memory_space<vmem_shared>>
        tpu.wait_indirect_dma semaphore(%run_scoped3A_74 : memref<!tpu.dma_semaphore, #tpu.memory_space<semaphore_mem>>) src(%arg6 : memref<128xf32, #tpu.memory_space<vmem>>) dst(%dma_wait3A_82 : memref<10240xf32, #tpu.memory_space<vmem_shared>>)
        tpu.yield
      }) : () -> ()
    } else {
    }
    %barrier3A_65 = arith.constant 0 : index
    tpu.barrier barrier_id(%barrier3A_65)
    %mul3A_66 = arith.constant 640 : i32
    %mul3A_67 = arith.muli %arg1, %mul3A_66 : i32
    %mul3A_68 = arith.constant 10240 : i32
    %mul3A_69 = arith.muli %arg0, %mul3A_68 : i32
    %mul3A_70 = arith.constant 640 : i32
    %mul3A_71 = arith.muli %arg1, %mul3A_70 : i32
    %add3A_72 = arith.addi %mul3A_69, %mul3A_71 : i32
    "tpu.region"() ({
      %run_scoped3A_73 = tpu.sem_alloc : memref<!tpu.dma_semaphore, #tpu.memory_space<semaphore_mem>>
      %dma_start3A = tpu.memref_slice %arg4[%add3A_72] : memref<20480xf32, #tpu.memory_space<hbm>> -> memref<640xf32, #tpu.memory_space<hbm>>
      %dma_start3A_74 = tpu.memref_slice %arg7[%mul3A_67] : memref<10240xf32, #tpu.memory_space<vmem_shared>> -> memref<640xf32, #tpu.memory_space<vmem_shared>>
      tpu.enqueue_dma source(%dma_start3A_74 : memref<640xf32, #tpu.memory_space<vmem_shared>>) target(%dma_start3A : memref<640xf32, #tpu.memory_space<hbm>>) target_semaphore(%run_scoped3A_73 : memref<!tpu.dma_semaphore, #tpu.memory_space<semaphore_mem>>)
      %dma_wait3A = tpu.memref_slice %arg4[%add3A_72] : memref<20480xf32, #tpu.memory_space<hbm>> -> memref<640xf32, #tpu.memory_space<hbm>>
      %dma_wait3A_75 = tpu.memref_slice %arg7[%mul3A_67] : memref<10240xf32, #tpu.memory_space<vmem_shared>> -> memref<640xf32, #tpu.memory_space<vmem_shared>>
      tpu.wait_dma2 semaphore(%run_scoped3A_73 : memref<!tpu.dma_semaphore, #tpu.memory_space<semaphore_mem>>) src(%dma_wait3A_75 : memref<640xf32, #tpu.memory_space<vmem_shared>>) dst(%dma_wait3A : memref<640xf32, #tpu.memory_space<hbm>>)
      tpu.yield
    }) : () -> ()
    return
  }
}

#map = affine_map<(d0, d1) -> (0, 0, 0)>
#map1 = affine_map<(d0, d1) -> (0, 0)>
module attributes {stable_mosaic.version = 14 : i64} {
  func.func @scat(%arg0: i32, %arg1: i32, %arg2: memref<2x2500x128xi32, #tpu.memory_space<hbm>>, %arg3: memref<10000x8xf32, #tpu.memory_space<hbm>>, %arg4: memref<10000x8xf32, #tpu.memory_space<hbm>>, %arg5: memref<2x10000x8xf32, #tpu.memory_space<hbm>>, %arg6: memref<79x128xi32, #tpu.memory_space<vmem>>, %arg7: memref<79x128xi32, #tpu.memory_space<vmem>>, %arg8: memref<4x128x8xf32, #tpu.memory_space<vmem>>, %arg9: memref<10000x8xf32, #tpu.memory_space<vmem_shared>>, %arg10: memref<10000x8xf32, #tpu.memory_space<vmem_shared>>, %arg11: memref<!tpu.dma_semaphore, #tpu.memory_space<semaphore_mem>>, %arg12: memref<!tpu.dma_semaphore, #tpu.memory_space<semaphore_mem>>, %arg13: memref<!tpu.dma_semaphore, #tpu.memory_space<semaphore_mem>>, %arg14: memref<!tpu.dma_semaphore, #tpu.memory_space<semaphore_mem>>, %arg15: memref<!tpu.dma_semaphore, #tpu.memory_space<semaphore_mem>>, %arg16: memref<!tpu.dma_semaphore, #tpu.memory_space<semaphore_mem>>, %arg17: memref<!tpu.dma_semaphore, #tpu.memory_space<semaphore_mem>>, %arg18: memref<!tpu.dma_semaphore, #tpu.memory_space<semaphore_mem>>) attributes {dimension_semantics = [#tpu.dimension_semantics<core_parallel>, #tpu.dimension_semantics<subcore_parallel>], iteration_bounds = array<i64: 2, 16>, scalar_prefetch = 0 : i64, scratch_operands = 13 : i64, tpu.core_type = #tpu.core_type<sc_vector_subcore>, window_params = [{transform_indices = #map}, {transform_indices = #map1}, {transform_indices = #map1}, {transform_indices = #map}]} {
    %mul3A = arith.constant 16 : i32
    %mul3A_0 = arith.muli %arg0, %mul3A : i32
    %add3A = arith.addi %mul3A_0, %arg1 : i32
    %mul3A_1 = arith.constant 625 : i32
    %mul3A_2 = arith.muli %arg1, %mul3A_1 : i32
    %mul3A_3 = arith.constant 625 : i32
    %mul3A_4 = arith.muli %arg1, %mul3A_3 : i32
    %dma_start3A = arith.constant 0 : i32
    %dma_start3A_5 = tpu.memref_slice %arg10[%mul3A_4, %dma_start3A] : memref<10000x8xf32, #tpu.memory_space<vmem_shared>> -> memref<625x8xf32, #tpu.memory_space<vmem_shared>>
    %dma_start3A_6 = arith.constant 0 : i32
    %dma_start3A_7 = tpu.memref_slice %arg4[%mul3A_2, %dma_start3A_6] : memref<10000x8xf32, #tpu.memory_space<hbm>> -> memref<625x8xf32, #tpu.memory_space<hbm>>
    tpu.enqueue_dma source(%dma_start3A_7 : memref<625x8xf32, #tpu.memory_space<hbm>>) target(%dma_start3A_5 : memref<625x8xf32, #tpu.memory_space<vmem_shared>>) target_semaphore(%arg11 : memref<!tpu.dma_semaphore, #tpu.memory_space<semaphore_mem>>)
    %mul3A_8 = arith.constant 625 : i32
    %mul3A_9 = arith.muli %arg1, %mul3A_8 : i32
    %mul3A_10 = arith.constant 625 : i32
    %mul3A_11 = arith.muli %arg1, %mul3A_10 : i32
    %dma_start3A_12 = arith.constant 0 : i32
    %dma_start3A_13 = tpu.memref_slice %arg9[%mul3A_11, %dma_start3A_12] : memref<10000x8xf32, #tpu.memory_space<vmem_shared>> -> memref<625x8xf32, #tpu.memory_space<vmem_shared>>
    %dma_start3A_14 = arith.constant 0 : i32
    %dma_start3A_15 = tpu.memref_slice %arg3[%mul3A_9, %dma_start3A_14] : memref<10000x8xf32, #tpu.memory_space<hbm>> -> memref<625x8xf32, #tpu.memory_space<hbm>>
    tpu.enqueue_dma source(%dma_start3A_15 : memref<625x8xf32, #tpu.memory_space<hbm>>) target(%dma_start3A_13 : memref<625x8xf32, #tpu.memory_space<vmem_shared>>) target_semaphore(%arg12 : memref<!tpu.dma_semaphore, #tpu.memory_space<semaphore_mem>>)
    %mul3A_16 = arith.constant 78 : i32
    %mul3A_17 = arith.muli %add3A, %mul3A_16 : i32
    %dma_start3A_18 = arith.constant 0 : i32
    %dma_start3A_19 = arith.constant 0 : i32
    %dma_start3A_20 = arith.constant 0 : i32
    %dma_start3A_21 = tpu.memref_slice %arg6[%dma_start3A_19, %dma_start3A_20] : memref<79x128xi32, #tpu.memory_space<vmem>> -> memref<78x128xi32, #tpu.memory_space<vmem>>
    %dma_start3A_22 = arith.constant 0 : i32
    %dma_start3A_23 = tpu.memref_slice %arg2[%dma_start3A_18, %mul3A_17, %dma_start3A_22] : memref<2x2500x128xi32, #tpu.memory_space<hbm>> -> memref<1x78x128xi32, #tpu.memory_space<hbm>>
    %dma_start3A_24 = tpu.memref_squeeze %dma_start3A_23 : memref<1x78x128xi32, #tpu.memory_space<hbm>> -> memref<78x128xi32, #tpu.memory_space<hbm>>
    %dma_start3A_25 = arith.constant 0 : i32
    %dma_start3A_26 = arith.constant 0 : i32
    %dma_start3A_27 = tpu.memref_slice %arg6[%dma_start3A_25, %dma_start3A_26] : memref<79x128xi32, #tpu.memory_space<vmem>> -> memref<78x128xi32, #tpu.memory_space<vmem>>
    %dma_start3A_28 = arith.constant 0 : i32
    %dma_start3A_29 = tpu.memref_slice %arg2[%dma_start3A_18, %mul3A_17, %dma_start3A_28] : memref<2x2500x128xi32, #tpu.memory_space<hbm>> -> memref<1x78x128xi32, #tpu.memory_space<hbm>>
    %dma_start3A_30 = tpu.memref_squeeze %dma_start3A_29 : memref<1x78x128xi32, #tpu.memory_space<hbm>> -> memref<78x128xi32, #tpu.memory_space<hbm>>
    tpu.enqueue_dma source(%dma_start3A_30 : memref<78x128xi32, #tpu.memory_space<hbm>>) target(%dma_start3A_27 : memref<78x128xi32, #tpu.memory_space<vmem>>) target_semaphore(%arg13 : memref<!tpu.dma_semaphore, #tpu.memory_space<semaphore_mem>>)
    %mul3A_31 = arith.constant 78 : i32
    %mul3A_32 = arith.muli %add3A, %mul3A_31 : i32
    %dma_start3A_33 = arith.constant 1 : i32
    %dma_start3A_34 = arith.constant 0 : i32
    %dma_start3A_35 = arith.constant 0 : i32
    %dma_start3A_36 = tpu.memref_slice %arg7[%dma_start3A_34, %dma_start3A_35] : memref<79x128xi32, #tpu.memory_space<vmem>> -> memref<78x128xi32, #tpu.memory_space<vmem>>
    %dma_start3A_37 = arith.constant 0 : i32
    %dma_start3A_38 = tpu.memref_slice %arg2[%dma_start3A_33, %mul3A_32, %dma_start3A_37] : memref<2x2500x128xi32, #tpu.memory_space<hbm>> -> memref<1x78x128xi32, #tpu.memory_space<hbm>>
    %dma_start3A_39 = tpu.memref_squeeze %dma_start3A_38 : memref<1x78x128xi32, #tpu.memory_space<hbm>> -> memref<78x128xi32, #tpu.memory_space<hbm>>
    %dma_start3A_40 = arith.constant 0 : i32
    %dma_start3A_41 = arith.constant 0 : i32
    %dma_start3A_42 = tpu.memref_slice %arg7[%dma_start3A_40, %dma_start3A_41] : memref<79x128xi32, #tpu.memory_space<vmem>> -> memref<78x128xi32, #tpu.memory_space<vmem>>
    %dma_start3A_43 = arith.constant 0 : i32
    %dma_start3A_44 = tpu.memref_slice %arg2[%dma_start3A_33, %mul3A_32, %dma_start3A_43] : memref<2x2500x128xi32, #tpu.memory_space<hbm>> -> memref<1x78x128xi32, #tpu.memory_space<hbm>>
    %dma_start3A_45 = tpu.memref_squeeze %dma_start3A_44 : memref<1x78x128xi32, #tpu.memory_space<hbm>> -> memref<78x128xi32, #tpu.memory_space<hbm>>
    tpu.enqueue_dma source(%dma_start3A_45 : memref<78x128xi32, #tpu.memory_space<hbm>>) target(%dma_start3A_42 : memref<78x128xi32, #tpu.memory_space<vmem>>) target_semaphore(%arg14 : memref<!tpu.dma_semaphore, #tpu.memory_space<semaphore_mem>>)
    %dma_wait3A = arith.constant 0 : i32
    %dma_wait3A_46 = tpu.memref_slice %arg10[%mul3A_4, %dma_wait3A] : memref<10000x8xf32, #tpu.memory_space<vmem_shared>> -> memref<625x8xf32, #tpu.memory_space<vmem_shared>>
    %dma_wait3A_47 = arith.constant 0 : i32
    %dma_wait3A_48 = tpu.memref_slice %arg4[%mul3A_2, %dma_wait3A_47] : memref<10000x8xf32, #tpu.memory_space<hbm>> -> memref<625x8xf32, #tpu.memory_space<hbm>>
    tpu.wait_dma2 semaphore(%arg11 : memref<!tpu.dma_semaphore, #tpu.memory_space<semaphore_mem>>) src(%dma_wait3A_48 : memref<625x8xf32, #tpu.memory_space<hbm>>) dst(%dma_wait3A_46 : memref<625x8xf32, #tpu.memory_space<vmem_shared>>)
    %dma_wait3A_49 = arith.constant 0 : i32
    %dma_wait3A_50 = tpu.memref_slice %arg9[%mul3A_11, %dma_wait3A_49] : memref<10000x8xf32, #tpu.memory_space<vmem_shared>> -> memref<625x8xf32, #tpu.memory_space<vmem_shared>>
    %dma_wait3A_51 = arith.constant 0 : i32
    %dma_wait3A_52 = tpu.memref_slice %arg3[%mul3A_9, %dma_wait3A_51] : memref<10000x8xf32, #tpu.memory_space<hbm>> -> memref<625x8xf32, #tpu.memory_space<hbm>>
    tpu.wait_dma2 semaphore(%arg12 : memref<!tpu.dma_semaphore, #tpu.memory_space<semaphore_mem>>) src(%dma_wait3A_52 : memref<625x8xf32, #tpu.memory_space<hbm>>) dst(%dma_wait3A_50 : memref<625x8xf32, #tpu.memory_space<vmem_shared>>)
    %dma_wait3A_53 = arith.constant 0 : i32
    %dma_wait3A_54 = arith.constant 0 : i32
    %dma_wait3A_55 = arith.constant 0 : i32
    %dma_wait3A_56 = tpu.memref_slice %arg6[%dma_wait3A_54, %dma_wait3A_55] : memref<79x128xi32, #tpu.memory_space<vmem>> -> memref<78x128xi32, #tpu.memory_space<vmem>>
    %dma_wait3A_57 = arith.constant 0 : i32
    %dma_wait3A_58 = tpu.memref_slice %arg2[%dma_wait3A_53, %mul3A_17, %dma_wait3A_57] : memref<2x2500x128xi32, #tpu.memory_space<hbm>> -> memref<1x78x128xi32, #tpu.memory_space<hbm>>
    %dma_wait3A_59 = tpu.memref_squeeze %dma_wait3A_58 : memref<1x78x128xi32, #tpu.memory_space<hbm>> -> memref<78x128xi32, #tpu.memory_space<hbm>>
    %dma_wait3A_60 = arith.constant 0 : i32
    %dma_wait3A_61 = arith.constant 0 : i32
    %dma_wait3A_62 = tpu.memref_slice %arg6[%dma_wait3A_60, %dma_wait3A_61] : memref<79x128xi32, #tpu.memory_space<vmem>> -> memref<78x128xi32, #tpu.memory_space<vmem>>
    %dma_wait3A_63 = arith.constant 0 : i32
    %dma_wait3A_64 = tpu.memref_slice %arg2[%dma_wait3A_53, %mul3A_17, %dma_wait3A_63] : memref<2x2500x128xi32, #tpu.memory_space<hbm>> -> memref<1x78x128xi32, #tpu.memory_space<hbm>>
    %dma_wait3A_65 = tpu.memref_squeeze %dma_wait3A_64 : memref<1x78x128xi32, #tpu.memory_space<hbm>> -> memref<78x128xi32, #tpu.memory_space<hbm>>
    tpu.wait_dma2 semaphore(%arg13 : memref<!tpu.dma_semaphore, #tpu.memory_space<semaphore_mem>>) src(%dma_wait3A_65 : memref<78x128xi32, #tpu.memory_space<hbm>>) dst(%dma_wait3A_62 : memref<78x128xi32, #tpu.memory_space<vmem>>)
    %dma_wait3A_66 = arith.constant 1 : i32
    %dma_wait3A_67 = arith.constant 0 : i32
    %dma_wait3A_68 = arith.constant 0 : i32
    %dma_wait3A_69 = tpu.memref_slice %arg7[%dma_wait3A_67, %dma_wait3A_68] : memref<79x128xi32, #tpu.memory_space<vmem>> -> memref<78x128xi32, #tpu.memory_space<vmem>>
    %dma_wait3A_70 = arith.constant 0 : i32
    %dma_wait3A_71 = tpu.memref_slice %arg2[%dma_wait3A_66, %mul3A_32, %dma_wait3A_70] : memref<2x2500x128xi32, #tpu.memory_space<hbm>> -> memref<1x78x128xi32, #tpu.memory_space<hbm>>
    %dma_wait3A_72 = tpu.memref_squeeze %dma_wait3A_71 : memref<1x78x128xi32, #tpu.memory_space<hbm>> -> memref<78x128xi32, #tpu.memory_space<hbm>>
    %dma_wait3A_73 = arith.constant 0 : i32
    %dma_wait3A_74 = arith.constant 0 : i32
    %dma_wait3A_75 = tpu.memref_slice %arg7[%dma_wait3A_73, %dma_wait3A_74] : memref<79x128xi32, #tpu.memory_space<vmem>> -> memref<78x128xi32, #tpu.memory_space<vmem>>
    %dma_wait3A_76 = arith.constant 0 : i32
    %dma_wait3A_77 = tpu.memref_slice %arg2[%dma_wait3A_66, %mul3A_32, %dma_wait3A_76] : memref<2x2500x128xi32, #tpu.memory_space<hbm>> -> memref<1x78x128xi32, #tpu.memory_space<hbm>>
    %dma_wait3A_78 = tpu.memref_squeeze %dma_wait3A_77 : memref<1x78x128xi32, #tpu.memory_space<hbm>> -> memref<78x128xi32, #tpu.memory_space<hbm>>
    tpu.wait_dma2 semaphore(%arg14 : memref<!tpu.dma_semaphore, #tpu.memory_space<semaphore_mem>>) src(%dma_wait3A_78 : memref<78x128xi32, #tpu.memory_space<hbm>>) dst(%dma_wait3A_75 : memref<78x128xi32, #tpu.memory_space<vmem>>)
    %lt3A = arith.constant 4 : i32
    %lt3A_79 = arith.cmpi slt, %add3A, %lt3A : i32
    %convert_element_type3A = arith.extui %lt3A_79 : i1 to i32
    %cond3A = arith.constant 0 : i32
    %cond3A_80 = arith.cmpi ne, %convert_element_type3A, %cond3A : i32
    scf.if %cond3A_80 {
      %add3A_192 = arith.constant 2496 : i32
      %add3A_193 = arith.addi %add3A_192, %add3A : i32
      %run_scoped3A = arith.constant 0 : i32
      "tpu.region"() ({
        %run_scoped3A_197 = tpu.sem_alloc : memref<!tpu.dma_semaphore, #tpu.memory_space<semaphore_mem>>
        %dma_start3A_198 = arith.constant 78 : i32
        %dma_start3A_199 = arith.constant 0 : i32
        %dma_start3A_200 = tpu.memref_slice %arg6[%dma_start3A_198, %dma_start3A_199] : memref<79x128xi32, #tpu.memory_space<vmem>> -> memref<1x128xi32, #tpu.memory_space<vmem>>
        %dma_start3A_201 = arith.constant 0 : i32
        %dma_start3A_202 = tpu.memref_slice %arg2[%run_scoped3A, %add3A_193, %dma_start3A_201] : memref<2x2500x128xi32, #tpu.memory_space<hbm>> -> memref<1x1x128xi32, #tpu.memory_space<hbm>>
        %dma_start3A_203 = tpu.memref_squeeze %dma_start3A_202 : memref<1x1x128xi32, #tpu.memory_space<hbm>> -> memref<1x128xi32, #tpu.memory_space<hbm>>
        %dma_start3A_204 = arith.constant 78 : i32
        %dma_start3A_205 = arith.constant 0 : i32
        %dma_start3A_206 = tpu.memref_slice %arg6[%dma_start3A_204, %dma_start3A_205] : memref<79x128xi32, #tpu.memory_space<vmem>> -> memref<1x128xi32, #tpu.memory_space<vmem>>
        %dma_start3A_207 = arith.constant 0 : i32
        %dma_start3A_208 = tpu.memref_slice %arg2[%run_scoped3A, %add3A_193, %dma_start3A_207] : memref<2x2500x128xi32, #tpu.memory_space<hbm>> -> memref<1x1x128xi32, #tpu.memory_space<hbm>>
        %dma_start3A_209 = tpu.memref_squeeze %dma_start3A_208 : memref<1x1x128xi32, #tpu.memory_space<hbm>> -> memref<1x128xi32, #tpu.memory_space<hbm>>
        tpu.enqueue_dma source(%dma_start3A_209 : memref<1x128xi32, #tpu.memory_space<hbm>>) target(%dma_start3A_206 : memref<1x128xi32, #tpu.memory_space<vmem>>) target_semaphore(%run_scoped3A_197 : memref<!tpu.dma_semaphore, #tpu.memory_space<semaphore_mem>>)
        %dma_wait3A_210 = arith.constant 78 : i32
        %dma_wait3A_211 = arith.constant 0 : i32
        %dma_wait3A_212 = tpu.memref_slice %arg6[%dma_wait3A_210, %dma_wait3A_211] : memref<79x128xi32, #tpu.memory_space<vmem>> -> memref<1x128xi32, #tpu.memory_space<vmem>>
        %dma_wait3A_213 = arith.constant 0 : i32
        %dma_wait3A_214 = tpu.memref_slice %arg2[%run_scoped3A, %add3A_193, %dma_wait3A_213] : memref<2x2500x128xi32, #tpu.memory_space<hbm>> -> memref<1x1x128xi32, #tpu.memory_space<hbm>>
        %dma_wait3A_215 = tpu.memref_squeeze %dma_wait3A_214 : memref<1x1x128xi32, #tpu.memory_space<hbm>> -> memref<1x128xi32, #tpu.memory_space<hbm>>
        %dma_wait3A_216 = arith.constant 78 : i32
        %dma_wait3A_217 = arith.constant 0 : i32
        %dma_wait3A_218 = tpu.memref_slice %arg6[%dma_wait3A_216, %dma_wait3A_217] : memref<79x128xi32, #tpu.memory_space<vmem>> -> memref<1x128xi32, #tpu.memory_space<vmem>>
        %dma_wait3A_219 = arith.constant 0 : i32
        %dma_wait3A_220 = tpu.memref_slice %arg2[%run_scoped3A, %add3A_193, %dma_wait3A_219] : memref<2x2500x128xi32, #tpu.memory_space<hbm>> -> memref<1x1x128xi32, #tpu.memory_space<hbm>>
        %dma_wait3A_221 = tpu.memref_squeeze %dma_wait3A_220 : memref<1x1x128xi32, #tpu.memory_space<hbm>> -> memref<1x128xi32, #tpu.memory_space<hbm>>
        tpu.wait_dma2 semaphore(%run_scoped3A_197 : memref<!tpu.dma_semaphore, #tpu.memory_space<semaphore_mem>>) src(%dma_wait3A_221 : memref<1x128xi32, #tpu.memory_space<hbm>>) dst(%dma_wait3A_218 : memref<1x128xi32, #tpu.memory_space<vmem>>)
        tpu.yield
      }) : () -> ()
      %add3A_194 = arith.constant 2496 : i32
      %add3A_195 = arith.addi %add3A_194, %add3A : i32
      %run_scoped3A_196 = arith.constant 1 : i32
      "tpu.region"() ({
        %run_scoped3A_197 = tpu.sem_alloc : memref<!tpu.dma_semaphore, #tpu.memory_space<semaphore_mem>>
        %dma_start3A_198 = arith.constant 78 : i32
        %dma_start3A_199 = arith.constant 0 : i32
        %dma_start3A_200 = tpu.memref_slice %arg7[%dma_start3A_198, %dma_start3A_199] : memref<79x128xi32, #tpu.memory_space<vmem>> -> memref<1x128xi32, #tpu.memory_space<vmem>>
        %dma_start3A_201 = arith.constant 0 : i32
        %dma_start3A_202 = tpu.memref_slice %arg2[%run_scoped3A_196, %add3A_195, %dma_start3A_201] : memref<2x2500x128xi32, #tpu.memory_space<hbm>> -> memref<1x1x128xi32, #tpu.memory_space<hbm>>
        %dma_start3A_203 = tpu.memref_squeeze %dma_start3A_202 : memref<1x1x128xi32, #tpu.memory_space<hbm>> -> memref<1x128xi32, #tpu.memory_space<hbm>>
        %dma_start3A_204 = arith.constant 78 : i32
        %dma_start3A_205 = arith.constant 0 : i32
        %dma_start3A_206 = tpu.memref_slice %arg7[%dma_start3A_204, %dma_start3A_205] : memref<79x128xi32, #tpu.memory_space<vmem>> -> memref<1x128xi32, #tpu.memory_space<vmem>>
        %dma_start3A_207 = arith.constant 0 : i32
        %dma_start3A_208 = tpu.memref_slice %arg2[%run_scoped3A_196, %add3A_195, %dma_start3A_207] : memref<2x2500x128xi32, #tpu.memory_space<hbm>> -> memref<1x1x128xi32, #tpu.memory_space<hbm>>
        %dma_start3A_209 = tpu.memref_squeeze %dma_start3A_208 : memref<1x1x128xi32, #tpu.memory_space<hbm>> -> memref<1x128xi32, #tpu.memory_space<hbm>>
        tpu.enqueue_dma source(%dma_start3A_209 : memref<1x128xi32, #tpu.memory_space<hbm>>) target(%dma_start3A_206 : memref<1x128xi32, #tpu.memory_space<vmem>>) target_semaphore(%run_scoped3A_197 : memref<!tpu.dma_semaphore, #tpu.memory_space<semaphore_mem>>)
        %dma_wait3A_210 = arith.constant 78 : i32
        %dma_wait3A_211 = arith.constant 0 : i32
        %dma_wait3A_212 = tpu.memref_slice %arg7[%dma_wait3A_210, %dma_wait3A_211] : memref<79x128xi32, #tpu.memory_space<vmem>> -> memref<1x128xi32, #tpu.memory_space<vmem>>
        %dma_wait3A_213 = arith.constant 0 : i32
        %dma_wait3A_214 = tpu.memref_slice %arg2[%run_scoped3A_196, %add3A_195, %dma_wait3A_213] : memref<2x2500x128xi32, #tpu.memory_space<hbm>> -> memref<1x1x128xi32, #tpu.memory_space<hbm>>
        %dma_wait3A_215 = tpu.memref_squeeze %dma_wait3A_214 : memref<1x1x128xi32, #tpu.memory_space<hbm>> -> memref<1x128xi32, #tpu.memory_space<hbm>>
        %dma_wait3A_216 = arith.constant 78 : i32
        %dma_wait3A_217 = arith.constant 0 : i32
        %dma_wait3A_218 = tpu.memref_slice %arg7[%dma_wait3A_216, %dma_wait3A_217] : memref<79x128xi32, #tpu.memory_space<vmem>> -> memref<1x128xi32, #tpu.memory_space<vmem>>
        %dma_wait3A_219 = arith.constant 0 : i32
        %dma_wait3A_220 = tpu.memref_slice %arg2[%run_scoped3A_196, %add3A_195, %dma_wait3A_219] : memref<2x2500x128xi32, #tpu.memory_space<hbm>> -> memref<1x1x128xi32, #tpu.memory_space<hbm>>
        %dma_wait3A_221 = tpu.memref_squeeze %dma_wait3A_220 : memref<1x1x128xi32, #tpu.memory_space<hbm>> -> memref<1x128xi32, #tpu.memory_space<hbm>>
        tpu.wait_dma2 semaphore(%run_scoped3A_197 : memref<!tpu.dma_semaphore, #tpu.memory_space<semaphore_mem>>) src(%dma_wait3A_221 : memref<1x128xi32, #tpu.memory_space<hbm>>) dst(%dma_wait3A_218 : memref<1x128xi32, #tpu.memory_space<vmem>>)
        tpu.yield
      }) : () -> ()
    } else {
    }
    %barrier3A = arith.constant 0 : index
    tpu.barrier barrier_id(%barrier3A)
    %scan3A = arith.constant 0 : i32
    %scan3A_81 = arith.constant 0 : i32
    %scan3A_82 = arith.constant 19 : i32
    %scan3A_83 = arith.addi %scan3A_81, %scan3A_82 : i32
    %scan3A_84 = arith.constant 1 : i32
    scf.for %scan3A_192 = %scan3A_81 to %scan3A_83 step %scan3A_84  : i32 {
      %mul3A_193 = arith.constant 4 : i32
      %mul3A_194 = arith.muli %mul3A_193, %scan3A_192 : i32
      %add3A_195 = arith.constant 0 : i32
      %add3A_196 = arith.addi %mul3A_194, %add3A_195 : i32
      %dma_start3A_197 = arith.constant 0 : i32
      %dma_start3A_198 = arith.constant 0 : i32
      %dma_start3A_199 = arith.constant 0 : i32
      %dma_start3A_200 = tpu.memref_slice %arg8[%dma_start3A_197, %dma_start3A_198, %dma_start3A_199] : memref<4x128x8xf32, #tpu.memory_space<vmem>> -> memref<1x128x8xf32, #tpu.memory_space<vmem>>
      %dma_start3A_201 = tpu.memref_squeeze %dma_start3A_200 : memref<1x128x8xf32, #tpu.memory_space<vmem>> -> memref<128x8xf32, #tpu.memory_space<vmem>>
      %dma_start3A_202 = arith.constant 0 : i32
      %dma_start3A_203 = tpu.memref_slice %arg6[%add3A_196, %dma_start3A_202] : memref<79x128xi32, #tpu.memory_space<vmem>> -> memref<1x128xi32, #tpu.memory_space<vmem>>
      %dma_start3A_204 = tpu.memref_squeeze %dma_start3A_203 : memref<1x128xi32, #tpu.memory_space<vmem>> -> memref<128xi32, #tpu.memory_space<vmem>>
      %dma_start3A_205 = arith.constant 0 : i32
      %dma_start3A_206 = arith.constant 0 : i32
      %dma_start3A_207 = tpu.memref_slice %arg9[%dma_start3A_205, %dma_start3A_206] : memref<10000x8xf32, #tpu.memory_space<vmem_shared>> -> memref<10000x8xf32, #tpu.memory_space<vmem_shared>>
      tpu.enqueue_indirect_dma source(%dma_start3A_207 : memref<10000x8xf32, #tpu.memory_space<vmem_shared>>) target(%dma_start3A_201 : memref<128x8xf32, #tpu.memory_space<vmem>>) offsets(%dma_start3A_204 : memref<128xi32, #tpu.memory_space<vmem>>) semaphore(%arg11 : memref<!tpu.dma_semaphore, #tpu.memory_space<semaphore_mem>>)
      %add3A_208 = arith.constant 1 : i32
      %add3A_209 = arith.addi %mul3A_194, %add3A_208 : i32
      %dma_start3A_210 = arith.constant 1 : i32
      %dma_start3A_211 = arith.constant 0 : i32
      %dma_start3A_212 = arith.constant 0 : i32
      %dma_start3A_213 = tpu.memref_slice %arg8[%dma_start3A_210, %dma_start3A_211, %dma_start3A_212] : memref<4x128x8xf32, #tpu.memory_space<vmem>> -> memref<1x128x8xf32, #tpu.memory_space<vmem>>
      %dma_start3A_214 = tpu.memref_squeeze %dma_start3A_213 : memref<1x128x8xf32, #tpu.memory_space<vmem>> -> memref<128x8xf32, #tpu.memory_space<vmem>>
      %dma_start3A_215 = arith.constant 0 : i32
      %dma_start3A_216 = tpu.memref_slice %arg6[%add3A_209, %dma_start3A_215] : memref<79x128xi32, #tpu.memory_space<vmem>> -> memref<1x128xi32, #tpu.memory_space<vmem>>
      %dma_start3A_217 = tpu.memref_squeeze %dma_start3A_216 : memref<1x128xi32, #tpu.memory_space<vmem>> -> memref<128xi32, #tpu.memory_space<vmem>>
      %dma_start3A_218 = arith.constant 0 : i32
      %dma_start3A_219 = arith.constant 0 : i32
      %dma_start3A_220 = tpu.memref_slice %arg9[%dma_start3A_218, %dma_start3A_219] : memref<10000x8xf32, #tpu.memory_space<vmem_shared>> -> memref<10000x8xf32, #tpu.memory_space<vmem_shared>>
      tpu.enqueue_indirect_dma source(%dma_start3A_220 : memref<10000x8xf32, #tpu.memory_space<vmem_shared>>) target(%dma_start3A_214 : memref<128x8xf32, #tpu.memory_space<vmem>>) offsets(%dma_start3A_217 : memref<128xi32, #tpu.memory_space<vmem>>) semaphore(%arg12 : memref<!tpu.dma_semaphore, #tpu.memory_space<semaphore_mem>>)
      %add3A_221 = arith.constant 2 : i32
      %add3A_222 = arith.addi %mul3A_194, %add3A_221 : i32
      %dma_start3A_223 = arith.constant 2 : i32
      %dma_start3A_224 = arith.constant 0 : i32
      %dma_start3A_225 = arith.constant 0 : i32
      %dma_start3A_226 = tpu.memref_slice %arg8[%dma_start3A_223, %dma_start3A_224, %dma_start3A_225] : memref<4x128x8xf32, #tpu.memory_space<vmem>> -> memref<1x128x8xf32, #tpu.memory_space<vmem>>
      %dma_start3A_227 = tpu.memref_squeeze %dma_start3A_226 : memref<1x128x8xf32, #tpu.memory_space<vmem>> -> memref<128x8xf32, #tpu.memory_space<vmem>>
      %dma_start3A_228 = arith.constant 0 : i32
      %dma_start3A_229 = tpu.memref_slice %arg6[%add3A_222, %dma_start3A_228] : memref<79x128xi32, #tpu.memory_space<vmem>> -> memref<1x128xi32, #tpu.memory_space<vmem>>
      %dma_start3A_230 = tpu.memref_squeeze %dma_start3A_229 : memref<1x128xi32, #tpu.memory_space<vmem>> -> memref<128xi32, #tpu.memory_space<vmem>>
      %dma_start3A_231 = arith.constant 0 : i32
      %dma_start3A_232 = arith.constant 0 : i32
      %dma_start3A_233 = tpu.memref_slice %arg9[%dma_start3A_231, %dma_start3A_232] : memref<10000x8xf32, #tpu.memory_space<vmem_shared>> -> memref<10000x8xf32, #tpu.memory_space<vmem_shared>>
      tpu.enqueue_indirect_dma source(%dma_start3A_233 : memref<10000x8xf32, #tpu.memory_space<vmem_shared>>) target(%dma_start3A_227 : memref<128x8xf32, #tpu.memory_space<vmem>>) offsets(%dma_start3A_230 : memref<128xi32, #tpu.memory_space<vmem>>) semaphore(%arg13 : memref<!tpu.dma_semaphore, #tpu.memory_space<semaphore_mem>>)
      %add3A_234 = arith.constant 3 : i32
      %add3A_235 = arith.addi %mul3A_194, %add3A_234 : i32
      %dma_start3A_236 = arith.constant 3 : i32
      %dma_start3A_237 = arith.constant 0 : i32
      %dma_start3A_238 = arith.constant 0 : i32
      %dma_start3A_239 = tpu.memref_slice %arg8[%dma_start3A_236, %dma_start3A_237, %dma_start3A_238] : memref<4x128x8xf32, #tpu.memory_space<vmem>> -> memref<1x128x8xf32, #tpu.memory_space<vmem>>
      %dma_start3A_240 = tpu.memref_squeeze %dma_start3A_239 : memref<1x128x8xf32, #tpu.memory_space<vmem>> -> memref<128x8xf32, #tpu.memory_space<vmem>>
      %dma_start3A_241 = arith.constant 0 : i32
      %dma_start3A_242 = tpu.memref_slice %arg6[%add3A_235, %dma_start3A_241] : memref<79x128xi32, #tpu.memory_space<vmem>> -> memref<1x128xi32, #tpu.memory_space<vmem>>
      %dma_start3A_243 = tpu.memref_squeeze %dma_start3A_242 : memref<1x128xi32, #tpu.memory_space<vmem>> -> memref<128xi32, #tpu.memory_space<vmem>>
      %dma_start3A_244 = arith.constant 0 : i32
      %dma_start3A_245 = arith.constant 0 : i32
      %dma_start3A_246 = tpu.memref_slice %arg9[%dma_start3A_244, %dma_start3A_245] : memref<10000x8xf32, #tpu.memory_space<vmem_shared>> -> memref<10000x8xf32, #tpu.memory_space<vmem_shared>>
      tpu.enqueue_indirect_dma source(%dma_start3A_246 : memref<10000x8xf32, #tpu.memory_space<vmem_shared>>) target(%dma_start3A_240 : memref<128x8xf32, #tpu.memory_space<vmem>>) offsets(%dma_start3A_243 : memref<128xi32, #tpu.memory_space<vmem>>) semaphore(%arg14 : memref<!tpu.dma_semaphore, #tpu.memory_space<semaphore_mem>>)
      %dma_wait3A_247 = arith.constant 0 : i32
      %dma_wait3A_248 = arith.constant 0 : i32
      %dma_wait3A_249 = arith.constant 0 : i32
      %dma_wait3A_250 = tpu.memref_slice %arg8[%dma_wait3A_247, %dma_wait3A_248, %dma_wait3A_249] : memref<4x128x8xf32, #tpu.memory_space<vmem>> -> memref<1x128x8xf32, #tpu.memory_space<vmem>>
      %dma_wait3A_251 = tpu.memref_squeeze %dma_wait3A_250 : memref<1x128x8xf32, #tpu.memory_space<vmem>> -> memref<128x8xf32, #tpu.memory_space<vmem>>
      %dma_wait3A_252 = arith.constant 0 : i32
      %dma_wait3A_253 = tpu.memref_slice %arg6[%add3A_196, %dma_wait3A_252] : memref<79x128xi32, #tpu.memory_space<vmem>> -> memref<1x128xi32, #tpu.memory_space<vmem>>
      %dma_wait3A_254 = tpu.memref_squeeze %dma_wait3A_253 : memref<1x128xi32, #tpu.memory_space<vmem>> -> memref<128xi32, #tpu.memory_space<vmem>>
      %dma_wait3A_255 = arith.constant 0 : i32
      %dma_wait3A_256 = arith.constant 0 : i32
      %dma_wait3A_257 = tpu.memref_slice %arg9[%dma_wait3A_255, %dma_wait3A_256] : memref<10000x8xf32, #tpu.memory_space<vmem_shared>> -> memref<10000x8xf32, #tpu.memory_space<vmem_shared>>
      tpu.wait_indirect_dma semaphore(%arg11 : memref<!tpu.dma_semaphore, #tpu.memory_space<semaphore_mem>>) src(%dma_wait3A_257 : memref<10000x8xf32, #tpu.memory_space<vmem_shared>>) dst(%dma_wait3A_251 : memref<128x8xf32, #tpu.memory_space<vmem>>)
      %add3A_258 = arith.constant 0 : i32
      %add3A_259 = arith.addi %mul3A_194, %add3A_258 : i32
      %dma_start3A_260 = arith.constant 0 : i32
      %dma_start3A_261 = arith.constant 0 : i32
      %dma_start3A_262 = arith.constant 0 : i32
      %dma_start3A_263 = tpu.memref_slice %arg8[%dma_start3A_260, %dma_start3A_261, %dma_start3A_262] : memref<4x128x8xf32, #tpu.memory_space<vmem>> -> memref<1x128x8xf32, #tpu.memory_space<vmem>>
      %dma_start3A_264 = tpu.memref_squeeze %dma_start3A_263 : memref<1x128x8xf32, #tpu.memory_space<vmem>> -> memref<128x8xf32, #tpu.memory_space<vmem>>
      %dma_start3A_265 = arith.constant 0 : i32
      %dma_start3A_266 = tpu.memref_slice %arg7[%add3A_259, %dma_start3A_265] : memref<79x128xi32, #tpu.memory_space<vmem>> -> memref<1x128xi32, #tpu.memory_space<vmem>>
      %dma_start3A_267 = tpu.memref_squeeze %dma_start3A_266 : memref<1x128xi32, #tpu.memory_space<vmem>> -> memref<128xi32, #tpu.memory_space<vmem>>
      %dma_start3A_268 = arith.constant 0 : i32
      %dma_start3A_269 = arith.constant 0 : i32
      %dma_start3A_270 = tpu.memref_slice %arg10[%dma_start3A_268, %dma_start3A_269] : memref<10000x8xf32, #tpu.memory_space<vmem_shared>> -> memref<10000x8xf32, #tpu.memory_space<vmem_shared>>
      tpu.enqueue_indirect_dma source(%dma_start3A_264 : memref<128x8xf32, #tpu.memory_space<vmem>>) target(%dma_start3A_270 : memref<10000x8xf32, #tpu.memory_space<vmem_shared>>) offsets(%dma_start3A_267 : memref<128xi32, #tpu.memory_space<vmem>>) semaphore(%arg15 : memref<!tpu.dma_semaphore, #tpu.memory_space<semaphore_mem>>) {add = true}
      %dma_wait3A_271 = arith.constant 1 : i32
      %dma_wait3A_272 = arith.constant 0 : i32
      %dma_wait3A_273 = arith.constant 0 : i32
      %dma_wait3A_274 = tpu.memref_slice %arg8[%dma_wait3A_271, %dma_wait3A_272, %dma_wait3A_273] : memref<4x128x8xf32, #tpu.memory_space<vmem>> -> memref<1x128x8xf32, #tpu.memory_space<vmem>>
      %dma_wait3A_275 = tpu.memref_squeeze %dma_wait3A_274 : memref<1x128x8xf32, #tpu.memory_space<vmem>> -> memref<128x8xf32, #tpu.memory_space<vmem>>
      %dma_wait3A_276 = arith.constant 0 : i32
      %dma_wait3A_277 = tpu.memref_slice %arg6[%add3A_209, %dma_wait3A_276] : memref<79x128xi32, #tpu.memory_space<vmem>> -> memref<1x128xi32, #tpu.memory_space<vmem>>
      %dma_wait3A_278 = tpu.memref_squeeze %dma_wait3A_277 : memref<1x128xi32, #tpu.memory_space<vmem>> -> memref<128xi32, #tpu.memory_space<vmem>>
      %dma_wait3A_279 = arith.constant 0 : i32
      %dma_wait3A_280 = arith.constant 0 : i32
      %dma_wait3A_281 = tpu.memref_slice %arg9[%dma_wait3A_279, %dma_wait3A_280] : memref<10000x8xf32, #tpu.memory_space<vmem_shared>> -> memref<10000x8xf32, #tpu.memory_space<vmem_shared>>
      tpu.wait_indirect_dma semaphore(%arg12 : memref<!tpu.dma_semaphore, #tpu.memory_space<semaphore_mem>>) src(%dma_wait3A_281 : memref<10000x8xf32, #tpu.memory_space<vmem_shared>>) dst(%dma_wait3A_275 : memref<128x8xf32, #tpu.memory_space<vmem>>)
      %add3A_282 = arith.constant 1 : i32
      %add3A_283 = arith.addi %mul3A_194, %add3A_282 : i32
      %dma_start3A_284 = arith.constant 1 : i32
      %dma_start3A_285 = arith.constant 0 : i32
      %dma_start3A_286 = arith.constant 0 : i32
      %dma_start3A_287 = tpu.memref_slice %arg8[%dma_start3A_284, %dma_start3A_285, %dma_start3A_286] : memref<4x128x8xf32, #tpu.memory_space<vmem>> -> memref<1x128x8xf32, #tpu.memory_space<vmem>>
      %dma_start3A_288 = tpu.memref_squeeze %dma_start3A_287 : memref<1x128x8xf32, #tpu.memory_space<vmem>> -> memref<128x8xf32, #tpu.memory_space<vmem>>
      %dma_start3A_289 = arith.constant 0 : i32
      %dma_start3A_290 = tpu.memref_slice %arg7[%add3A_283, %dma_start3A_289] : memref<79x128xi32, #tpu.memory_space<vmem>> -> memref<1x128xi32, #tpu.memory_space<vmem>>
      %dma_start3A_291 = tpu.memref_squeeze %dma_start3A_290 : memref<1x128xi32, #tpu.memory_space<vmem>> -> memref<128xi32, #tpu.memory_space<vmem>>
      %dma_start3A_292 = arith.constant 0 : i32
      %dma_start3A_293 = arith.constant 0 : i32
      %dma_start3A_294 = tpu.memref_slice %arg10[%dma_start3A_292, %dma_start3A_293] : memref<10000x8xf32, #tpu.memory_space<vmem_shared>> -> memref<10000x8xf32, #tpu.memory_space<vmem_shared>>
      tpu.enqueue_indirect_dma source(%dma_start3A_288 : memref<128x8xf32, #tpu.memory_space<vmem>>) target(%dma_start3A_294 : memref<10000x8xf32, #tpu.memory_space<vmem_shared>>) offsets(%dma_start3A_291 : memref<128xi32, #tpu.memory_space<vmem>>) semaphore(%arg16 : memref<!tpu.dma_semaphore, #tpu.memory_space<semaphore_mem>>) {add = true}
      %dma_wait3A_295 = arith.constant 2 : i32
      %dma_wait3A_296 = arith.constant 0 : i32
      %dma_wait3A_297 = arith.constant 0 : i32
      %dma_wait3A_298 = tpu.memref_slice %arg8[%dma_wait3A_295, %dma_wait3A_296, %dma_wait3A_297] : memref<4x128x8xf32, #tpu.memory_space<vmem>> -> memref<1x128x8xf32, #tpu.memory_space<vmem>>
      %dma_wait3A_299 = tpu.memref_squeeze %dma_wait3A_298 : memref<1x128x8xf32, #tpu.memory_space<vmem>> -> memref<128x8xf32, #tpu.memory_space<vmem>>
      %dma_wait3A_300 = arith.constant 0 : i32
      %dma_wait3A_301 = tpu.memref_slice %arg6[%add3A_222, %dma_wait3A_300] : memref<79x128xi32, #tpu.memory_space<vmem>> -> memref<1x128xi32, #tpu.memory_space<vmem>>
      %dma_wait3A_302 = tpu.memref_squeeze %dma_wait3A_301 : memref<1x128xi32, #tpu.memory_space<vmem>> -> memref<128xi32, #tpu.memory_space<vmem>>
      %dma_wait3A_303 = arith.constant 0 : i32
      %dma_wait3A_304 = arith.constant 0 : i32
      %dma_wait3A_305 = tpu.memref_slice %arg9[%dma_wait3A_303, %dma_wait3A_304] : memref<10000x8xf32, #tpu.memory_space<vmem_shared>> -> memref<10000x8xf32, #tpu.memory_space<vmem_shared>>
      tpu.wait_indirect_dma semaphore(%arg13 : memref<!tpu.dma_semaphore, #tpu.memory_space<semaphore_mem>>) src(%dma_wait3A_305 : memref<10000x8xf32, #tpu.memory_space<vmem_shared>>) dst(%dma_wait3A_299 : memref<128x8xf32, #tpu.memory_space<vmem>>)
      %add3A_306 = arith.constant 2 : i32
      %add3A_307 = arith.addi %mul3A_194, %add3A_306 : i32
      %dma_start3A_308 = arith.constant 2 : i32
      %dma_start3A_309 = arith.constant 0 : i32
      %dma_start3A_310 = arith.constant 0 : i32
      %dma_start3A_311 = tpu.memref_slice %arg8[%dma_start3A_308, %dma_start3A_309, %dma_start3A_310] : memref<4x128x8xf32, #tpu.memory_space<vmem>> -> memref<1x128x8xf32, #tpu.memory_space<vmem>>
      %dma_start3A_312 = tpu.memref_squeeze %dma_start3A_311 : memref<1x128x8xf32, #tpu.memory_space<vmem>> -> memref<128x8xf32, #tpu.memory_space<vmem>>
      %dma_start3A_313 = arith.constant 0 : i32
      %dma_start3A_314 = tpu.memref_slice %arg7[%add3A_307, %dma_start3A_313] : memref<79x128xi32, #tpu.memory_space<vmem>> -> memref<1x128xi32, #tpu.memory_space<vmem>>
      %dma_start3A_315 = tpu.memref_squeeze %dma_start3A_314 : memref<1x128xi32, #tpu.memory_space<vmem>> -> memref<128xi32, #tpu.memory_space<vmem>>
      %dma_start3A_316 = arith.constant 0 : i32
      %dma_start3A_317 = arith.constant 0 : i32
      %dma_start3A_318 = tpu.memref_slice %arg10[%dma_start3A_316, %dma_start3A_317] : memref<10000x8xf32, #tpu.memory_space<vmem_shared>> -> memref<10000x8xf32, #tpu.memory_space<vmem_shared>>
      tpu.enqueue_indirect_dma source(%dma_start3A_312 : memref<128x8xf32, #tpu.memory_space<vmem>>) target(%dma_start3A_318 : memref<10000x8xf32, #tpu.memory_space<vmem_shared>>) offsets(%dma_start3A_315 : memref<128xi32, #tpu.memory_space<vmem>>) semaphore(%arg17 : memref<!tpu.dma_semaphore, #tpu.memory_space<semaphore_mem>>) {add = true}
      %dma_wait3A_319 = arith.constant 3 : i32
      %dma_wait3A_320 = arith.constant 0 : i32
      %dma_wait3A_321 = arith.constant 0 : i32
      %dma_wait3A_322 = tpu.memref_slice %arg8[%dma_wait3A_319, %dma_wait3A_320, %dma_wait3A_321] : memref<4x128x8xf32, #tpu.memory_space<vmem>> -> memref<1x128x8xf32, #tpu.memory_space<vmem>>
      %dma_wait3A_323 = tpu.memref_squeeze %dma_wait3A_322 : memref<1x128x8xf32, #tpu.memory_space<vmem>> -> memref<128x8xf32, #tpu.memory_space<vmem>>
      %dma_wait3A_324 = arith.constant 0 : i32
      %dma_wait3A_325 = tpu.memref_slice %arg6[%add3A_235, %dma_wait3A_324] : memref<79x128xi32, #tpu.memory_space<vmem>> -> memref<1x128xi32, #tpu.memory_space<vmem>>
      %dma_wait3A_326 = tpu.memref_squeeze %dma_wait3A_325 : memref<1x128xi32, #tpu.memory_space<vmem>> -> memref<128xi32, #tpu.memory_space<vmem>>
      %dma_wait3A_327 = arith.constant 0 : i32
      %dma_wait3A_328 = arith.constant 0 : i32
      %dma_wait3A_329 = tpu.memref_slice %arg9[%dma_wait3A_327, %dma_wait3A_328] : memref<10000x8xf32, #tpu.memory_space<vmem_shared>> -> memref<10000x8xf32, #tpu.memory_space<vmem_shared>>
      tpu.wait_indirect_dma semaphore(%arg14 : memref<!tpu.dma_semaphore, #tpu.memory_space<semaphore_mem>>) src(%dma_wait3A_329 : memref<10000x8xf32, #tpu.memory_space<vmem_shared>>) dst(%dma_wait3A_323 : memref<128x8xf32, #tpu.memory_space<vmem>>)
      %add3A_330 = arith.constant 3 : i32
      %add3A_331 = arith.addi %mul3A_194, %add3A_330 : i32
      %dma_start3A_332 = arith.constant 3 : i32
      %dma_start3A_333 = arith.constant 0 : i32
      %dma_start3A_334 = arith.constant 0 : i32
      %dma_start3A_335 = tpu.memref_slice %arg8[%dma_start3A_332, %dma_start3A_333, %dma_start3A_334] : memref<4x128x8xf32, #tpu.memory_space<vmem>> -> memref<1x128x8xf32, #tpu.memory_space<vmem>>
      %dma_start3A_336 = tpu.memref_squeeze %dma_start3A_335 : memref<1x128x8xf32, #tpu.memory_space<vmem>> -> memref<128x8xf32, #tpu.memory_space<vmem>>
      %dma_start3A_337 = arith.constant 0 : i32
      %dma_start3A_338 = tpu.memref_slice %arg7[%add3A_331, %dma_start3A_337] : memref<79x128xi32, #tpu.memory_space<vmem>> -> memref<1x128xi32, #tpu.memory_space<vmem>>
      %dma_start3A_339 = tpu.memref_squeeze %dma_start3A_338 : memref<1x128xi32, #tpu.memory_space<vmem>> -> memref<128xi32, #tpu.memory_space<vmem>>
      %dma_start3A_340 = arith.constant 0 : i32
      %dma_start3A_341 = arith.constant 0 : i32
      %dma_start3A_342 = tpu.memref_slice %arg10[%dma_start3A_340, %dma_start3A_341] : memref<10000x8xf32, #tpu.memory_space<vmem_shared>> -> memref<10000x8xf32, #tpu.memory_space<vmem_shared>>
      tpu.enqueue_indirect_dma source(%dma_start3A_336 : memref<128x8xf32, #tpu.memory_space<vmem>>) target(%dma_start3A_342 : memref<10000x8xf32, #tpu.memory_space<vmem_shared>>) offsets(%dma_start3A_339 : memref<128xi32, #tpu.memory_space<vmem>>) semaphore(%arg18 : memref<!tpu.dma_semaphore, #tpu.memory_space<semaphore_mem>>) {add = true}
      %dma_wait3A_343 = arith.constant 0 : i32
      %dma_wait3A_344 = arith.constant 0 : i32
      %dma_wait3A_345 = arith.constant 0 : i32
      %dma_wait3A_346 = tpu.memref_slice %arg8[%dma_wait3A_343, %dma_wait3A_344, %dma_wait3A_345] : memref<4x128x8xf32, #tpu.memory_space<vmem>> -> memref<1x128x8xf32, #tpu.memory_space<vmem>>
      %dma_wait3A_347 = tpu.memref_squeeze %dma_wait3A_346 : memref<1x128x8xf32, #tpu.memory_space<vmem>> -> memref<128x8xf32, #tpu.memory_space<vmem>>
      %dma_wait3A_348 = arith.constant 0 : i32
      %dma_wait3A_349 = tpu.memref_slice %arg7[%add3A_259, %dma_wait3A_348] : memref<79x128xi32, #tpu.memory_space<vmem>> -> memref<1x128xi32, #tpu.memory_space<vmem>>
      %dma_wait3A_350 = tpu.memref_squeeze %dma_wait3A_349 : memref<1x128xi32, #tpu.memory_space<vmem>> -> memref<128xi32, #tpu.memory_space<vmem>>
      %dma_wait3A_351 = arith.constant 0 : i32
      %dma_wait3A_352 = arith.constant 0 : i32
      %dma_wait3A_353 = tpu.memref_slice %arg10[%dma_wait3A_351, %dma_wait3A_352] : memref<10000x8xf32, #tpu.memory_space<vmem_shared>> -> memref<10000x8xf32, #tpu.memory_space<vmem_shared>>
      tpu.wait_indirect_dma semaphore(%arg15 : memref<!tpu.dma_semaphore, #tpu.memory_space<semaphore_mem>>) src(%dma_wait3A_347 : memref<128x8xf32, #tpu.memory_space<vmem>>) dst(%dma_wait3A_353 : memref<10000x8xf32, #tpu.memory_space<vmem_shared>>)
      %dma_wait3A_354 = arith.constant 1 : i32
      %dma_wait3A_355 = arith.constant 0 : i32
      %dma_wait3A_356 = arith.constant 0 : i32
      %dma_wait3A_357 = tpu.memref_slice %arg8[%dma_wait3A_354, %dma_wait3A_355, %dma_wait3A_356] : memref<4x128x8xf32, #tpu.memory_space<vmem>> -> memref<1x128x8xf32, #tpu.memory_space<vmem>>
      %dma_wait3A_358 = tpu.memref_squeeze %dma_wait3A_357 : memref<1x128x8xf32, #tpu.memory_space<vmem>> -> memref<128x8xf32, #tpu.memory_space<vmem>>
      %dma_wait3A_359 = arith.constant 0 : i32
      %dma_wait3A_360 = tpu.memref_slice %arg7[%add3A_283, %dma_wait3A_359] : memref<79x128xi32, #tpu.memory_space<vmem>> -> memref<1x128xi32, #tpu.memory_space<vmem>>
      %dma_wait3A_361 = tpu.memref_squeeze %dma_wait3A_360 : memref<1x128xi32, #tpu.memory_space<vmem>> -> memref<128xi32, #tpu.memory_space<vmem>>
      %dma_wait3A_362 = arith.constant 0 : i32
      %dma_wait3A_363 = arith.constant 0 : i32
      %dma_wait3A_364 = tpu.memref_slice %arg10[%dma_wait3A_362, %dma_wait3A_363] : memref<10000x8xf32, #tpu.memory_space<vmem_shared>> -> memref<10000x8xf32, #tpu.memory_space<vmem_shared>>
      tpu.wait_indirect_dma semaphore(%arg16 : memref<!tpu.dma_semaphore, #tpu.memory_space<semaphore_mem>>) src(%dma_wait3A_358 : memref<128x8xf32, #tpu.memory_space<vmem>>) dst(%dma_wait3A_364 : memref<10000x8xf32, #tpu.memory_space<vmem_shared>>)
      %dma_wait3A_365 = arith.constant 2 : i32
      %dma_wait3A_366 = arith.constant 0 : i32
      %dma_wait3A_367 = arith.constant 0 : i32
      %dma_wait3A_368 = tpu.memref_slice %arg8[%dma_wait3A_365, %dma_wait3A_366, %dma_wait3A_367] : memref<4x128x8xf32, #tpu.memory_space<vmem>> -> memref<1x128x8xf32, #tpu.memory_space<vmem>>
      %dma_wait3A_369 = tpu.memref_squeeze %dma_wait3A_368 : memref<1x128x8xf32, #tpu.memory_space<vmem>> -> memref<128x8xf32, #tpu.memory_space<vmem>>
      %dma_wait3A_370 = arith.constant 0 : i32
      %dma_wait3A_371 = tpu.memref_slice %arg7[%add3A_307, %dma_wait3A_370] : memref<79x128xi32, #tpu.memory_space<vmem>> -> memref<1x128xi32, #tpu.memory_space<vmem>>
      %dma_wait3A_372 = tpu.memref_squeeze %dma_wait3A_371 : memref<1x128xi32, #tpu.memory_space<vmem>> -> memref<128xi32, #tpu.memory_space<vmem>>
      %dma_wait3A_373 = arith.constant 0 : i32
      %dma_wait3A_374 = arith.constant 0 : i32
      %dma_wait3A_375 = tpu.memref_slice %arg10[%dma_wait3A_373, %dma_wait3A_374] : memref<10000x8xf32, #tpu.memory_space<vmem_shared>> -> memref<10000x8xf32, #tpu.memory_space<vmem_shared>>
      tpu.wait_indirect_dma semaphore(%arg17 : memref<!tpu.dma_semaphore, #tpu.memory_space<semaphore_mem>>) src(%dma_wait3A_369 : memref<128x8xf32, #tpu.memory_space<vmem>>) dst(%dma_wait3A_375 : memref<10000x8xf32, #tpu.memory_space<vmem_shared>>)
      %dma_wait3A_376 = arith.constant 3 : i32
      %dma_wait3A_377 = arith.constant 0 : i32
      %dma_wait3A_378 = arith.constant 0 : i32
      %dma_wait3A_379 = tpu.memref_slice %arg8[%dma_wait3A_376, %dma_wait3A_377, %dma_wait3A_378] : memref<4x128x8xf32, #tpu.memory_space<vmem>> -> memref<1x128x8xf32, #tpu.memory_space<vmem>>
      %dma_wait3A_380 = tpu.memref_squeeze %dma_wait3A_379 : memref<1x128x8xf32, #tpu.memory_space<vmem>> -> memref<128x8xf32, #tpu.memory_space<vmem>>
      %dma_wait3A_381 = arith.constant 0 : i32
      %dma_wait3A_382 = tpu.memref_slice %arg7[%add3A_331, %dma_wait3A_381] : memref<79x128xi32, #tpu.memory_space<vmem>> -> memref<1x128xi32, #tpu.memory_space<vmem>>
      %dma_wait3A_383 = tpu.memref_squeeze %dma_wait3A_382 : memref<1x128xi32, #tpu.memory_space<vmem>> -> memref<128xi32, #tpu.memory_space<vmem>>
      %dma_wait3A_384 = arith.constant 0 : i32
      %dma_wait3A_385 = arith.constant 0 : i32
      %dma_wait3A_386 = tpu.memref_slice %arg10[%dma_wait3A_384, %dma_wait3A_385] : memref<10000x8xf32, #tpu.memory_space<vmem_shared>> -> memref<10000x8xf32, #tpu.memory_space<vmem_shared>>
      tpu.wait_indirect_dma semaphore(%arg18 : memref<!tpu.dma_semaphore, #tpu.memory_space<semaphore_mem>>) src(%dma_wait3A_380 : memref<128x8xf32, #tpu.memory_space<vmem>>) dst(%dma_wait3A_386 : memref<10000x8xf32, #tpu.memory_space<vmem_shared>>)
    }
    %scan3A_85 = arith.constant 19 : i32
    %dma_start3A_86 = arith.constant 76 : i32
    %dma_start3A_87 = arith.constant 0 : i32
    %dma_start3A_88 = arith.constant 0 : i32
    %dma_start3A_89 = arith.constant 0 : i32
    %dma_start3A_90 = tpu.memref_slice %arg8[%dma_start3A_87, %dma_start3A_88, %dma_start3A_89] : memref<4x128x8xf32, #tpu.memory_space<vmem>> -> memref<1x128x8xf32, #tpu.memory_space<vmem>>
    %dma_start3A_91 = tpu.memref_squeeze %dma_start3A_90 : memref<1x128x8xf32, #tpu.memory_space<vmem>> -> memref<128x8xf32, #tpu.memory_space<vmem>>
    %dma_start3A_92 = arith.constant 0 : i32
    %dma_start3A_93 = tpu.memref_slice %arg6[%dma_start3A_86, %dma_start3A_92] : memref<79x128xi32, #tpu.memory_space<vmem>> -> memref<1x128xi32, #tpu.memory_space<vmem>>
    %dma_start3A_94 = tpu.memref_squeeze %dma_start3A_93 : memref<1x128xi32, #tpu.memory_space<vmem>> -> memref<128xi32, #tpu.memory_space<vmem>>
    %dma_start3A_95 = arith.constant 0 : i32
    %dma_start3A_96 = arith.constant 0 : i32
    %dma_start3A_97 = tpu.memref_slice %arg9[%dma_start3A_95, %dma_start3A_96] : memref<10000x8xf32, #tpu.memory_space<vmem_shared>> -> memref<10000x8xf32, #tpu.memory_space<vmem_shared>>
    tpu.enqueue_indirect_dma source(%dma_start3A_97 : memref<10000x8xf32, #tpu.memory_space<vmem_shared>>) target(%dma_start3A_91 : memref<128x8xf32, #tpu.memory_space<vmem>>) offsets(%dma_start3A_94 : memref<128xi32, #tpu.memory_space<vmem>>) semaphore(%arg11 : memref<!tpu.dma_semaphore, #tpu.memory_space<semaphore_mem>>)
    %dma_start3A_98 = arith.constant 77 : i32
    %dma_start3A_99 = arith.constant 1 : i32
    %dma_start3A_100 = arith.constant 0 : i32
    %dma_start3A_101 = arith.constant 0 : i32
    %dma_start3A_102 = tpu.memref_slice %arg8[%dma_start3A_99, %dma_start3A_100, %dma_start3A_101] : memref<4x128x8xf32, #tpu.memory_space<vmem>> -> memref<1x128x8xf32, #tpu.memory_space<vmem>>
    %dma_start3A_103 = tpu.memref_squeeze %dma_start3A_102 : memref<1x128x8xf32, #tpu.memory_space<vmem>> -> memref<128x8xf32, #tpu.memory_space<vmem>>
    %dma_start3A_104 = arith.constant 0 : i32
    %dma_start3A_105 = tpu.memref_slice %arg6[%dma_start3A_98, %dma_start3A_104] : memref<79x128xi32, #tpu.memory_space<vmem>> -> memref<1x128xi32, #tpu.memory_space<vmem>>
    %dma_start3A_106 = tpu.memref_squeeze %dma_start3A_105 : memref<1x128xi32, #tpu.memory_space<vmem>> -> memref<128xi32, #tpu.memory_space<vmem>>
    %dma_start3A_107 = arith.constant 0 : i32
    %dma_start3A_108 = arith.constant 0 : i32
    %dma_start3A_109 = tpu.memref_slice %arg9[%dma_start3A_107, %dma_start3A_108] : memref<10000x8xf32, #tpu.memory_space<vmem_shared>> -> memref<10000x8xf32, #tpu.memory_space<vmem_shared>>
    tpu.enqueue_indirect_dma source(%dma_start3A_109 : memref<10000x8xf32, #tpu.memory_space<vmem_shared>>) target(%dma_start3A_103 : memref<128x8xf32, #tpu.memory_space<vmem>>) offsets(%dma_start3A_106 : memref<128xi32, #tpu.memory_space<vmem>>) semaphore(%arg12 : memref<!tpu.dma_semaphore, #tpu.memory_space<semaphore_mem>>)
    %dma_wait3A_110 = arith.constant 76 : i32
    %dma_wait3A_111 = arith.constant 0 : i32
    %dma_wait3A_112 = arith.constant 0 : i32
    %dma_wait3A_113 = arith.constant 0 : i32
    %dma_wait3A_114 = tpu.memref_slice %arg8[%dma_wait3A_111, %dma_wait3A_112, %dma_wait3A_113] : memref<4x128x8xf32, #tpu.memory_space<vmem>> -> memref<1x128x8xf32, #tpu.memory_space<vmem>>
    %dma_wait3A_115 = tpu.memref_squeeze %dma_wait3A_114 : memref<1x128x8xf32, #tpu.memory_space<vmem>> -> memref<128x8xf32, #tpu.memory_space<vmem>>
    %dma_wait3A_116 = arith.constant 0 : i32
    %dma_wait3A_117 = tpu.memref_slice %arg6[%dma_wait3A_110, %dma_wait3A_116] : memref<79x128xi32, #tpu.memory_space<vmem>> -> memref<1x128xi32, #tpu.memory_space<vmem>>
    %dma_wait3A_118 = tpu.memref_squeeze %dma_wait3A_117 : memref<1x128xi32, #tpu.memory_space<vmem>> -> memref<128xi32, #tpu.memory_space<vmem>>
    %dma_wait3A_119 = arith.constant 0 : i32
    %dma_wait3A_120 = arith.constant 0 : i32
    %dma_wait3A_121 = tpu.memref_slice %arg9[%dma_wait3A_119, %dma_wait3A_120] : memref<10000x8xf32, #tpu.memory_space<vmem_shared>> -> memref<10000x8xf32, #tpu.memory_space<vmem_shared>>
    tpu.wait_indirect_dma semaphore(%arg11 : memref<!tpu.dma_semaphore, #tpu.memory_space<semaphore_mem>>) src(%dma_wait3A_121 : memref<10000x8xf32, #tpu.memory_space<vmem_shared>>) dst(%dma_wait3A_115 : memref<128x8xf32, #tpu.memory_space<vmem>>)
    %dma_start3A_122 = arith.constant 0 : i32
    %dma_start3A_123 = arith.constant 76 : i32
    %dma_start3A_124 = arith.constant 0 : i32
    %dma_start3A_125 = arith.constant 0 : i32
    %dma_start3A_126 = tpu.memref_slice %arg8[%dma_start3A_122, %dma_start3A_124, %dma_start3A_125] : memref<4x128x8xf32, #tpu.memory_space<vmem>> -> memref<1x128x8xf32, #tpu.memory_space<vmem>>
    %dma_start3A_127 = tpu.memref_squeeze %dma_start3A_126 : memref<1x128x8xf32, #tpu.memory_space<vmem>> -> memref<128x8xf32, #tpu.memory_space<vmem>>
    %dma_start3A_128 = arith.constant 0 : i32
    %dma_start3A_129 = tpu.memref_slice %arg7[%dma_start3A_123, %dma_start3A_128] : memref<79x128xi32, #tpu.memory_space<vmem>> -> memref<1x128xi32, #tpu.memory_space<vmem>>
    %dma_start3A_130 = tpu.memref_squeeze %dma_start3A_129 : memref<1x128xi32, #tpu.memory_space<vmem>> -> memref<128xi32, #tpu.memory_space<vmem>>
    %dma_start3A_131 = arith.constant 0 : i32
    %dma_start3A_132 = arith.constant 0 : i32
    %dma_start3A_133 = tpu.memref_slice %arg10[%dma_start3A_131, %dma_start3A_132] : memref<10000x8xf32, #tpu.memory_space<vmem_shared>> -> memref<10000x8xf32, #tpu.memory_space<vmem_shared>>
    tpu.enqueue_indirect_dma source(%dma_start3A_127 : memref<128x8xf32, #tpu.memory_space<vmem>>) target(%dma_start3A_133 : memref<10000x8xf32, #tpu.memory_space<vmem_shared>>) offsets(%dma_start3A_130 : memref<128xi32, #tpu.memory_space<vmem>>) semaphore(%arg15 : memref<!tpu.dma_semaphore, #tpu.memory_space<semaphore_mem>>) {add = true}
    %dma_wait3A_134 = arith.constant 77 : i32
    %dma_wait3A_135 = arith.constant 1 : i32
    %dma_wait3A_136 = arith.constant 0 : i32
    %dma_wait3A_137 = arith.constant 0 : i32
    %dma_wait3A_138 = tpu.memref_slice %arg8[%dma_wait3A_135, %dma_wait3A_136, %dma_wait3A_137] : memref<4x128x8xf32, #tpu.memory_space<vmem>> -> memref<1x128x8xf32, #tpu.memory_space<vmem>>
    %dma_wait3A_139 = tpu.memref_squeeze %dma_wait3A_138 : memref<1x128x8xf32, #tpu.memory_space<vmem>> -> memref<128x8xf32, #tpu.memory_space<vmem>>
    %dma_wait3A_140 = arith.constant 0 : i32
    %dma_wait3A_141 = tpu.memref_slice %arg6[%dma_wait3A_134, %dma_wait3A_140] : memref<79x128xi32, #tpu.memory_space<vmem>> -> memref<1x128xi32, #tpu.memory_space<vmem>>
    %dma_wait3A_142 = tpu.memref_squeeze %dma_wait3A_141 : memref<1x128xi32, #tpu.memory_space<vmem>> -> memref<128xi32, #tpu.memory_space<vmem>>
    %dma_wait3A_143 = arith.constant 0 : i32
    %dma_wait3A_144 = arith.constant 0 : i32
    %dma_wait3A_145 = tpu.memref_slice %arg9[%dma_wait3A_143, %dma_wait3A_144] : memref<10000x8xf32, #tpu.memory_space<vmem_shared>> -> memref<10000x8xf32, #tpu.memory_space<vmem_shared>>
    tpu.wait_indirect_dma semaphore(%arg12 : memref<!tpu.dma_semaphore, #tpu.memory_space<semaphore_mem>>) src(%dma_wait3A_145 : memref<10000x8xf32, #tpu.memory_space<vmem_shared>>) dst(%dma_wait3A_139 : memref<128x8xf32, #tpu.memory_space<vmem>>)
    %dma_start3A_146 = arith.constant 1 : i32
    %dma_start3A_147 = arith.constant 77 : i32
    %dma_start3A_148 = arith.constant 0 : i32
    %dma_start3A_149 = arith.constant 0 : i32
    %dma_start3A_150 = tpu.memref_slice %arg8[%dma_start3A_146, %dma_start3A_148, %dma_start3A_149] : memref<4x128x8xf32, #tpu.memory_space<vmem>> -> memref<1x128x8xf32, #tpu.memory_space<vmem>>
    %dma_start3A_151 = tpu.memref_squeeze %dma_start3A_150 : memref<1x128x8xf32, #tpu.memory_space<vmem>> -> memref<128x8xf32, #tpu.memory_space<vmem>>
    %dma_start3A_152 = arith.constant 0 : i32
    %dma_start3A_153 = tpu.memref_slice %arg7[%dma_start3A_147, %dma_start3A_152] : memref<79x128xi32, #tpu.memory_space<vmem>> -> memref<1x128xi32, #tpu.memory_space<vmem>>
    %dma_start3A_154 = tpu.memref_squeeze %dma_start3A_153 : memref<1x128xi32, #tpu.memory_space<vmem>> -> memref<128xi32, #tpu.memory_space<vmem>>
    %dma_start3A_155 = arith.constant 0 : i32
    %dma_start3A_156 = arith.constant 0 : i32
    %dma_start3A_157 = tpu.memref_slice %arg10[%dma_start3A_155, %dma_start3A_156] : memref<10000x8xf32, #tpu.memory_space<vmem_shared>> -> memref<10000x8xf32, #tpu.memory_space<vmem_shared>>
    tpu.enqueue_indirect_dma source(%dma_start3A_151 : memref<128x8xf32, #tpu.memory_space<vmem>>) target(%dma_start3A_157 : memref<10000x8xf32, #tpu.memory_space<vmem_shared>>) offsets(%dma_start3A_154 : memref<128xi32, #tpu.memory_space<vmem>>) semaphore(%arg16 : memref<!tpu.dma_semaphore, #tpu.memory_space<semaphore_mem>>) {add = true}
    %dma_wait3A_158 = arith.constant 0 : i32
    %dma_wait3A_159 = arith.constant 76 : i32
    %dma_wait3A_160 = arith.constant 0 : i32
    %dma_wait3A_161 = arith.constant 0 : i32
    %dma_wait3A_162 = tpu.memref_slice %arg8[%dma_wait3A_158, %dma_wait3A_160, %dma_wait3A_161] : memref<4x128x8xf32, #tpu.memory_space<vmem>> -> memref<1x128x8xf32, #tpu.memory_space<vmem>>
    %dma_wait3A_163 = tpu.memref_squeeze %dma_wait3A_162 : memref<1x128x8xf32, #tpu.memory_space<vmem>> -> memref<128x8xf32, #tpu.memory_space<vmem>>
    %dma_wait3A_164 = arith.constant 0 : i32
    %dma_wait3A_165 = tpu.memref_slice %arg7[%dma_wait3A_159, %dma_wait3A_164] : memref<79x128xi32, #tpu.memory_space<vmem>> -> memref<1x128xi32, #tpu.memory_space<vmem>>
    %dma_wait3A_166 = tpu.memref_squeeze %dma_wait3A_165 : memref<1x128xi32, #tpu.memory_space<vmem>> -> memref<128xi32, #tpu.memory_space<vmem>>
    %dma_wait3A_167 = arith.constant 0 : i32
    %dma_wait3A_168 = arith.constant 0 : i32
    %dma_wait3A_169 = tpu.memref_slice %arg10[%dma_wait3A_167, %dma_wait3A_168] : memref<10000x8xf32, #tpu.memory_space<vmem_shared>> -> memref<10000x8xf32, #tpu.memory_space<vmem_shared>>
    tpu.wait_indirect_dma semaphore(%arg15 : memref<!tpu.dma_semaphore, #tpu.memory_space<semaphore_mem>>) src(%dma_wait3A_163 : memref<128x8xf32, #tpu.memory_space<vmem>>) dst(%dma_wait3A_169 : memref<10000x8xf32, #tpu.memory_space<vmem_shared>>)
    %dma_wait3A_170 = arith.constant 1 : i32
    %dma_wait3A_171 = arith.constant 77 : i32
    %dma_wait3A_172 = arith.constant 0 : i32
    %dma_wait3A_173 = arith.constant 0 : i32
    %dma_wait3A_174 = tpu.memref_slice %arg8[%dma_wait3A_170, %dma_wait3A_172, %dma_wait3A_173] : memref<4x128x8xf32, #tpu.memory_space<vmem>> -> memref<1x128x8xf32, #tpu.memory_space<vmem>>
    %dma_wait3A_175 = tpu.memref_squeeze %dma_wait3A_174 : memref<1x128x8xf32, #tpu.memory_space<vmem>> -> memref<128x8xf32, #tpu.memory_space<vmem>>
    %dma_wait3A_176 = arith.constant 0 : i32
    %dma_wait3A_177 = tpu.memref_slice %arg7[%dma_wait3A_171, %dma_wait3A_176] : memref<79x128xi32, #tpu.memory_space<vmem>> -> memref<1x128xi32, #tpu.memory_space<vmem>>
    %dma_wait3A_178 = tpu.memref_squeeze %dma_wait3A_177 : memref<1x128xi32, #tpu.memory_space<vmem>> -> memref<128xi32, #tpu.memory_space<vmem>>
    %dma_wait3A_179 = arith.constant 0 : i32
    %dma_wait3A_180 = arith.constant 0 : i32
    %dma_wait3A_181 = tpu.memref_slice %arg10[%dma_wait3A_179, %dma_wait3A_180] : memref<10000x8xf32, #tpu.memory_space<vmem_shared>> -> memref<10000x8xf32, #tpu.memory_space<vmem_shared>>
    tpu.wait_indirect_dma semaphore(%arg16 : memref<!tpu.dma_semaphore, #tpu.memory_space<semaphore_mem>>) src(%dma_wait3A_175 : memref<128x8xf32, #tpu.memory_space<vmem>>) dst(%dma_wait3A_181 : memref<10000x8xf32, #tpu.memory_space<vmem_shared>>)
    %lt3A_182 = arith.constant 4 : i32
    %lt3A_183 = arith.cmpi slt, %add3A, %lt3A_182 : i32
    %convert_element_type3A_184 = arith.extui %lt3A_183 : i1 to i32
    %cond3A_185 = arith.constant 0 : i32
    %cond3A_186 = arith.cmpi ne, %convert_element_type3A_184, %cond3A_185 : i32
    scf.if %cond3A_186 {
      %dma_start3A_192 = arith.constant 78 : i32
      %dma_start3A_193 = arith.constant 2 : i32
      %dma_start3A_194 = arith.constant 0 : i32
      %dma_start3A_195 = arith.constant 0 : i32
      %dma_start3A_196 = tpu.memref_slice %arg8[%dma_start3A_193, %dma_start3A_194, %dma_start3A_195] : memref<4x128x8xf32, #tpu.memory_space<vmem>> -> memref<1x128x8xf32, #tpu.memory_space<vmem>>
      %dma_start3A_197 = tpu.memref_squeeze %dma_start3A_196 : memref<1x128x8xf32, #tpu.memory_space<vmem>> -> memref<128x8xf32, #tpu.memory_space<vmem>>
      %dma_start3A_198 = arith.constant 0 : i32
      %dma_start3A_199 = tpu.memref_slice %arg6[%dma_start3A_192, %dma_start3A_198] : memref<79x128xi32, #tpu.memory_space<vmem>> -> memref<1x128xi32, #tpu.memory_space<vmem>>
      %dma_start3A_200 = tpu.memref_squeeze %dma_start3A_199 : memref<1x128xi32, #tpu.memory_space<vmem>> -> memref<128xi32, #tpu.memory_space<vmem>>
      %dma_start3A_201 = arith.constant 0 : i32
      %dma_start3A_202 = arith.constant 0 : i32
      %dma_start3A_203 = tpu.memref_slice %arg9[%dma_start3A_201, %dma_start3A_202] : memref<10000x8xf32, #tpu.memory_space<vmem_shared>> -> memref<10000x8xf32, #tpu.memory_space<vmem_shared>>
      tpu.enqueue_indirect_dma source(%dma_start3A_203 : memref<10000x8xf32, #tpu.memory_space<vmem_shared>>) target(%dma_start3A_197 : memref<128x8xf32, #tpu.memory_space<vmem>>) offsets(%dma_start3A_200 : memref<128xi32, #tpu.memory_space<vmem>>) semaphore(%arg13 : memref<!tpu.dma_semaphore, #tpu.memory_space<semaphore_mem>>)
      %dma_wait3A_204 = arith.constant 78 : i32
      %dma_wait3A_205 = arith.constant 2 : i32
      %dma_wait3A_206 = arith.constant 0 : i32
      %dma_wait3A_207 = arith.constant 0 : i32
      %dma_wait3A_208 = tpu.memref_slice %arg8[%dma_wait3A_205, %dma_wait3A_206, %dma_wait3A_207] : memref<4x128x8xf32, #tpu.memory_space<vmem>> -> memref<1x128x8xf32, #tpu.memory_space<vmem>>
      %dma_wait3A_209 = tpu.memref_squeeze %dma_wait3A_208 : memref<1x128x8xf32, #tpu.memory_space<vmem>> -> memref<128x8xf32, #tpu.memory_space<vmem>>
      %dma_wait3A_210 = arith.constant 0 : i32
      %dma_wait3A_211 = tpu.memref_slice %arg6[%dma_wait3A_204, %dma_wait3A_210] : memref<79x128xi32, #tpu.memory_space<vmem>> -> memref<1x128xi32, #tpu.memory_space<vmem>>
      %dma_wait3A_212 = tpu.memref_squeeze %dma_wait3A_211 : memref<1x128xi32, #tpu.memory_space<vmem>> -> memref<128xi32, #tpu.memory_space<vmem>>
      %dma_wait3A_213 = arith.constant 0 : i32
      %dma_wait3A_214 = arith.constant 0 : i32
      %dma_wait3A_215 = tpu.memref_slice %arg9[%dma_wait3A_213, %dma_wait3A_214] : memref<10000x8xf32, #tpu.memory_space<vmem_shared>> -> memref<10000x8xf32, #tpu.memory_space<vmem_shared>>
      tpu.wait_indirect_dma semaphore(%arg13 : memref<!tpu.dma_semaphore, #tpu.memory_space<semaphore_mem>>) src(%dma_wait3A_215 : memref<10000x8xf32, #tpu.memory_space<vmem_shared>>) dst(%dma_wait3A_209 : memref<128x8xf32, #tpu.memory_space<vmem>>)
      %run_scoped3A = arith.constant 2 : i32
      %run_scoped3A_216 = arith.constant 78 : i32
      "tpu.region"() ({
        %run_scoped3A_217 = tpu.sem_alloc : memref<!tpu.dma_semaphore, #tpu.memory_space<semaphore_mem>>
        %dma_start3A_218 = arith.constant 0 : i32
        %dma_start3A_219 = arith.constant 0 : i32
        %dma_start3A_220 = tpu.memref_slice %arg8[%run_scoped3A, %dma_start3A_218, %dma_start3A_219] : memref<4x128x8xf32, #tpu.memory_space<vmem>> -> memref<1x128x8xf32, #tpu.memory_space<vmem>>
        %dma_start3A_221 = tpu.memref_squeeze %dma_start3A_220 : memref<1x128x8xf32, #tpu.memory_space<vmem>> -> memref<128x8xf32, #tpu.memory_space<vmem>>
        %dma_start3A_222 = arith.constant 0 : i32
        %dma_start3A_223 = tpu.memref_slice %arg7[%run_scoped3A_216, %dma_start3A_222] : memref<79x128xi32, #tpu.memory_space<vmem>> -> memref<1x128xi32, #tpu.memory_space<vmem>>
        %dma_start3A_224 = tpu.memref_squeeze %dma_start3A_223 : memref<1x128xi32, #tpu.memory_space<vmem>> -> memref<128xi32, #tpu.memory_space<vmem>>
        %dma_start3A_225 = arith.constant 0 : i32
        %dma_start3A_226 = arith.constant 0 : i32
        %dma_start3A_227 = tpu.memref_slice %arg10[%dma_start3A_225, %dma_start3A_226] : memref<10000x8xf32, #tpu.memory_space<vmem_shared>> -> memref<10000x8xf32, #tpu.memory_space<vmem_shared>>
        tpu.enqueue_indirect_dma source(%dma_start3A_221 : memref<128x8xf32, #tpu.memory_space<vmem>>) target(%dma_start3A_227 : memref<10000x8xf32, #tpu.memory_space<vmem_shared>>) offsets(%dma_start3A_224 : memref<128xi32, #tpu.memory_space<vmem>>) semaphore(%run_scoped3A_217 : memref<!tpu.dma_semaphore, #tpu.memory_space<semaphore_mem>>) {add = true}
        %dma_wait3A_228 = arith.constant 0 : i32
        %dma_wait3A_229 = arith.constant 0 : i32
        %dma_wait3A_230 = tpu.memref_slice %arg8[%run_scoped3A, %dma_wait3A_228, %dma_wait3A_229] : memref<4x128x8xf32, #tpu.memory_space<vmem>> -> memref<1x128x8xf32, #tpu.memory_space<vmem>>
        %dma_wait3A_231 = tpu.memref_squeeze %dma_wait3A_230 : memref<1x128x8xf32, #tpu.memory_space<vmem>> -> memref<128x8xf32, #tpu.memory_space<vmem>>
        %dma_wait3A_232 = arith.constant 0 : i32
        %dma_wait3A_233 = tpu.memref_slice %arg7[%run_scoped3A_216, %dma_wait3A_232] : memref<79x128xi32, #tpu.memory_space<vmem>> -> memref<1x128xi32, #tpu.memory_space<vmem>>
        %dma_wait3A_234 = tpu.memref_squeeze %dma_wait3A_233 : memref<1x128xi32, #tpu.memory_space<vmem>> -> memref<128xi32, #tpu.memory_space<vmem>>
        %dma_wait3A_235 = arith.constant 0 : i32
        %dma_wait3A_236 = arith.constant 0 : i32
        %dma_wait3A_237 = tpu.memref_slice %arg10[%dma_wait3A_235, %dma_wait3A_236] : memref<10000x8xf32, #tpu.memory_space<vmem_shared>> -> memref<10000x8xf32, #tpu.memory_space<vmem_shared>>
        tpu.wait_indirect_dma semaphore(%run_scoped3A_217 : memref<!tpu.dma_semaphore, #tpu.memory_space<semaphore_mem>>) src(%dma_wait3A_231 : memref<128x8xf32, #tpu.memory_space<vmem>>) dst(%dma_wait3A_237 : memref<10000x8xf32, #tpu.memory_space<vmem_shared>>)
        tpu.yield
      }) : () -> ()
    } else {
    }
    %barrier3A_187 = arith.constant 0 : index
    tpu.barrier barrier_id(%barrier3A_187)
    %mul3A_188 = arith.constant 625 : i32
    %mul3A_189 = arith.muli %arg1, %mul3A_188 : i32
    %mul3A_190 = arith.constant 625 : i32
    %mul3A_191 = arith.muli %arg1, %mul3A_190 : i32
    "tpu.region"() ({
      %run_scoped3A = tpu.sem_alloc : memref<!tpu.dma_semaphore, #tpu.memory_space<semaphore_mem>>
      %dma_start3A_192 = arith.constant 0 : i32
      %dma_start3A_193 = tpu.memref_slice %arg5[%arg0, %mul3A_191, %dma_start3A_192] : memref<2x10000x8xf32, #tpu.memory_space<hbm>> -> memref<1x625x8xf32, #tpu.memory_space<hbm>>
      %dma_start3A_194 = tpu.memref_squeeze %dma_start3A_193 : memref<1x625x8xf32, #tpu.memory_space<hbm>> -> memref<625x8xf32, #tpu.memory_space<hbm>>
      %dma_start3A_195 = arith.constant 0 : i32
      %dma_start3A_196 = tpu.memref_slice %arg10[%mul3A_189, %dma_start3A_195] : memref<10000x8xf32, #tpu.memory_space<vmem_shared>> -> memref<625x8xf32, #tpu.memory_space<vmem_shared>>
      tpu.enqueue_dma source(%dma_start3A_196 : memref<625x8xf32, #tpu.memory_space<vmem_shared>>) target(%dma_start3A_194 : memref<625x8xf32, #tpu.memory_space<hbm>>) target_semaphore(%run_scoped3A : memref<!tpu.dma_semaphore, #tpu.memory_space<semaphore_mem>>)
      %dma_wait3A_197 = arith.constant 0 : i32
      %dma_wait3A_198 = tpu.memref_slice %arg5[%arg0, %mul3A_191, %dma_wait3A_197] : memref<2x10000x8xf32, #tpu.memory_space<hbm>> -> memref<1x625x8xf32, #tpu.memory_space<hbm>>
      %dma_wait3A_199 = tpu.memref_squeeze %dma_wait3A_198 : memref<1x625x8xf32, #tpu.memory_space<hbm>> -> memref<625x8xf32, #tpu.memory_space<hbm>>
      %dma_wait3A_200 = arith.constant 0 : i32
      %dma_wait3A_201 = tpu.memref_slice %arg10[%mul3A_189, %dma_wait3A_200] : memref<10000x8xf32, #tpu.memory_space<vmem_shared>> -> memref<625x8xf32, #tpu.memory_space<vmem_shared>>
      tpu.wait_dma2 semaphore(%run_scoped3A : memref<!tpu.dma_semaphore, #tpu.memory_space<semaphore_mem>>) src(%dma_wait3A_201 : memref<625x8xf32, #tpu.memory_space<vmem_shared>>) dst(%dma_wait3A_199 : memref<625x8xf32, #tpu.memory_space<hbm>>)
      tpu.yield
    }) : () -> ()
    return
  }
}

module attributes {stable_mosaic.version = 14 : i64} {
  func.func @_tc1_body(%arg0: memref<10000x128xf32, #tpu.memory_space<vmem>>, %arg1: memref<128x8xf32, #tpu.memory_space<vmem>>, %arg2: memref<20480xf32, #tpu.memory_space<vmem>>, %arg3: memref<10000x8xf32, #tpu.memory_space<vmem>>) attributes {dimension_semantics = [], scalar_prefetch = 0 : i64, scratch_operands = 0 : i64, tpu.core_type = #tpu.core_type<tc>} {
    %get3A = arith.constant 0 : index
    %get3A_0 = vector.load %arg2[%get3A] : memref<20480xf32, #tpu.memory_space<vmem>>, vector<20480xf32>
    %slice3A = vector.extract_strided_slice %get3A_0 {offsets = [0], sizes = [10240], strides = [1]} : vector<20480xf32> to vector<10240xf32>
    %slice3A_1 = vector.extract_strided_slice %get3A_0 {offsets = [10240], sizes = [10240], strides = [1]} : vector<20480xf32> to vector<10240xf32>
    %add3A = arith.addf %slice3A, %slice3A_1 : vector<10240xf32>
    %add3A_2 = arith.constant 1.000000e+00 : f32
    %add3A_3 = vector.broadcast %add3A_2 : f32 to vector<10240xf32>
    %add3A_4 = arith.addf %add3A, %add3A_3 : vector<10240xf32>
    %rsqrt3A = math.rsqrt %add3A_4 : vector<10240xf32>
    %slice3A_5 = vector.extract_strided_slice %rsqrt3A {offsets = [0], sizes = [10000], strides = [1]} : vector<10240xf32> to vector<10000xf32>
    %broadcast_in_dim3A = vector.shape_cast %slice3A_5 : vector<10000xf32> to vector<10000x1xf32>
    %get3A_6 = arith.constant 0 : index
    %get3A_7 = arith.constant 0 : index
    %get3A_8 = vector.load %arg0[%get3A_6, %get3A_7] : memref<10000x128xf32, #tpu.memory_space<vmem>>, vector<10000x128xf32>
    %get3A_9 = arith.constant 0 : index
    %get3A_10 = arith.constant 0 : index
    %get3A_11 = vector.load %arg1[%get3A_9, %get3A_10] : memref<128x8xf32, #tpu.memory_space<vmem>>, vector<128x8xf32>
    %dot_general3A = arith.constant dense<0.000000e+00> : vector<10000x8xf32>
    %dot_general3A_12 = tpu.matmul %get3A_8, %get3A_11, %dot_general3A {dimension_numbers = #tpu.dot_dimension_numbers<[1], [0], [0], [1], [0, 0, 1, 1], [], []>, transpose_lhs_hint = false} : vector<10000x128xf32>, vector<128x8xf32>, vector<10000x8xf32> -> vector<10000x8xf32>
    %mul3A = vector.broadcast %broadcast_in_dim3A : vector<10000x1xf32> to vector<10000x8xf32>
    %mul3A_13 = arith.mulf %dot_general3A_12, %mul3A : vector<10000x8xf32>
    %swap3A = arith.constant 0 : index
    %swap3A_14 = arith.constant 0 : index
    %swap3A_15 = vector.load %arg3[%swap3A, %swap3A_14] : memref<10000x8xf32, #tpu.memory_space<vmem>>, vector<10000x8xf32>
    tpu.vector_store %arg3[%swap3A, %swap3A_14], %mul3A_13 {strides = array<i32>} : memref<10000x8xf32, #tpu.memory_space<vmem>>, vector<10000x8xf32>,
    return
  }
}

module attributes {stable_mosaic.version = 14 : i64} {
  func.func @_tc2_body(%arg0: memref<20480xf32, #tpu.memory_space<vmem>>, %arg1: memref<2x10000x8xf32, #tpu.memory_space<vmem>>, %arg2: memref<10000x8xf32, #tpu.memory_space<vmem>>, %arg3: memref<1x8xf32, #tpu.memory_space<vmem>>, %arg4: memref<8x8xf32, #tpu.memory_space<vmem>>, %arg5: memref<10000x8xf32, #tpu.memory_space<vmem>>) attributes {dimension_semantics = [], scalar_prefetch = 0 : i64, scratch_operands = 0 : i64, tpu.core_type = #tpu.core_type<tc>} {
    %get3A = arith.constant 0 : index
    %get3A_0 = vector.load %arg0[%get3A] : memref<20480xf32, #tpu.memory_space<vmem>>, vector<20480xf32>
    %slice3A = vector.extract_strided_slice %get3A_0 {offsets = [0], sizes = [10240], strides = [1]} : vector<20480xf32> to vector<10240xf32>
    %slice3A_1 = vector.extract_strided_slice %get3A_0 {offsets = [10240], sizes = [10240], strides = [1]} : vector<20480xf32> to vector<10240xf32>
    %add3A = arith.addf %slice3A, %slice3A_1 : vector<10240xf32>
    %add3A_2 = arith.constant 1.000000e+00 : f32
    %add3A_3 = vector.broadcast %add3A_2 : f32 to vector<10240xf32>
    %add3A_4 = arith.addf %add3A, %add3A_3 : vector<10240xf32>
    %rsqrt3A = math.rsqrt %add3A_4 : vector<10240xf32>
    %slice3A_5 = vector.extract_strided_slice %rsqrt3A {offsets = [0], sizes = [10000], strides = [1]} : vector<10240xf32> to vector<10000xf32>
    %broadcast_in_dim3A = vector.shape_cast %slice3A_5 : vector<10000xf32> to vector<10000x1xf32>
    %get3A_6 = arith.constant 0 : index
    %get3A_7 = arith.constant 0 : index
    %get3A_8 = arith.constant 0 : index
    %get3A_9 = vector.load %arg1[%get3A_6, %get3A_7, %get3A_8] : memref<2x10000x8xf32, #tpu.memory_space<vmem>>, vector<2x10000x8xf32>
    %slice3A_10 = vector.extract_strided_slice %get3A_9 {offsets = [0, 0, 0], sizes = [1, 10000, 8], strides = [1, 1, 1]} : vector<2x10000x8xf32> to vector<1x10000x8xf32>
    %squeeze3A = vector.shape_cast %slice3A_10 : vector<1x10000x8xf32> to vector<10000x8xf32>
    %slice3A_11 = vector.extract_strided_slice %get3A_9 {offsets = [1, 0, 0], sizes = [1, 10000, 8], strides = [1, 1, 1]} : vector<2x10000x8xf32> to vector<1x10000x8xf32>
    %squeeze3A_12 = vector.shape_cast %slice3A_11 : vector<1x10000x8xf32> to vector<10000x8xf32>
    %add3A_13 = arith.addf %squeeze3A, %squeeze3A_12 : vector<10000x8xf32>
    %get3A_14 = arith.constant 0 : index
    %get3A_15 = arith.constant 0 : index
    %get3A_16 = vector.load %arg2[%get3A_14, %get3A_15] : memref<10000x8xf32, #tpu.memory_space<vmem>>, vector<10000x8xf32>
    %add3A_17 = arith.addf %add3A_13, %get3A_16 : vector<10000x8xf32>
    %mul3A = vector.broadcast %broadcast_in_dim3A : vector<10000x1xf32> to vector<10000x8xf32>
    %mul3A_18 = arith.mulf %mul3A, %add3A_17 : vector<10000x8xf32>
    %get3A_19 = arith.constant 0 : index
    %get3A_20 = arith.constant 0 : index
    %get3A_21 = vector.load %arg3[%get3A_19, %get3A_20] : memref<1x8xf32, #tpu.memory_space<vmem>>, vector<1x8xf32>
    %add3A_22 = vector.broadcast %get3A_21 : vector<1x8xf32> to vector<10000x8xf32>
    %add3A_23 = arith.addf %mul3A_18, %add3A_22 : vector<10000x8xf32>
    %tanh3A = math.tanh %add3A_23 : vector<10000x8xf32>
    %get3A_24 = arith.constant 0 : index
    %get3A_25 = arith.constant 0 : index
    %get3A_26 = vector.load %arg4[%get3A_24, %get3A_25] : memref<8x8xf32, #tpu.memory_space<vmem>>, vector<8x8xf32>
    %dot_general3A = arith.constant dense<0.000000e+00> : vector<10000x8xf32>
    %dot_general3A_27 = tpu.matmul %tanh3A, %get3A_26, %dot_general3A {dimension_numbers = #tpu.dot_dimension_numbers<[1], [0], [0], [1], [0, 0, 1, 1], [], []>, transpose_lhs_hint = false} : vector<10000x8xf32>, vector<8x8xf32>, vector<10000x8xf32> -> vector<10000x8xf32>
    %mul3A_28 = vector.broadcast %broadcast_in_dim3A : vector<10000x1xf32> to vector<10000x8xf32>
    %mul3A_29 = arith.mulf %dot_general3A_27, %mul3A_28 : vector<10000x8xf32>
    %swap3A = arith.constant 0 : index
    %swap3A_30 = arith.constant 0 : index
    %swap3A_31 = vector.load %arg5[%swap3A, %swap3A_30] : memref<10000x8xf32, #tpu.memory_space<vmem>>, vector<10000x8xf32>
    tpu.vector_store %arg5[%swap3A, %swap3A_30], %mul3A_29 {strides = array<i32>} : memref<10000x8xf32, #tpu.memory_space<vmem>>, vector<10000x8xf32>,
    return
  }
}

module attributes {stable_mosaic.version = 14 : i64} {
  func.func @_tc3_body(%arg0: memref<20480xf32, #tpu.memory_space<vmem>>, %arg1: memref<2x10000x8xf32, #tpu.memory_space<vmem>>, %arg2: memref<10000x8xf32, #tpu.memory_space<vmem>>, %arg3: memref<1x8xf32, #tpu.memory_space<vmem>>, %arg4: memref<2x4xf32, #tpu.memory_space<vmem>>, %arg5: memref<1x4xf32, #tpu.memory_space<vmem>>, %arg6: memref<10000x4xf32, #tpu.memory_space<vmem>>, %arg7: memref<10000x2xf32, #tpu.memory_space<vmem>>) attributes {dimension_semantics = [], scalar_prefetch = 0 : i64, scratch_operands = 0 : i64, tpu.core_type = #tpu.core_type<tc>} {
    %get3A = arith.constant 0 : index
    %get3A_0 = vector.load %arg0[%get3A] : memref<20480xf32, #tpu.memory_space<vmem>>, vector<20480xf32>
    %slice3A = vector.extract_strided_slice %get3A_0 {offsets = [0], sizes = [10240], strides = [1]} : vector<20480xf32> to vector<10240xf32>
    %slice3A_1 = vector.extract_strided_slice %get3A_0 {offsets = [10240], sizes = [10240], strides = [1]} : vector<20480xf32> to vector<10240xf32>
    %add3A = arith.addf %slice3A, %slice3A_1 : vector<10240xf32>
    %add3A_2 = arith.constant 1.000000e+00 : f32
    %add3A_3 = vector.broadcast %add3A_2 : f32 to vector<10240xf32>
    %add3A_4 = arith.addf %add3A, %add3A_3 : vector<10240xf32>
    %rsqrt3A = math.rsqrt %add3A_4 : vector<10240xf32>
    %slice3A_5 = vector.extract_strided_slice %rsqrt3A {offsets = [0], sizes = [10000], strides = [1]} : vector<10240xf32> to vector<10000xf32>
    %broadcast_in_dim3A = vector.shape_cast %slice3A_5 : vector<10000xf32> to vector<10000x1xf32>
    %get3A_6 = arith.constant 0 : index
    %get3A_7 = arith.constant 0 : index
    %get3A_8 = arith.constant 0 : index
    %get3A_9 = vector.load %arg1[%get3A_6, %get3A_7, %get3A_8] : memref<2x10000x8xf32, #tpu.memory_space<vmem>>, vector<2x10000x8xf32>
    %slice3A_10 = vector.extract_strided_slice %get3A_9 {offsets = [0, 0, 0], sizes = [1, 10000, 8], strides = [1, 1, 1]} : vector<2x10000x8xf32> to vector<1x10000x8xf32>
    %squeeze3A = vector.shape_cast %slice3A_10 : vector<1x10000x8xf32> to vector<10000x8xf32>
    %slice3A_11 = vector.extract_strided_slice %get3A_9 {offsets = [1, 0, 0], sizes = [1, 10000, 8], strides = [1, 1, 1]} : vector<2x10000x8xf32> to vector<1x10000x8xf32>
    %squeeze3A_12 = vector.shape_cast %slice3A_11 : vector<1x10000x8xf32> to vector<10000x8xf32>
    %add3A_13 = arith.addf %squeeze3A, %squeeze3A_12 : vector<10000x8xf32>
    %get3A_14 = arith.constant 0 : index
    %get3A_15 = arith.constant 0 : index
    %get3A_16 = vector.load %arg2[%get3A_14, %get3A_15] : memref<10000x8xf32, #tpu.memory_space<vmem>>, vector<10000x8xf32>
    %add3A_17 = arith.addf %add3A_13, %get3A_16 : vector<10000x8xf32>
    %mul3A = vector.broadcast %broadcast_in_dim3A : vector<10000x1xf32> to vector<10000x8xf32>
    %mul3A_18 = arith.mulf %mul3A, %add3A_17 : vector<10000x8xf32>
    %get3A_19 = arith.constant 0 : index
    %get3A_20 = arith.constant 0 : index
    %get3A_21 = vector.load %arg3[%get3A_19, %get3A_20] : memref<1x8xf32, #tpu.memory_space<vmem>>, vector<1x8xf32>
    %add3A_22 = vector.broadcast %get3A_21 : vector<1x8xf32> to vector<10000x8xf32>
    %add3A_23 = arith.addf %mul3A_18, %add3A_22 : vector<10000x8xf32>
    %tanh3A = math.tanh %add3A_23 : vector<10000x8xf32>
    %slice3A_24 = vector.extract_strided_slice %tanh3A {offsets = [0, 0], sizes = [10000, 2], strides = [1, 1]} : vector<10000x8xf32> to vector<10000x2xf32>
    %swap3A = arith.constant 0 : index
    %swap3A_25 = arith.constant 0 : index
    %swap3A_26 = vector.load %arg7[%swap3A, %swap3A_25] : memref<10000x2xf32, #tpu.memory_space<vmem>>, vector<10000x2xf32>
    tpu.vector_store %arg7[%swap3A, %swap3A_25], %slice3A_24 {strides = array<i32>} : memref<10000x2xf32, #tpu.memory_space<vmem>>, vector<10000x2xf32>,
    %get3A_27 = arith.constant 0 : index
    %get3A_28 = arith.constant 0 : index
    %get3A_29 = vector.load %arg4[%get3A_27, %get3A_28] : memref<2x4xf32, #tpu.memory_space<vmem>>, vector<2x4xf32>
    %dot_general3A = arith.constant dense<0.000000e+00> : vector<10000x4xf32>
    %dot_general3A_30 = tpu.matmul %slice3A_24, %get3A_29, %dot_general3A {dimension_numbers = #tpu.dot_dimension_numbers<[1], [0], [0], [1], [0, 0, 1, 1], [], []>, transpose_lhs_hint = false} : vector<10000x2xf32>, vector<2x4xf32>, vector<10000x4xf32> -> vector<10000x4xf32>
    %get3A_31 = arith.constant 0 : index
    %get3A_32 = arith.constant 0 : index
    %get3A_33 = vector.load %arg5[%get3A_31, %get3A_32] : memref<1x4xf32, #tpu.memory_space<vmem>>, vector<1x4xf32>
    %add3A_34 = vector.broadcast %get3A_33 : vector<1x4xf32> to vector<10000x4xf32>
    %add3A_35 = arith.addf %dot_general3A_30, %add3A_34 : vector<10000x4xf32>
    %swap3A_36 = arith.constant 0 : index
    %swap3A_37 = arith.constant 0 : index
    %swap3A_38 = vector.load %arg6[%swap3A_36, %swap3A_37] : memref<10000x4xf32, #tpu.memory_space<vmem>>, vector<10000x4xf32>
    tpu.vector_store %arg6[%swap3A_36, %swap3A_37], %add3A_35 {strides = array<i32>} : memref<10000x4xf32, #tpu.memory_space<vmem>>, vector<10000x4xf32>,
    return
  }
}

</mosaic_0001>

<sc_bundles>
// kernel: kernel.11.cloned.1.call-start
scs
__scs_entry_jumppad:
0x0: {  	(pc) =	sbr.rel $0x88, $3  }
0x1: {  	(tag) =	ssettag $0x0;
	lr =	simm.s32 $0x1  }
0x2: {  	[smem:$0x3F99] =	sst lr;
	_ =	strace $0xD0000000  }
0x3: {  	_ = 	snop  }
0x4: {  	_ = 	snop  }
0x5: {  	_ = 	snop  }
0x6: {  	_ = 	snop  }
0x7: {  	_ = 	snop  }
__scs_overlays_trampoline_lowered:
0x8: {  	[smem:$0x3FA8] =	sst s0  }
0x9: {  	[smem:$0x3FA9] =	sst s1  }
0xa: {  	[smem:$0x3FAA] =	sst s2  }
0xb: {  	[smem:$0x3FAB] =	sst s3  }
0xc: {  	[smem:$0x3FAC] =	sst s4  }
0xd: {  	[smem:$0x3FAD] =	sst s5  }
0xe: {  	[smem:$0x3FAE] =	sst s6  }
0xf: {  	[smem:$0x3FAF] =	sst s7  }
0x10: {  	[smem:$0x3FB0] =	sst s8  }
0x11: {  	[smem:$0x3FB1] =	sst s9;
	s0 =	simm.s32 @!p0 $0x0  }
0x12: {  	s1 =	sld [smem:$0x3F97];
	s0 =	simm.s32 @p0 $0x1  }
0x13: {  	[smem:$0x3FB2] =	sst s0;
	s0 =	simm.s32 @!p1 $0x0  }
0x14: {  	s2 =	sld [smem:$0x3F96];
	s0 =	simm.s32 @p1 $0x1  }
0x15: {  	[smem:$0x3FB3] =	sst s0;
	s0 =	simm.s32 @!p2 $0x0  }
0x16: {  	s3 =	sld [smem:$0x3FDB];
	s0 =	simm.s32 @p2 $0x1  }
0x17: {  	s4 =	simm.s32 $0x1BF5;
	[smem:$0x3FB5] =	sst s0  }
0x18: {  	s0 =	sld [smem:$0x3F98];
	_ =	swait.ge [sflag:s4], $0x0  }
0x19: {  	s7 =	sld [smem:$0x3F99]  }
0x1a: {  	s8 =	sadd.s32 $0xFFFFE003, lr  }
0x1b: {  	s9 =	sadd.s32 $0xFFFFFEF7, lr;
	s5 =	simm.s32 $0xFFFFFFFF;
	p2 =	slt.u32 s8, $0xFFFFF086  }
0x1c: {  	p1 =	slt.u32 s9, $0xF7A;
	s5 =	simm.s32 @!p2 $0x0  }
0x1d: {  	s5 =	simm.s32 @p1 $0x1;
	p0 =	seq.s32 s7, s2  }
0x1e: {  	s7 =	smul.u32 @!p0 $0xF7A, s2;
	p2 =	seq.s32 @!p0 s5, $0x0  }
0x1f: {  	s9 =	smul.u32 $0xF7A, s1;
	s8 =	simm.s32 @!p0 $0x1BF5;
	p2 =	por !p2, p0  }
0x20: {  	[sflag:s8] =	ssyncset.s32 @!p0 $0xFFFFF086;
	s6 =	sadd.s32 @!p0 s3, s7;
	s7 =	simm.s32 @!p0 $0x108  }
0x21: {  	s3 =	sadd.s32 s3, s9;
	s6 =	sadd.s32 @!p0 $0x88, s6;
	s7 =	simm.s32 @p2 $0x1082  }
0x22: {  	[simem:s7], [sflag:s8] =	dma.local @!p0 [hbm:s6], $0xF7A  }
0x23: {  	s9 =	sor.u32 $0xD0000000, s2;
	s6 =	simm.s32 $0x108;
	_ =	swait.ge @!p0 [sflag:s8], $0x0  }
0x24: {  	s3 =	sadd.s32 $0x88, s3;
	s6 =	simm.s32 @!p1 $0x1082;
	[sflag:s4] =	ssyncset.s32 $0xFFFFF086  }
0x25: {  	[simem:s6], [sflag:s4] =	dma.local [hbm:s3], $0xF7A  }
0x26: {  	[smem:$0x3F99] =	sst s1;
	(tag) =	ssettag s2;
	_ =	strace s9  }
0x27: {  	s1 =	sld [smem:$0x3FA9]  }
0x28: {  	s2 =	sld [smem:$0x3FAA]  }
0x29: {  	s4 =	sld [smem:$0x3FAC]  }
0x2a: {  	p0 =	seq.s32 s5, $0x0;
	s5 =	sld [smem:$0x3FAD]  }
0x2b: {  	s6 =	sld [smem:$0x3FAE]  }
0x2c: {  	s7 =	sld [smem:$0x3FAF]  }
0x2d: {  	s3 =	simm.s32 $0x108;
	s8 =	sld [smem:$0x3FB0]  }
0x2e: {  	s3 =	simm.s32 @!p0 $0x1082;
	s9 =	sld [smem:$0x3FB1]  }
0x2f: {  	lr =	sadd.s32 s0, s3;
	s0 =	sld [smem:$0x3FA8]  }
0x30: {  	s3 =	sld [smem:$0x3FAB]  }
0x31: {  	[smem:$0x3FB4] =	sst s10  }
0x32: {  	s10 =	sld [smem:$0x3FB2];
	_ =	sdelay $0x3  }
0x33: {  	p0 =	seq.s32 s10, $0x1;
	s10 =	sld [smem:$0x3FB4];
	_ =	sdelay $0x3  }
0x34: {  	[smem:$0x3FB4] =	sst s10  }
0x35: {  	s10 =	sld [smem:$0x3FB3];
	_ =	sdelay $0x3  }
0x36: {  	p1 =	seq.s32 s10, $0x1;
	s10 =	sld [smem:$0x3FB4];
	_ =	sdelay $0x3  }
0x37: {  	[smem:$0x3FB4] =	sst s10  }
0x38: {  	s10 =	sld [smem:$0x3FB5]  }
0x39: {  	_ = 	snop;
	(pc) =	sbr.ind lr, $3  }
0x3a: {  	_ = 	snop  }
0x3b: {  	_ = 	snop  }
0x3c: {  	p2 =	seq.s32 s10, $0x1;
	s10 =	sld [smem:$0x3FB4]  }
0x3d: {  	_ =	shalt  }
0x3e: {  	_ =	shalt  }
0x3f: {  	_ =	shalt  }
0x40: {  	_ =	shalt  }
0x41: {  	_ =	shalt  }
0x42: {  	_ =	shalt  }
0x43: {  	_ =	shalt  }
0x44: {  	_ =	shalt  }
0x45: {  	_ =	shalt  }
0x46: {  	_ =	shalt  }
0x47: {  	_ =	shalt  }
0x48: {  	_ =	shalt  }
0x49: {  	_ =	shalt  }
0x4a: {  	_ =	shalt  }
0x4b: {  	_ =	shalt  }
0x4c: {  	_ =	shalt  }
0x4d: {  	_ =	shalt  }
0x4e: {  	_ =	shalt  }
0x4f: {  	_ =	shalt  }
0x50: {  	_ =	shalt  }
0x51: {  	_ =	shalt  }
0x52: {  	_ =	shalt  }
0x53: {  	_ =	shalt  }
0x54: {  	_ =	shalt  }
0x55: {  	_ =	shalt  }
0x56: {  	_ =	shalt  }
0x57: {  	_ =	shalt  }
0x58: {  	_ =	shalt  }
0x59: {  	_ =	shalt  }
0x5a: {  	_ =	shalt  }
0x5b: {  	_ =	shalt  }
0x5c: {  	_ =	shalt  }
0x5d: {  	_ =	shalt  }
0x5e: {  	_ =	shalt  }
0x5f: {  	_ =	shalt  }
0x60: {  	_ =	shalt  }
0x61: {  	_ =	shalt  }
0x62: {  	_ =	shalt  }
0x63: {  	_ =	shalt  }
0x64: {  	_ =	shalt  }
0x65: {  	_ =	shalt  }
0x66: {  	_ =	shalt  }
0x67: {  	_ =	shalt  }
0x68: {  	_ =	shalt  }
0x69: {  	_ =	shalt  }
0x6a: {  	_ =	shalt  }
0x6b: {  	_ =	shalt  }
0x6c: {  	_ =	shalt  }
0x6d: {  	_ =	shalt  }
0x6e: {  	_ =	shalt  }
0x6f: {  	_ =	shalt  }
0x70: {  	_ =	shalt  }
0x71: {  	_ =	shalt  }
0x72: {  	_ =	shalt  }
0x73: {  	_ =	shalt  }
0x74: {  	_ =	shalt  }
0x75: {  	_ =	shalt  }
0x76: {  	_ =	shalt  }
0x77: {  	_ =	shalt  }
0x78: {  	_ =	shalt  }
0x79: {  	_ =	shalt  }
0x7a: {  	_ =	shalt  }
0x7b: {  	_ =	shalt  }
0x7c: {  	_ =	shalt  }
0x7d: {  	_ =	shalt  }
0x7e: {  	_ =	shalt  }
0x7f: {  	_ =	shalt  }
0x80: {  	_ =	shalt  }
0x81: {  	_ =	shalt  }
0x82: {  	_ =	shalt  }
0x83: {  	_ =	shalt  }
0x84: {  	_ =	shalt  }
0x85: {  	_ =	shalt  }
0x86: {  	_ =	shalt  }
0x87: {  	_ =	shalt  }
.Lfunc_end0:
.L_simem_size_0:
called_computation.1_lowered:
.L_overlay_start_0:
0x88: {  	s2 =	sld [smem:$0x3FD9]  }
0x89: {  	s3 =	sld [smem:$0x3FFE];
	_ =	sdelay $0x1  }
0x8a: {  	s1 =	srdreg.scid  }
0x8b: {  	s0 =	sand.u32 $0x1, s1  }
0x8c: {  	s16 =	sshll.u32 s0, $0xA;
	s2 =	sadd.s32 s3, s2  }
0x8d: {  	s2 =	sadd.s32 s2, s16  }
0x8e: {  	[smem:$0x3FC0] =	sst s2  }
0x8f: {  	_ = 	snop  }
0x90: {  	(tm) =	ssettm $0x1  }
0x91: {  	s17 =	sld [smem:$0x3FFB];
	_ =	sdelay $0x3  }
0x92: {  	_ =	strace s17  }
0x93: {  	s2 =	sld [smem:$0x3FFC];
	_ =	sdelay $0x3  }
0x94: {  	_ =	strace s2  }
0x95: {  	s2 =	sld [smem:$0x3FFD];
	_ =	sdelay $0x3  }
0x96: {  	_ =	strace s2  }
0x97: {  	_ =	strace $0x8FFFFFFF  }
0x98: {  	s18 =	sld [smem:$0x3FDB];
	_ =	sdelay $0x1  }
0x99: {  	s19 =	simm.s32 $_scs_section_size  }
0x9a: {  	s4 =	simm.s32 $_size__tile_overlayer_lowered;
	s5 =	simm.s32 $_tile_overlayer_lowered  }
0x9b: {  	s22 =	simm.s32 $0x1BFF;
	s21 =	sshll.u32 s5, $0x1;
	s2 =	sadd.s32 s19, s18  }
0x9c: {  	s6 =	simm.s32 $0x0;
	s20 =	sshll.u32 s4, $0x1;
	s4 =	sadd.s32 s21, s2  }
0x9d: {  	[timem:s6], [sflag:s22] =	dma.local [hbm:s4], s20  }
0x9e: {  	_ =	swait.ge [sflag:s22], s20  }
0x9f: {  	s3 =	ssub.s32 $0x0, s20;
	[sflag:s22] =	ssyncset.done $0x0  }
0xa0: {  	[sflag:s22] =	ssyncadd.s32 s3;
	_ =	sdelay $0x1  }
0xa1: {  	s23 =	simm.s32 $0x1B8B  }
0xa2: {  	_ =	swait.ge [sflag:s23], $0x1  }
0xa3: {  	[sflag:s23] =	ssyncset.done $0x0  }
0xa4: {  	s25 =	simm.s32 $0x1B8E;
	s24 =	sld [smem:$0x3FFE];
	[sflag:s23] =	ssyncadd.s32 $0xFFFFFFFF  }
0xa5: {  	s26 =	simm.s32 $execute0_lowered;
	[smem:$0x3FD2] =	sst s25  }
0xa6: {  	s4 =	sshll.u32 s26, $0x1;
	_ =	strace $0x80000049;
	[dreg:$0x1] =	wrdreg $0xFFFFFFFF  }
0xa7: {  	s28 =	simm.s32 $_size_execute0_lowered;
	s2 =	sadd.s32 s2, s4;
	[dreg:$0x0] =	wrdreg $0x0  }
0xa8: {  	s4 =	sshll.u32 s28, $0x1;
	[dreg:$0x2] =	wrdreg s2  }
0xa9: {  	[dreg:$0x3] =	wrdreg s4  }
0xaa: {  	[dreg:$0x4] =	wrdreg $0xC0  }
0xab: {  	_ =	task [dreg:s6], $0x5FFFF  }
0xac: {  	[dreg:$0x1] =	wrdreg $0xFFFFFFFF  }
0xad: {  	[dreg:$0x0] =	wrdreg $0x60  }
0xae: {  	[dreg:$0x2] =	wrdreg s24  }
0xaf: {  	[dreg:$0x3] =	wrdreg $0x72880  }
0xb0: {  	[dreg:$0x4] =	wrdreg $0x5F000  }
0xb1: {  	[dreg:$0x5] =	wrdreg $0x9  }
0xb2: {  	_ =	task.clear_ibuf [dreg:s6], $0x6FFFF;
	_ =	strace $0x90000049  }
0xb3: {  	s29 =	simm.s32 $0x9;
	_ =	strace $0x8000004B  }
0xb4: {  	_ =	swait.ge [sflag:s29], $0x1  }
0xb5: {  	[sflag:s29] =	ssyncadd.s32 $0xFFFFFFFF  }
0xb6: {  	_ =	strace $0x9000004B  }
0xb7: {  	_ =	sfence  }
0xb8: {  	s30 =	sld [smem:$0x0];
	_ =	sdelay $0x2  }
0xb9: {  	s31 =	sshll.u32 s1, $0xD;
	s1 =	sshrl.u32 s1, $0x2  }
0xba: {  	s3 =	sand.u32 $0x4000, s31;
	s1 =	sadd.s32 s1, s30  }
0xbb: {  	s0 =	sor.u32 s3, s0;
	s1 =	sshll.u32 s1, $0x11  }
0xbc: {  	s0 =	sor.u32 s1, s0  }
0xbd: {  	s0 =	sadd.s32 $0x8F2B, s0  }
0xbe: {  	[sflag:s0] =	ssyncadd.remote.s32 $0x1  }
0xbf: {  	_ =	sfence.sel $0xFFFF  }
0xc0: {  	[dreg:$0x0] =	wrdreg $0xFFFFFFFF;
	(pc) =	sbr.abs _section_cstart, $3  }
0xc1: {  	[dreg:$0x1] =	wrdreg $0xFFFFFFFF  }
0xc2: {  	_ =	task.clear_ibuf [dreg:s6], $0x2FFFF;
	_ =	strace $0x9FFFFFFF  }
0xc3: {  	(tm) =	ssettm $0x7FFFFFFF  }
tec
execute0_lowered:
.L_overlay_start_1:
0x0: {  	(tag) =	ssettag $0x1  }
0x1: {  	s0 =	rddreg [dreg:$0x0]  }
0x2: {  	s2 =	rddreg [dreg:$0x1]  }
0x3: {  	s3 =	rddreg [dreg:$0x2]  }
0x4: {  	s10 =	stileid.u32;
	s4 =	srdreg.scid;
	s5 =	simm.s32 $0x0  }
0x5: {  	s19 =	simm.s32 $0x1;
	s20 =	simm.s32 $0x2;
	s21 =	simm.s32 $0x3  }
0x6: {  	s28 =	simm.s32 $0x5B00;
	s29 =	simm.s32 $0x5;
	s30 =	simm.s32 $0x6  }
0x7: {  	s31 =	simm.s32 $0x7;
	s18 =	simm.s32 $0x0;
	s1 =	smul.u32 $0x1388, s10  }
0x8: {  	s4 =	sand.u32 $0x1, s4;
	[smem:$0x7FF] =	sst s5;
	s7 =	sadd.s32 $0x2400, s0  }
0x9: {  	s26 =	sshll.u32 s10, $0x4;
	s6 =	smul.u32 $0x13880, s4;
	_ =	strace $0x8000004A  }
0xa: {  	s8 =	ssub.s32 $0x2, s4;
	s4 =	sshll.u32 s4, $0x4;
	s22 =	sshrl.u32 s1, $0x3  }
0xb: {  	s9 =	sshrl.u32 s8, $0x1;
	s4 =	sor.u32 s10, s4;
	s15 =	sadd.s32 s1, s2  }
0xc: {  	s5 =	sadd.s32 s22, s0;
	s6 =	sadd.s32 s1, s6;
	s14 =	ssub.s32 s8, s9  }
0xd: {  	s23 =	smul.u32 $0x2700, s4;
	s1 =	sadd.s32 s1, s3;
	p0 =	sgt.u32 s4, $0x3  }
0xe: {  	s15 =	sshrl.u32 s15, $0x3;
	s22 =	simm.s32 $0x4;
	s6 =	sshrl.u32 s6, $0x3  }
0xf: {  	s24 =	sadd.s32 $0x18600, s5;
	s5 =	sadd.s32 $0x15E00, s5;
	s14 =	smax.u32 s14, $0x1  }
0x10: {  	s17 =	sshrl.u32 s1, $0x3;
	s1 =	simm.s32 $0x8;
	s0 =	sadd.s32 s6, s0  }
0x11: {  	[dreg:$0x4] =	wrdreg s24;
	s6 =	sshll.u32 s10, $0x6;
	s8 =	sshrl.u32 s23, $0x3  }
0x12: {  	[dreg:$0x6] =	wrdreg s5;
	s23 =	simm.s32 $0x80;
	s24 =	simm.s32 $0x4F00  }
0x13: {  	s25 =	sor.u32 $0x1C01, s6;
	s8 =	sadd.s32 s7, s8;
	s7 =	sadd.s32 s26, s7  }
0x14: {  	s13 =	sadd.s32 $0x1AE00, s0;
	s16 =	sor.u32 $0x1C02, s6;
	s26 =	simm.s32 $0x5700  }
0x15: {  	s0 =	simm.s32 $0x9;
	[dreg:$0x5] =	wrdreg s25;
	s10 =	sadd.s32 $0x9C40, s8  }
0x16: {  	s11 =	sadd.s32 $0x9C00, s7;
	s12 =	sadd.s32 $0x13840, s7;
	s25 =	simm.s32 $0x5300  }
.LBB2_1:
0x17: {  	s4 =	rddreg [dreg:$0x4]  }
0x18: {  	s5 =	rddreg [dreg:$0x5]  }
0x19: {  	[spmem:s15], [sflag:s5] =	dma.local [hbm:s4], $0x271  }
0x1a: {  	s7 =	simm.s32 $0x0;
	s4 =	rddreg [dreg:$0x6]  }
0x1b: {  	[spmem:s17], [sflag:s16] =	dma.local [hbm:s4], $0x271  }
0x1c: {  	[tilespmem:s7], [sflag:$0x3] =	stream.linear.gather [hbm4b:s8+s7], $0x2700, $0x38;
	[tilespmem:$0x8610] =	vst v63  }
0x1d: {  	s9 =	simm.s32 $0x2780  }
0x1e: {  	[tilespmem:s9], [sflag:$0x4] =	stream.linear.gather [hbm4b:s10+s7], $0x2700, $0x38;
	[tilespmem:$0x8610] =	vst v63  }
0x1f: {  	_ =	swait.ge [sflag:s19], $0x271  }
0x20: {  	[sflag:s19] =	ssyncset.done $0x0  }
0x21: {  	[sflag:s19] =	ssyncadd.s32 $0xFFFFFD8F  }
0x22: {  	_ =	swait.ge [sflag:s20], $0x271  }
0x23: {  	[sflag:s20] =	ssyncset.done $0x0  }
0x24: {  	[sflag:s20] =	ssyncadd.s32 $0xFFFFFD8F  }
0x25: {  	_ =	swait.ge [sflag:s21], $0x2700  }
0x26: {  	[sflag:s21] =	ssyncset.done $0x0  }
0x27: {  	[sflag:s21] =	ssyncadd.s32 $0xFFFFD900  }
0x28: {  	_ =	swait.ge [sflag:s22], $0x2700  }
0x29: {  	[sflag:s22] =	ssyncset.done $0x0  }
0x2a: {  	s5 =	simm.s32 @!p0 $0x2700;
	s4 =	simm.s32 @!p0 $0x0;
	[sflag:s22] =	ssyncadd.s32 $0xFFFFD900  }
0x2b: {  	[tilespmem:s5], [sflag:$0x9] =	stream.linear.gather @!p0 [hbm4b:s11+s4], $0x80, $0x38;
	[tilespmem:$0x8610] =	vst v63  }
0x2c: {  	s5 =	simm.s32 @!p0 $0x9  }
0x2d: {  	_ =	swait.ge @!p0 [sflag:s5], $0x80  }
0x2e: {  	[sflag:s5] =	ssyncset.done @!p0 $0x0  }
0x2f: {  	s7 =	simm.s32 @!p0 $0x4E80;
	[sflag:s5] =	ssyncadd.s32 @!p0 $0xFFFFFF80  }
0x30: {  	[tilespmem:s7], [sflag:$0x9] =	stream.linear.gather @!p0 [hbm4b:s12+s4], $0x80, $0x38;
	[tilespmem:$0x8610] =	vst v63  }
0x31: {  	_ =	swait.ge @!p0 [sflag:s5], $0x80  }
0x32: {  	[sflag:s5] =	ssyncset.done @!p0 $0x0  }
0x33: {  	[sflag:s5] =	ssyncadd.s32 @!p0 $0xFFFFFF80  }
0x34: {  	s7 =	simm.s32 $0x0;
	[bflag:$0x0] =	sbarrier.arrive $0xFFFF  }
0x35: {  	[tilespmem:s24], [sflag:$0x1] =	stream.indirect.gather [spmem:s3], $0x8, s7, s23, $0xb8;
	[tilespmem:$0x8610] =	vst v63  }
0x36: {  	s9 =	simm.s32 $0x80  }
0x37: {  	[tilespmem:s25], [sflag:$0x2] =	stream.indirect.gather [spmem:s3], $0x8, s9, s23, $0xb8;
	[tilespmem:$0x8610] =	vst v63  }
0x38: {  	s5 =	simm.s32 $0x100  }
0x39: {  	[tilespmem:s26], [sflag:$0x3] =	stream.indirect.gather [spmem:s3], $0x8, s5, s23, $0xb8;
	[tilespmem:$0x8610] =	vst v63  }
0x3a: {  	s7 =	simm.s32 $0x180  }
0x3b: {  	[tilespmem:s28], [sflag:$0x4] =	stream.indirect.gather [spmem:s3], $0x8, s7, s23, $0xb8;
	[tilespmem:$0x8610] =	vst v63  }
0x3c: {  	_ =	swait.ge [sflag:s19], $0x400  }
0x3d: {  	[sflag:s19] =	ssyncset.done $0x0  }
0x3e: {  	s9 =	simm.s32 $0x2780;
	[sflag:s19] =	ssyncadd.s32 $0xFFFFFC00  }
0x3f: {  	[spmem:s2] =	stream.indirect.scatter.add.f32 [tilespmem:s24], [sflag:$0x5], $0x8, s9, s23, $0xb8;
	[tilespmem:$0x8610] =	vst v63  }
0x40: {  	_ =	swait.ge [sflag:s20], $0x400  }
0x41: {  	[sflag:s20] =	ssyncset.done $0x0  }
0x42: {  	s5 =	simm.s32 $0x2800;
	[sflag:s20] =	ssyncadd.s32 $0xFFFFFC00  }
0x43: {  	[spmem:s2] =	stream.indirect.scatter.add.f32 [tilespmem:s25], [sflag:$0x6], $0x8, s5, s23, $0xb8;
	[tilespmem:$0x8610] =	vst v63  }
0x44: {  	_ =	swait.ge [sflag:s21], $0x400  }
0x45: {  	[sflag:s21] =	ssyncset.done $0x0  }
0x46: {  	s7 =	simm.s32 $0x2880;
	[sflag:s21] =	ssyncadd.s32 $0xFFFFFC00  }
0x47: {  	[spmem:s2] =	stream.indirect.scatter.add.f32 [tilespmem:s26], [sflag:$0x7], $0x8, s7, s23, $0xb8;
	[tilespmem:$0x8610] =	vst v63  }
0x48: {  	_ =	swait.ge [sflag:s22], $0x400  }
0x49: {  	[sflag:s22] =	ssyncset.done $0x0  }
0x4a: {  	s9 =	simm.s32 $0x2900;
	[sflag:s22] =	ssyncadd.s32 $0xFFFFFC00  }
0x4b: {  	[spmem:s2] =	stream.indirect.scatter.add.f32 [tilespmem:s28], [sflag:$0x8], $0x8, s9, s23, $0xb8;
	[tilespmem:$0x8610] =	vst v63  }
0x4c: {  	_ =	swait.ge [sflag:s29], $0x400  }
0x4d: {  	[sflag:s29] =	ssyncset.done $0x0  }
0x4e: {  	[sflag:s29] =	ssyncadd.s32 $0xFFFFFC00  }
0x4f: {  	_ =	swait.ge [sflag:s30], $0x400  }
0x50: {  	[sflag:s30] =	ssyncset.done $0x0  }
0x51: {  	[sflag:s30] =	ssyncadd.s32 $0xFFFFFC00  }
0x52: {  	_ =	swait.ge [sflag:s31], $0x400  }
0x53: {  	[sflag:s31] =	ssyncset.done $0x0  }
0x54: {  	[sflag:s31] =	ssyncadd.s32 $0xFFFFFC00  }
0x55: {  	_ =	swait.ge [sflag:s1], $0x400  }
0x56: {  	s4 =	simm.s32 $0x800;
	s5 =	simm.s32 $0x1000;
	[sflag:s1] =	ssyncset.done $0x0  }
.LBB2_2:
0x57: {  	s9 =	sshra.s32 s4, $0x2  }
0x58: {  	[sflag:s1] =	ssyncadd.s32 $0xFFFFFC00;
	s4 =	smov.u32 s5;
	s7 =	sadd.s32 $0x800, s5  }
0x59: {  	[tilespmem:s24], [sflag:$0x1] =	stream.indirect.gather [spmem:s3], $0x8, s9, s23, $0xb8;
	[tilespmem:$0x8610] =	vst v63  }
0x5a: {  	p1 =	sne.s32 s5, $0x9000;
	s5 =	sadd.s32 $0x80, s9  }
0x5b: {  	[tilespmem:s25], [sflag:$0x2] =	stream.indirect.gather [spmem:s3], $0x8, s5, s23, $0xb8;
	[tilespmem:$0x8610] =	vst v63  }
0x5c: {  	s5 =	sadd.s32 $0x100, s9  }
0x5d: {  	[tilespmem:s26], [sflag:$0x3] =	stream.indirect.gather [spmem:s3], $0x8, s5, s23, $0xb8;
	[tilespmem:$0x8610] =	vst v63  }
0x5e: {  	s5 =	sadd.s32 $0x180, s9  }
0x5f: {  	[tilespmem:s28], [sflag:$0x4] =	stream.indirect.gather [spmem:s3], $0x8, s5, s23, $0xb8;
	[tilespmem:$0x8610] =	vst v63  }
0x60: {  	_ =	swait.ge [sflag:s19], $0x400  }
0x61: {  	[sflag:s19] =	ssyncset.done $0x0  }
0x62: {  	s5 =	sadd.s32 $0x2780, s9;
	[sflag:s19] =	ssyncadd.s32 $0xFFFFFC00  }
0x63: {  	[spmem:s2] =	stream.indirect.scatter.add.f32 [tilespmem:s24], [sflag:$0x5], $0x8, s5, s23, $0xb8;
	[tilespmem:$0x8610] =	vst v63  }
0x64: {  	_ =	swait.ge [sflag:s20], $0x400  }
0x65: {  	[sflag:s20] =	ssyncset.done $0x0  }
0x66: {  	s5 =	sadd.s32 $0x2800, s9;
	[sflag:s20] =	ssyncadd.s32 $0xFFFFFC00  }
0x67: {  	[spmem:s2] =	stream.indirect.scatter.add.f32 [tilespmem:s25], [sflag:$0x6], $0x8, s5, s23, $0xb8;
	[tilespmem:$0x8610] =	vst v63  }
0x68: {  	_ =	swait.ge [sflag:s21], $0x400  }
0x69: {  	[sflag:s21] =	ssyncset.done $0x0  }
0x6a: {  	s5 =	sadd.s32 $0x2880, s9;
	[sflag:s21] =	ssyncadd.s32 $0xFFFFFC00  }
0x6b: {  	[spmem:s2] =	stream.indirect.scatter.add.f32 [tilespmem:s26], [sflag:$0x7], $0x8, s5, s23, $0xb8;
	[tilespmem:$0x8610] =	vst v63  }
0x6c: {  	_ =	swait.ge [sflag:s22], $0x400  }
0x6d: {  	[sflag:s22] =	ssyncset.done $0x0  }
0x6e: {  	s5 =	sadd.s32 $0x2900, s9;
	[sflag:s22] =	ssyncadd.s32 $0xFFFFFC00  }
0x6f: {  	[spmem:s2] =	stream.indirect.scatter.add.f32 [tilespmem:s28], [sflag:$0x8], $0x8, s5, s23, $0xb8;
	[tilespmem:$0x8610] =	vst v63  }
0x70: {  	_ =	swait.ge [sflag:s29], $0x400  }
0x71: {  	[sflag:s29] =	ssyncset.done $0x0  }
0x72: {  	[sflag:s29] =	ssyncadd.s32 $0xFFFFFC00  }
0x73: {  	_ =	swait.ge [sflag:s30], $0x400  }
0x74: {  	[sflag:s30] =	ssyncset.done $0x0  }
0x75: {  	[sflag:s30] =	ssyncadd.s32 $0xFFFFFC00  }
.Ltmp0:
0x76: {  	_ =	swait.ge [sflag:s31], $0x400;
	(pc) =	sbr.rel @p1 .LBB2_2-.Ltmp0, $4  }
0x77: {  	[sflag:s31] =	ssyncset.done $0x0  }
0x78: {  	[sflag:s31] =	ssyncadd.s32 $0xFFFFFC00  }
0x79: {  	_ =	swait.ge [sflag:s1], $0x400  }
0x7a: {  	s5 =	smov.u32 s7;
	[sflag:s1] =	ssyncset.done $0x0  }
0x7b: {  	s4 =	sshra.s32 s4, $0x2;
	[sflag:s1] =	ssyncadd.s32 $0xFFFFFC00  }
0x7c: {  	[tilespmem:s24], [sflag:$0x1] =	stream.indirect.gather [spmem:s3], $0x8, s4, s23, $0xb8;
	[tilespmem:$0x8610] =	vst v63  }
0x7d: {  	s5 =	sadd.s32 $0x80, s4  }
0x7e: {  	[tilespmem:s25], [sflag:$0x2] =	stream.indirect.gather [spmem:s3], $0x8, s5, s23, $0xb8;
	[tilespmem:$0x8610] =	vst v63  }
0x7f: {  	s9 =	sadd.s32 $0x100, s4  }
0x80: {  	[tilespmem:s26], [sflag:$0x3] =	stream.indirect.gather [spmem:s3], $0x8, s9, s23, $0xb8;
	[tilespmem:$0x8610] =	vst v63  }
0x81: {  	s7 =	sadd.s32 $0x180, s4  }
0x82: {  	[tilespmem:s28], [sflag:$0x4] =	stream.indirect.gather [spmem:s3], $0x8, s7, s23, $0xb8;
	[tilespmem:$0x8610] =	vst v63  }
0x83: {  	_ =	swait.ge [sflag:s19], $0x400  }
0x84: {  	[sflag:s19] =	ssyncset.done $0x0  }
0x85: {  	s9 =	sadd.s32 $0x2780, s4;
	[sflag:s19] =	ssyncadd.s32 $0xFFFFFC00  }
0x86: {  	[spmem:s2] =	stream.indirect.scatter.add.f32 [tilespmem:s24], [sflag:$0x5], $0x8, s9, s23, $0xb8;
	[tilespmem:$0x8610] =	vst v63  }
0x87: {  	_ =	swait.ge [sflag:s20], $0x400  }
0x88: {  	[sflag:s20] =	ssyncset.done $0x0  }
0x89: {  	s7 =	sadd.s32 $0x2800, s4;
	[sflag:s20] =	ssyncadd.s32 $0xFFFFFC00  }
0x8a: {  	[spmem:s2] =	stream.indirect.scatter.add.f32 [tilespmem:s25], [sflag:$0x6], $0x8, s7, s23, $0xb8;
	[tilespmem:$0x8610] =	vst v63  }
0x8b: {  	_ =	swait.ge [sflag:s21], $0x400  }
0x8c: {  	[sflag:s21] =	ssyncset.done $0x0  }
0x8d: {  	s9 =	sadd.s32 $0x2880, s4;
	[sflag:s21] =	ssyncadd.s32 $0xFFFFFC00  }
0x8e: {  	[spmem:s2] =	stream.indirect.scatter.add.f32 [tilespmem:s26], [sflag:$0x7], $0x8, s9, s23, $0xb8;
	[tilespmem:$0x8610] =	vst v63  }
0x8f: {  	_ =	swait.ge [sflag:s22], $0x400  }
0x90: {  	[sflag:s22] =	ssyncset.done $0x0  }
0x91: {  	s4 =	sadd.s32 $0x2900, s4;
	[sflag:s22] =	ssyncadd.s32 $0xFFFFFC00  }
0x92: {  	[spmem:s2] =	stream.indirect.scatter.add.f32 [tilespmem:s28], [sflag:$0x8], $0x8, s4, s23, $0xb8;
	[tilespmem:$0x8610] =	vst v63  }
0x93: {  	_ =	swait.ge [sflag:s29], $0x400  }
0x94: {  	[sflag:s29] =	ssyncset.done $0x0  }
0x95: {  	[sflag:s29] =	ssyncadd.s32 $0xFFFFFC00  }
0x96: {  	_ =	swait.ge [sflag:s30], $0x400  }
0x97: {  	[sflag:s30] =	ssyncset.done $0x0  }
0x98: {  	[sflag:s30] =	ssyncadd.s32 $0xFFFFFC00  }
0x99: {  	_ =	swait.ge [sflag:s31], $0x400  }
0x9a: {  	[sflag:s31] =	ssyncset.done $0x0  }
0x9b: {  	[sflag:s31] =	ssyncadd.s32 $0xFFFFFC00  }
0x9c: {  	_ =	swait.ge [sflag:s1], $0x400  }
0x9d: {  	[sflag:s1] =	ssyncset.done $0x0  }
0x9e: {  	s7 =	simm.s32 $0x2600;
	[sflag:s1] =	ssyncadd.s32 $0xFFFFFC00  }
0x9f: {  	[tilespmem:s24], [sflag:$0x1] =	stream.indirect.gather [spmem:s3], $0x8, s7, s23, $0xb8;
	[tilespmem:$0x8610] =	vst v63  }
0xa0: {  	s9 =	simm.s32 $0x2680  }
0xa1: {  	[tilespmem:s25], [sflag:$0x2] =	stream.indirect.gather [spmem:s3], $0x8, s9, s23, $0xb8;
	[tilespmem:$0x8610] =	vst v63  }
0xa2: {  	_ =	swait.ge [sflag:s19], $0x400  }
0xa3: {  	[sflag:s19] =	ssyncset.done $0x0  }
0xa4: {  	s5 =	simm.s32 $0x4D80;
	[sflag:s19] =	ssyncadd.s32 $0xFFFFFC00  }
0xa5: {  	[spmem:s2] =	stream.indirect.scatter.add.f32 [tilespmem:s24], [sflag:$0x5], $0x8, s5, s23, $0xb8;
	[tilespmem:$0x8610] =	vst v63  }
0xa6: {  	_ =	swait.ge [sflag:s20], $0x400  }
0xa7: {  	[sflag:s20] =	ssyncset.done $0x0  }
0xa8: {  	s7 =	simm.s32 $0x4E00;
	[sflag:s20] =	ssyncadd.s32 $0xFFFFFC00  }
0xa9: {  	[spmem:s2] =	stream.indirect.scatter.add.f32 [tilespmem:s25], [sflag:$0x6], $0x8, s7, s23, $0xb8;
	[tilespmem:$0x8610] =	vst v63  }
0xaa: {  	_ =	swait.ge [sflag:s29], $0x400  }
0xab: {  	[sflag:s29] =	ssyncset.done $0x0  }
0xac: {  	[sflag:s29] =	ssyncadd.s32 $0xFFFFFC00  }
0xad: {  	_ =	swait.ge [sflag:s30], $0x400  }
0xae: {  	s4 =	simm.s32 @!p0 $0x80;
	[sflag:s30] =	ssyncset.done $0x0  }
0xaf: {  	s5 =	simm.s32 @!p0 $0x2700;
	s7 =	simm.s32 @!p0 $0x5700;
	[sflag:s30] =	ssyncadd.s32 $0xFFFFFC00  }
0xb0: {  	[tilespmem:s7], [sflag:$0x3] =	stream.indirect.gather @!p0 [spmem:s3], $0x8, s5, s4, $0xb8;
	[tilespmem:$0x8610] =	vst v63  }
0xb1: {  	s5 =	simm.s32 @!p0 $0x3  }
0xb2: {  	_ =	swait.ge @!p0 [sflag:s5], $0x400  }
0xb3: {  	[sflag:s5] =	ssyncset.done @!p0 $0x0  }
0xb4: {  	[sflag:s5] =	ssyncadd.s32 @!p0 $0xFFFFFC00;
	s5 =	simm.s32 @!p0 $0x4E80  }
0xb5: {  	[spmem:s2] =	stream.indirect.scatter.add.f32 @!p0 [tilespmem:s7], [sflag:$0x9], $0x8, s5, s4, $0xb8;
	[tilespmem:$0x8610] =	vst v63  }
0xb6: {  	s4 =	simm.s32 @!p0 $0x9  }
0xb7: {  	_ =	swait.ge @!p0 [sflag:s4], $0x400  }
0xb8: {  	s18 =	sadd.s32 $0x1, s18;
	[sflag:s4] =	ssyncset.done @!p0 $0x0  }
0xb9: {  	p1 =	sne.s32 s18, s14;
	[sflag:s4] =	ssyncadd.s32 @!p0 $0xFFFFFC00  }
.Ltmp1:
0xba: {  	s9 =	sor.u32 $0x1C09, s6;
	[bflag:$0x0] =	sbarrier.arrive $0xFFFF;
	(pc) =	sbr.rel @p1 .LBB2_1-.Ltmp1, $4  }
0xbb: {  	[hbm:s13], [sflag:s9] =	dma.local [spmem:s15], $0x271  }
0xbc: {  	_ =	swait.ge [sflag:s0], $0x271  }
0xbd: {  	[sflag:s0] =	ssyncset.done $0x0  }
0xbe: {  	[sflag:s0] =	ssyncadd.s32 $0xFFFFFD8F  }
0xbf: {  	_ =	sfence.sel $0x180000  }
0xc0: {  	[bflag:$0x0] =	sbarrier.arrive $0xFFFF  }
0xc1: {  	_ =	strace $0x9000004A  }
0xc2: {  	s0 =	stileid.u32;
	[bflag:$0x2] =	sbarrier.arrive $0xFFFF  }
0xc3: {  	p0 =	sne.s32 s0, $0x0;
	s0 =	rddreg [dreg:$0x3]  }
0xc4: {  	s0 =	sadd.s32 @!p0 $0x100000, s0  }
0xc5: {  	[sflag:s0] =	ssyncadd.tile.s32 @!p0 $0x1;
	_ =	shalt  }
.Lfunc_end2:
_tile_overlayer_lowered:
.L_overlay_start_2:
0xc6: {  	(tag) =	ssettag $0x2  }
0xc7: {  	s0 =	rddreg [dreg:$0x0];
	s2 =	stileid.u32  }
0xc8: {  	s1 =	rddreg [dreg:$0x1];
	p0 =	sne.s32 s2, $0x0  }
0xc9: {  	s3 =	rddreg [dreg:$0x2];
	[bflag:$0x3] =	sbarrier.arrive $0xFFFF;
	s2 =	simm.s32 @!p0 $0x1C09  }
0xca: {  	[timem:s3], [sflag:s2] =	dma.local @!p0 [hbm:s0], s1  }
0xcb: {  	s0 =	simm.s32 @!p0 $0x9  }
0xcc: {  	_ =	swait.ge @!p0 [sflag:s0], s1  }
0xcd: {  	s1 =	ssub.s32 @!p0 $0x0, s1;
	[sflag:s0] =	ssyncset.done @!p0 $0x0  }
0xce: {  	[sflag:s0] =	ssyncadd.s32 @!p0 s1  }
0xcf: {  	[bflag:$0x3] =	sbarrier.arrive $0xFFFF  }
0xd0: {  	_ =	shalt  }

// kernel: kernel.14.cloned.1.call-start
scs
__scs_entry_jumppad:
0x0: {  	(pc) =	sbr.rel $0x88, $3  }
0x1: {  	(tag) =	ssettag $0x0;
	lr =	simm.s32 $0x1  }
0x2: {  	[smem:$0x3F99] =	sst lr;
	_ =	strace $0xD0000000  }
0x3: {  	_ = 	snop  }
0x4: {  	_ = 	snop  }
0x5: {  	_ = 	snop  }
0x6: {  	_ = 	snop  }
0x7: {  	_ = 	snop  }
__scs_overlays_trampoline_lowered:
0x8: {  	[smem:$0x3FA8] =	sst s0  }
0x9: {  	[smem:$0x3FA9] =	sst s1  }
0xa: {  	[smem:$0x3FAA] =	sst s2  }
0xb: {  	[smem:$0x3FAB] =	sst s3  }
0xc: {  	[smem:$0x3FAC] =	sst s4  }
0xd: {  	[smem:$0x3FAD] =	sst s5  }
0xe: {  	[smem:$0x3FAE] =	sst s6  }
0xf: {  	[smem:$0x3FAF] =	sst s7  }
0x10: {  	[smem:$0x3FB0] =	sst s8  }
0x11: {  	[smem:$0x3FB1] =	sst s9;
	s0 =	simm.s32 @!p0 $0x0  }
0x12: {  	s1 =	sld [smem:$0x3F97];
	s0 =	simm.s32 @p0 $0x1  }
0x13: {  	[smem:$0x3FB2] =	sst s0;
	s0 =	simm.s32 @!p1 $0x0  }
0x14: {  	s2 =	sld [smem:$0x3F96];
	s0 =	simm.s32 @p1 $0x1  }
0x15: {  	[smem:$0x3FB3] =	sst s0;
	s0 =	simm.s32 @!p2 $0x0  }
0x16: {  	s3 =	sld [smem:$0x3FDB];
	s0 =	simm.s32 @p2 $0x1  }
0x17: {  	s4 =	simm.s32 $0x1BF5;
	[smem:$0x3FB5] =	sst s0  }
0x18: {  	s0 =	sld [smem:$0x3F98];
	_ =	swait.ge [sflag:s4], $0x0  }
0x19: {  	s7 =	sld [smem:$0x3F99]  }
0x1a: {  	s8 =	sadd.s32 $0xFFFFE003, lr  }
0x1b: {  	s9 =	sadd.s32 $0xFFFFFEF7, lr;
	s5 =	simm.s32 $0xFFFFFFFF;
	p2 =	slt.u32 s8, $0xFFFFF086  }
0x1c: {  	p1 =	slt.u32 s9, $0xF7A;
	s5 =	simm.s32 @!p2 $0x0  }
0x1d: {  	s5 =	simm.s32 @p1 $0x1;
	p0 =	seq.s32 s7, s2  }
0x1e: {  	s7 =	smul.u32 @!p0 $0xF7A, s2;
	p2 =	seq.s32 @!p0 s5, $0x0  }
0x1f: {  	s9 =	smul.u32 $0xF7A, s1;
	s8 =	simm.s32 @!p0 $0x1BF5;
	p2 =	por !p2, p0  }
0x20: {  	[sflag:s8] =	ssyncset.s32 @!p0 $0xFFFFF086;
	s6 =	sadd.s32 @!p0 s3, s7;
	s7 =	simm.s32 @!p0 $0x108  }
0x21: {  	s3 =	sadd.s32 s3, s9;
	s6 =	sadd.s32 @!p0 $0x88, s6;
	s7 =	simm.s32 @p2 $0x1082  }
0x22: {  	[simem:s7], [sflag:s8] =	dma.local @!p0 [hbm:s6], $0xF7A  }
0x23: {  	s9 =	sor.u32 $0xD0000000, s2;
	s6 =	simm.s32 $0x108;
	_ =	swait.ge @!p0 [sflag:s8], $0x0  }
0x24: {  	s3 =	sadd.s32 $0x88, s3;
	s6 =	simm.s32 @!p1 $0x1082;
	[sflag:s4] =	ssyncset.s32 $0xFFFFF086  }
0x25: {  	[simem:s6], [sflag:s4] =	dma.local [hbm:s3], $0xF7A  }
0x26: {  	[smem:$0x3F99] =	sst s1;
	(tag) =	ssettag s2;
	_ =	strace s9  }
0x27: {  	s1 =	sld [smem:$0x3FA9]  }
0x28: {  	s2 =	sld [smem:$0x3FAA]  }
0x29: {  	s4 =	sld [smem:$0x3FAC]  }
0x2a: {  	p0 =	seq.s32 s5, $0x0;
	s5 =	sld [smem:$0x3FAD]  }
0x2b: {  	s6 =	sld [smem:$0x3FAE]  }
0x2c: {  	s7 =	sld [smem:$0x3FAF]  }
0x2d: {  	s3 =	simm.s32 $0x108;
	s8 =	sld [smem:$0x3FB0]  }
0x2e: {  	s3 =	simm.s32 @!p0 $0x1082;
	s9 =	sld [smem:$0x3FB1]  }
0x2f: {  	lr =	sadd.s32 s0, s3;
	s0 =	sld [smem:$0x3FA8]  }
0x30: {  	s3 =	sld [smem:$0x3FAB]  }
0x31: {  	[smem:$0x3FB4] =	sst s10  }
0x32: {  	s10 =	sld [smem:$0x3FB2];
	_ =	sdelay $0x3  }
0x33: {  	p0 =	seq.s32 s10, $0x1;
	s10 =	sld [smem:$0x3FB4];
	_ =	sdelay $0x3  }
0x34: {  	[smem:$0x3FB4] =	sst s10  }
0x35: {  	s10 =	sld [smem:$0x3FB3];
	_ =	sdelay $0x3  }
0x36: {  	p1 =	seq.s32 s10, $0x1;
	s10 =	sld [smem:$0x3FB4];
	_ =	sdelay $0x3  }
0x37: {  	[smem:$0x3FB4] =	sst s10  }
0x38: {  	s10 =	sld [smem:$0x3FB5]  }
0x39: {  	_ = 	snop;
	(pc) =	sbr.ind lr, $3  }
0x3a: {  	_ = 	snop  }
0x3b: {  	_ = 	snop  }
0x3c: {  	p2 =	seq.s32 s10, $0x1;
	s10 =	sld [smem:$0x3FB4]  }
0x3d: {  	_ =	shalt  }
0x3e: {  	_ =	shalt  }
0x3f: {  	_ =	shalt  }
0x40: {  	_ =	shalt  }
0x41: {  	_ =	shalt  }
0x42: {  	_ =	shalt  }
0x43: {  	_ =	shalt  }
0x44: {  	_ =	shalt  }
0x45: {  	_ =	shalt  }
0x46: {  	_ =	shalt  }
0x47: {  	_ =	shalt  }
0x48: {  	_ =	shalt  }
0x49: {  	_ =	shalt  }
0x4a: {  	_ =	shalt  }
0x4b: {  	_ =	shalt  }
0x4c: {  	_ =	shalt  }
0x4d: {  	_ =	shalt  }
0x4e: {  	_ =	shalt  }
0x4f: {  	_ =	shalt  }
0x50: {  	_ =	shalt  }
0x51: {  	_ =	shalt  }
0x52: {  	_ =	shalt  }
0x53: {  	_ =	shalt  }
0x54: {  	_ =	shalt  }
0x55: {  	_ =	shalt  }
0x56: {  	_ =	shalt  }
0x57: {  	_ =	shalt  }
0x58: {  	_ =	shalt  }
0x59: {  	_ =	shalt  }
0x5a: {  	_ =	shalt  }
0x5b: {  	_ =	shalt  }
0x5c: {  	_ =	shalt  }
0x5d: {  	_ =	shalt  }
0x5e: {  	_ =	shalt  }
0x5f: {  	_ =	shalt  }
0x60: {  	_ =	shalt  }
0x61: {  	_ =	shalt  }
0x62: {  	_ =	shalt  }
0x63: {  	_ =	shalt  }
0x64: {  	_ =	shalt  }
0x65: {  	_ =	shalt  }
0x66: {  	_ =	shalt  }
0x67: {  	_ =	shalt  }
0x68: {  	_ =	shalt  }
0x69: {  	_ =	shalt  }
0x6a: {  	_ =	shalt  }
0x6b: {  	_ =	shalt  }
0x6c: {  	_ =	shalt  }
0x6d: {  	_ =	shalt  }
0x6e: {  	_ =	shalt  }
0x6f: {  	_ =	shalt  }
0x70: {  	_ =	shalt  }
0x71: {  	_ =	shalt  }
0x72: {  	_ =	shalt  }
0x73: {  	_ =	shalt  }
0x74: {  	_ =	shalt  }
0x75: {  	_ =	shalt  }
0x76: {  	_ =	shalt  }
0x77: {  	_ =	shalt  }
0x78: {  	_ =	shalt  }
0x79: {  	_ =	shalt  }
0x7a: {  	_ =	shalt  }
0x7b: {  	_ =	shalt  }
0x7c: {  	_ =	shalt  }
0x7d: {  	_ =	shalt  }
0x7e: {  	_ =	shalt  }
0x7f: {  	_ =	shalt  }
0x80: {  	_ =	shalt  }
0x81: {  	_ =	shalt  }
0x82: {  	_ =	shalt  }
0x83: {  	_ =	shalt  }
0x84: {  	_ =	shalt  }
0x85: {  	_ =	shalt  }
0x86: {  	_ =	shalt  }
0x87: {  	_ =	shalt  }
.Lfunc_end0:
.L_simem_size_0:
called_computation.2_lowered:
.L_overlay_start_0:
0x88: {  	s2 =	sld [smem:$0x3FD9]  }
0x89: {  	s3 =	sld [smem:$0x3FFE];
	_ =	sdelay $0x1  }
0x8a: {  	s1 =	srdreg.scid  }
0x8b: {  	s0 =	sand.u32 $0x1, s1  }
0x8c: {  	s16 =	sshll.u32 s0, $0xA;
	s2 =	sadd.s32 s3, s2  }
0x8d: {  	s2 =	sadd.s32 s2, s16  }
0x8e: {  	[smem:$0x3FC0] =	sst s2  }
0x8f: {  	_ = 	snop  }
0x90: {  	(tm) =	ssettm $0x1  }
0x91: {  	s17 =	sld [smem:$0x3FFB];
	_ =	sdelay $0x3  }
0x92: {  	_ =	strace s17  }
0x93: {  	s2 =	sld [smem:$0x3FFC];
	_ =	sdelay $0x3  }
0x94: {  	_ =	strace s2  }
0x95: {  	s2 =	sld [smem:$0x3FFD];
	_ =	sdelay $0x3  }
0x96: {  	_ =	strace s2  }
0x97: {  	_ =	strace $0x8FFFFFFF  }
0x98: {  	s18 =	sld [smem:$0x3FDB];
	_ =	sdelay $0x1  }
0x99: {  	s19 =	simm.s32 $_scs_section_size  }
0x9a: {  	s4 =	simm.s32 $_size__tile_overlayer_lowered;
	s5 =	simm.s32 $_tile_overlayer_lowered  }
0x9b: {  	s22 =	simm.s32 $0x1BFF;
	s21 =	sshll.u32 s5, $0x1;
	s2 =	sadd.s32 s19, s18  }
0x9c: {  	s6 =	simm.s32 $0x0;
	s20 =	sshll.u32 s4, $0x1;
	s4 =	sadd.s32 s21, s2  }
0x9d: {  	[timem:s6], [sflag:s22] =	dma.local [hbm:s4], s20  }
0x9e: {  	_ =	swait.ge [sflag:s22], s20  }
0x9f: {  	s3 =	ssub.s32 $0x0, s20;
	[sflag:s22] =	ssyncset.done $0x0  }
0xa0: {  	[sflag:s22] =	ssyncadd.s32 s3;
	_ =	sdelay $0x1  }
0xa1: {  	s23 =	simm.s32 $0x1B8B  }
0xa2: {  	_ =	swait.ge [sflag:s23], $0x1  }
0xa3: {  	[sflag:s23] =	ssyncset.done $0x0  }
0xa4: {  	s25 =	simm.s32 $0x1B8E;
	s24 =	sld [smem:$0x3FFE];
	[sflag:s23] =	ssyncadd.s32 $0xFFFFFFFF  }
0xa5: {  	s26 =	simm.s32 $execute0_lowered;
	[smem:$0x3FD2] =	sst s25  }
0xa6: {  	s4 =	sshll.u32 s26, $0x1;
	_ =	strace $0x8000004C;
	[dreg:$0x1] =	wrdreg $0xFFFFFFFF  }
0xa7: {  	s28 =	simm.s32 $_size_execute0_lowered;
	s2 =	sadd.s32 s2, s4;
	[dreg:$0x0] =	wrdreg $0x0  }
0xa8: {  	s4 =	sshll.u32 s28, $0x1;
	[dreg:$0x2] =	wrdreg s2  }
0xa9: {  	[dreg:$0x3] =	wrdreg s4  }
0xaa: {  	[dreg:$0x4] =	wrdreg $0xC0  }
0xab: {  	_ =	task [dreg:s6], $0x5FFFF  }
0xac: {  	[dreg:$0x1] =	wrdreg $0xFFFFFFFF  }
0xad: {  	[dreg:$0x0] =	wrdreg $0x60  }
0xae: {  	[dreg:$0x2] =	wrdreg s24  }
0xaf: {  	[dreg:$0x3] =	wrdreg $0x72880  }
0xb0: {  	[dreg:$0x4] =	wrdreg $0x5F000  }
0xb1: {  	[dreg:$0x5] =	wrdreg $0x9  }
0xb2: {  	_ =	task.clear_ibuf [dreg:s6], $0x6FFFF;
	_ =	strace $0x9000004C  }
0xb3: {  	s29 =	simm.s32 $0x9;
	_ =	strace $0x8000004E  }
0xb4: {  	_ =	swait.ge [sflag:s29], $0x1  }
0xb5: {  	[sflag:s29] =	ssyncadd.s32 $0xFFFFFFFF  }
0xb6: {  	_ =	strace $0x9000004E  }
0xb7: {  	_ =	sfence  }
0xb8: {  	s30 =	sld [smem:$0x0];
	_ =	sdelay $0x2  }
0xb9: {  	s31 =	sshll.u32 s1, $0xD;
	s1 =	sshrl.u32 s1, $0x2  }
0xba: {  	s3 =	sand.u32 $0x4000, s31;
	s1 =	sadd.s32 s1, s30  }
0xbb: {  	s0 =	sor.u32 s3, s0;
	s1 =	sshll.u32 s1, $0x11  }
0xbc: {  	s0 =	sor.u32 s1, s0  }
0xbd: {  	s0 =	sadd.s32 $0x8F2B, s0  }
0xbe: {  	[sflag:s0] =	ssyncadd.remote.s32 $0x1  }
0xbf: {  	_ =	sfence.sel $0xFFFF  }
0xc0: {  	[dreg:$0x0] =	wrdreg $0xFFFFFFFF;
	(pc) =	sbr.abs _section_cstart, $3  }
0xc1: {  	[dreg:$0x1] =	wrdreg $0xFFFFFFFF  }
0xc2: {  	_ =	task.clear_ibuf [dreg:s6], $0x2FFFF;
	_ =	strace $0x9FFFFFFF  }
0xc3: {  	(tm) =	ssettm $0x7FFFFFFF  }
tec
execute0_lowered:
.L_overlay_start_1:
0x0: {  	(tag) =	ssettag $0x1  }
0x1: {  	s0 =	rddreg [dreg:$0x0]  }
0x2: {  	s2 =	rddreg [dreg:$0x1]  }
0x3: {  	s3 =	rddreg [dreg:$0x2]  }
0x4: {  	s10 =	stileid.u32;
	s4 =	srdreg.scid;
	s5 =	simm.s32 $0x0  }
0x5: {  	s19 =	simm.s32 $0x1;
	s20 =	simm.s32 $0x2;
	s21 =	simm.s32 $0x3  }
0x6: {  	s28 =	simm.s32 $0x5B00;
	s29 =	simm.s32 $0x5;
	s30 =	simm.s32 $0x6  }
0x7: {  	s31 =	simm.s32 $0x7;
	s18 =	simm.s32 $0x0;
	s1 =	smul.u32 $0x1388, s10  }
0x8: {  	s4 =	sand.u32 $0x1, s4;
	[smem:$0x7FF] =	sst s5;
	s7 =	sadd.s32 $0x2400, s0  }
0x9: {  	s26 =	sshll.u32 s10, $0x4;
	s6 =	smul.u32 $0x13880, s4;
	_ =	strace $0x8000004D  }
0xa: {  	s8 =	ssub.s32 $0x2, s4;
	s4 =	sshll.u32 s4, $0x4;
	s22 =	sshrl.u32 s1, $0x3  }
0xb: {  	s9 =	sshrl.u32 s8, $0x1;
	s4 =	sor.u32 s10, s4;
	s15 =	sadd.s32 s1, s2  }
0xc: {  	s5 =	sadd.s32 s22, s0;
	s6 =	sadd.s32 s1, s6;
	s14 =	ssub.s32 s8, s9  }
0xd: {  	s23 =	smul.u32 $0x2700, s4;
	s1 =	sadd.s32 s1, s3;
	p0 =	sgt.u32 s4, $0x3  }
0xe: {  	s15 =	sshrl.u32 s15, $0x3;
	s22 =	simm.s32 $0x4;
	s6 =	sshrl.u32 s6, $0x3  }
0xf: {  	s24 =	sadd.s32 $0x18600, s5;
	s5 =	sadd.s32 $0x15E00, s5;
	s14 =	smax.u32 s14, $0x1  }
0x10: {  	s17 =	sshrl.u32 s1, $0x3;
	s1 =	simm.s32 $0x8;
	s0 =	sadd.s32 s6, s0  }
0x11: {  	[dreg:$0x4] =	wrdreg s24;
	s6 =	sshll.u32 s10, $0x6;
	s8 =	sshrl.u32 s23, $0x3  }
0x12: {  	[dreg:$0x6] =	wrdreg s5;
	s23 =	simm.s32 $0x80;
	s24 =	simm.s32 $0x4F00  }
0x13: {  	s25 =	sor.u32 $0x1C01, s6;
	s8 =	sadd.s32 s7, s8;
	s7 =	sadd.s32 s26, s7  }
0x14: {  	s13 =	sadd.s32 $0x1AE00, s0;
	s16 =	sor.u32 $0x1C02, s6;
	s26 =	simm.s32 $0x5700  }
0x15: {  	s0 =	simm.s32 $0x9;
	[dreg:$0x5] =	wrdreg s25;
	s10 =	sadd.s32 $0x9C40, s8  }
0x16: {  	s11 =	sadd.s32 $0x9C00, s7;
	s12 =	sadd.s32 $0x13840, s7;
	s25 =	simm.s32 $0x5300  }
.LBB2_1:
0x17: {  	s4 =	rddreg [dreg:$0x4]  }
0x18: {  	s5 =	rddreg [dreg:$0x5]  }
0x19: {  	[spmem:s15], [sflag:s5] =	dma.local [hbm:s4], $0x271  }
0x1a: {  	s7 =	simm.s32 $0x0;
	s4 =	rddreg [dreg:$0x6]  }
0x1b: {  	[spmem:s17], [sflag:s16] =	dma.local [hbm:s4], $0x271  }
0x1c: {  	[tilespmem:s7], [sflag:$0x3] =	stream.linear.gather [hbm4b:s8+s7], $0x2700, $0x38;
	[tilespmem:$0x8610] =	vst v63  }
0x1d: {  	s9 =	simm.s32 $0x2780  }
0x1e: {  	[tilespmem:s9], [sflag:$0x4] =	stream.linear.gather [hbm4b:s10+s7], $0x2700, $0x38;
	[tilespmem:$0x8610] =	vst v63  }
0x1f: {  	_ =	swait.ge [sflag:s19], $0x271  }
0x20: {  	[sflag:s19] =	ssyncset.done $0x0  }
0x21: {  	[sflag:s19] =	ssyncadd.s32 $0xFFFFFD8F  }
0x22: {  	_ =	swait.ge [sflag:s20], $0x271  }
0x23: {  	[sflag:s20] =	ssyncset.done $0x0  }
0x24: {  	[sflag:s20] =	ssyncadd.s32 $0xFFFFFD8F  }
0x25: {  	_ =	swait.ge [sflag:s21], $0x2700  }
0x26: {  	[sflag:s21] =	ssyncset.done $0x0  }
0x27: {  	[sflag:s21] =	ssyncadd.s32 $0xFFFFD900  }
0x28: {  	_ =	swait.ge [sflag:s22], $0x2700  }
0x29: {  	[sflag:s22] =	ssyncset.done $0x0  }
0x2a: {  	s5 =	simm.s32 @!p0 $0x2700;
	s4 =	simm.s32 @!p0 $0x0;
	[sflag:s22] =	ssyncadd.s32 $0xFFFFD900  }
0x2b: {  	[tilespmem:s5], [sflag:$0x9] =	stream.linear.gather @!p0 [hbm4b:s11+s4], $0x80, $0x38;
	[tilespmem:$0x8610] =	vst v63  }
0x2c: {  	s5 =	simm.s32 @!p0 $0x9  }
0x2d: {  	_ =	swait.ge @!p0 [sflag:s5], $0x80  }
0x2e: {  	[sflag:s5] =	ssyncset.done @!p0 $0x0  }
0x2f: {  	s7 =	simm.s32 @!p0 $0x4E80;
	[sflag:s5] =	ssyncadd.s32 @!p0 $0xFFFFFF80  }
0x30: {  	[tilespmem:s7], [sflag:$0x9] =	stream.linear.gather @!p0 [hbm4b:s12+s4], $0x80, $0x38;
	[tilespmem:$0x8610] =	vst v63  }
0x31: {  	_ =	swait.ge @!p0 [sflag:s5], $0x80  }
0x32: {  	[sflag:s5] =	ssyncset.done @!p0 $0x0  }
0x33: {  	[sflag:s5] =	ssyncadd.s32 @!p0 $0xFFFFFF80  }
0x34: {  	s7 =	simm.s32 $0x0;
	[bflag:$0x0] =	sbarrier.arrive $0xFFFF  }
0x35: {  	[tilespmem:s24], [sflag:$0x1] =	stream.indirect.gather [spmem:s3], $0x8, s7, s23, $0xb8;
	[tilespmem:$0x8610] =	vst v63  }
0x36: {  	s9 =	simm.s32 $0x80  }
0x37: {  	[tilespmem:s25], [sflag:$0x2] =	stream.indirect.gather [spmem:s3], $0x8, s9, s23, $0xb8;
	[tilespmem:$0x8610] =	vst v63  }
0x38: {  	s5 =	simm.s32 $0x100  }
0x39: {  	[tilespmem:s26], [sflag:$0x3] =	stream.indirect.gather [spmem:s3], $0x8, s5, s23, $0xb8;
	[tilespmem:$0x8610] =	vst v63  }
0x3a: {  	s7 =	simm.s32 $0x180  }
0x3b: {  	[tilespmem:s28], [sflag:$0x4] =	stream.indirect.gather [spmem:s3], $0x8, s7, s23, $0xb8;
	[tilespmem:$0x8610] =	vst v63  }
0x3c: {  	_ =	swait.ge [sflag:s19], $0x400  }
0x3d: {  	[sflag:s19] =	ssyncset.done $0x0  }
0x3e: {  	s9 =	simm.s32 $0x2780;
	[sflag:s19] =	ssyncadd.s32 $0xFFFFFC00  }
0x3f: {  	[spmem:s2] =	stream.indirect.scatter.add.f32 [tilespmem:s24], [sflag:$0x5], $0x8, s9, s23, $0xb8;
	[tilespmem:$0x8610] =	vst v63  }
0x40: {  	_ =	swait.ge [sflag:s20], $0x400  }
0x41: {  	[sflag:s20] =	ssyncset.done $0x0  }
0x42: {  	s5 =	simm.s32 $0x2800;
	[sflag:s20] =	ssyncadd.s32 $0xFFFFFC00  }
0x43: {  	[spmem:s2] =	stream.indirect.scatter.add.f32 [tilespmem:s25], [sflag:$0x6], $0x8, s5, s23, $0xb8;
	[tilespmem:$0x8610] =	vst v63  }
0x44: {  	_ =	swait.ge [sflag:s21], $0x400  }
0x45: {  	[sflag:s21] =	ssyncset.done $0x0  }
0x46: {  	s7 =	simm.s32 $0x2880;
	[sflag:s21] =	ssyncadd.s32 $0xFFFFFC00  }
0x47: {  	[spmem:s2] =	stream.indirect.scatter.add.f32 [tilespmem:s26], [sflag:$0x7], $0x8, s7, s23, $0xb8;
	[tilespmem:$0x8610] =	vst v63  }
0x48: {  	_ =	swait.ge [sflag:s22], $0x400  }
0x49: {  	[sflag:s22] =	ssyncset.done $0x0  }
0x4a: {  	s9 =	simm.s32 $0x2900;
	[sflag:s22] =	ssyncadd.s32 $0xFFFFFC00  }
0x4b: {  	[spmem:s2] =	stream.indirect.scatter.add.f32 [tilespmem:s28], [sflag:$0x8], $0x8, s9, s23, $0xb8;
	[tilespmem:$0x8610] =	vst v63  }
0x4c: {  	_ =	swait.ge [sflag:s29], $0x400  }
0x4d: {  	[sflag:s29] =	ssyncset.done $0x0  }
0x4e: {  	[sflag:s29] =	ssyncadd.s32 $0xFFFFFC00  }
0x4f: {  	_ =	swait.ge [sflag:s30], $0x400  }
0x50: {  	[sflag:s30] =	ssyncset.done $0x0  }
0x51: {  	[sflag:s30] =	ssyncadd.s32 $0xFFFFFC00  }
0x52: {  	_ =	swait.ge [sflag:s31], $0x400  }
0x53: {  	[sflag:s31] =	ssyncset.done $0x0  }
0x54: {  	[sflag:s31] =	ssyncadd.s32 $0xFFFFFC00  }
0x55: {  	_ =	swait.ge [sflag:s1], $0x400  }
0x56: {  	s4 =	simm.s32 $0x800;
	s5 =	simm.s32 $0x1000;
	[sflag:s1] =	ssyncset.done $0x0  }
.LBB2_2:
0x57: {  	s9 =	sshra.s32 s4, $0x2  }
0x58: {  	[sflag:s1] =	ssyncadd.s32 $0xFFFFFC00;
	s4 =	smov.u32 s5;
	s7 =	sadd.s32 $0x800, s5  }
0x59: {  	[tilespmem:s24], [sflag:$0x1] =	stream.indirect.gather [spmem:s3], $0x8, s9, s23, $0xb8;
	[tilespmem:$0x8610] =	vst v63  }
0x5a: {  	p1 =	sne.s32 s5, $0x9000;
	s5 =	sadd.s32 $0x80, s9  }
0x5b: {  	[tilespmem:s25], [sflag:$0x2] =	stream.indirect.gather [spmem:s3], $0x8, s5, s23, $0xb8;
	[tilespmem:$0x8610] =	vst v63  }
0x5c: {  	s5 =	sadd.s32 $0x100, s9  }
0x5d: {  	[tilespmem:s26], [sflag:$0x3] =	stream.indirect.gather [spmem:s3], $0x8, s5, s23, $0xb8;
	[tilespmem:$0x8610] =	vst v63  }
0x5e: {  	s5 =	sadd.s32 $0x180, s9  }
0x5f: {  	[tilespmem:s28], [sflag:$0x4] =	stream.indirect.gather [spmem:s3], $0x8, s5, s23, $0xb8;
	[tilespmem:$0x8610] =	vst v63  }
0x60: {  	_ =	swait.ge [sflag:s19], $0x400  }
0x61: {  	[sflag:s19] =	ssyncset.done $0x0  }
0x62: {  	s5 =	sadd.s32 $0x2780, s9;
	[sflag:s19] =	ssyncadd.s32 $0xFFFFFC00  }
0x63: {  	[spmem:s2] =	stream.indirect.scatter.add.f32 [tilespmem:s24], [sflag:$0x5], $0x8, s5, s23, $0xb8;
	[tilespmem:$0x8610] =	vst v63  }
0x64: {  	_ =	swait.ge [sflag:s20], $0x400  }
0x65: {  	[sflag:s20] =	ssyncset.done $0x0  }
0x66: {  	s5 =	sadd.s32 $0x2800, s9;
	[sflag:s20] =	ssyncadd.s32 $0xFFFFFC00  }
0x67: {  	[spmem:s2] =	stream.indirect.scatter.add.f32 [tilespmem:s25], [sflag:$0x6], $0x8, s5, s23, $0xb8;
	[tilespmem:$0x8610] =	vst v63  }
0x68: {  	_ =	swait.ge [sflag:s21], $0x400  }
0x69: {  	[sflag:s21] =	ssyncset.done $0x0  }
0x6a: {  	s5 =	sadd.s32 $0x2880, s9;
	[sflag:s21] =	ssyncadd.s32 $0xFFFFFC00  }
0x6b: {  	[spmem:s2] =	stream.indirect.scatter.add.f32 [tilespmem:s26], [sflag:$0x7], $0x8, s5, s23, $0xb8;
	[tilespmem:$0x8610] =	vst v63  }
0x6c: {  	_ =	swait.ge [sflag:s22], $0x400  }
0x6d: {  	[sflag:s22] =	ssyncset.done $0x0  }
0x6e: {  	s5 =	sadd.s32 $0x2900, s9;
	[sflag:s22] =	ssyncadd.s32 $0xFFFFFC00  }
0x6f: {  	[spmem:s2] =	stream.indirect.scatter.add.f32 [tilespmem:s28], [sflag:$0x8], $0x8, s5, s23, $0xb8;
	[tilespmem:$0x8610] =	vst v63  }
0x70: {  	_ =	swait.ge [sflag:s29], $0x400  }
0x71: {  	[sflag:s29] =	ssyncset.done $0x0  }
0x72: {  	[sflag:s29] =	ssyncadd.s32 $0xFFFFFC00  }
0x73: {  	_ =	swait.ge [sflag:s30], $0x400  }
0x74: {  	[sflag:s30] =	ssyncset.done $0x0  }
0x75: {  	[sflag:s30] =	ssyncadd.s32 $0xFFFFFC00  }
.Ltmp0:
0x76: {  	_ =	swait.ge [sflag:s31], $0x400;
	(pc) =	sbr.rel @p1 .LBB2_2-.Ltmp0, $4  }
0x77: {  	[sflag:s31] =	ssyncset.done $0x0  }
0x78: {  	[sflag:s31] =	ssyncadd.s32 $0xFFFFFC00  }
0x79: {  	_ =	swait.ge [sflag:s1], $0x400  }
0x7a: {  	s5 =	smov.u32 s7;
	[sflag:s1] =	ssyncset.done $0x0  }
0x7b: {  	s4 =	sshra.s32 s4, $0x2;
	[sflag:s1] =	ssyncadd.s32 $0xFFFFFC00  }
0x7c: {  	[tilespmem:s24], [sflag:$0x1] =	stream.indirect.gather [spmem:s3], $0x8, s4, s23, $0xb8;
	[tilespmem:$0x8610] =	vst v63  }
0x7d: {  	s5 =	sadd.s32 $0x80, s4  }
0x7e: {  	[tilespmem:s25], [sflag:$0x2] =	stream.indirect.gather [spmem:s3], $0x8, s5, s23, $0xb8;
	[tilespmem:$0x8610] =	vst v63  }
0x7f: {  	s9 =	sadd.s32 $0x100, s4  }
0x80: {  	[tilespmem:s26], [sflag:$0x3] =	stream.indirect.gather [spmem:s3], $0x8, s9, s23, $0xb8;
	[tilespmem:$0x8610] =	vst v63  }
0x81: {  	s7 =	sadd.s32 $0x180, s4  }
0x82: {  	[tilespmem:s28], [sflag:$0x4] =	stream.indirect.gather [spmem:s3], $0x8, s7, s23, $0xb8;
	[tilespmem:$0x8610] =	vst v63  }
0x83: {  	_ =	swait.ge [sflag:s19], $0x400  }
0x84: {  	[sflag:s19] =	ssyncset.done $0x0  }
0x85: {  	s9 =	sadd.s32 $0x2780, s4;
	[sflag:s19] =	ssyncadd.s32 $0xFFFFFC00  }
0x86: {  	[spmem:s2] =	stream.indirect.scatter.add.f32 [tilespmem:s24], [sflag:$0x5], $0x8, s9, s23, $0xb8;
	[tilespmem:$0x8610] =	vst v63  }
0x87: {  	_ =	swait.ge [sflag:s20], $0x400  }
0x88: {  	[sflag:s20] =	ssyncset.done $0x0  }
0x89: {  	s7 =	sadd.s32 $0x2800, s4;
	[sflag:s20] =	ssyncadd.s32 $0xFFFFFC00  }
0x8a: {  	[spmem:s2] =	stream.indirect.scatter.add.f32 [tilespmem:s25], [sflag:$0x6], $0x8, s7, s23, $0xb8;
	[tilespmem:$0x8610] =	vst v63  }
0x8b: {  	_ =	swait.ge [sflag:s21], $0x400  }
0x8c: {  	[sflag:s21] =	ssyncset.done $0x0  }
0x8d: {  	s9 =	sadd.s32 $0x2880, s4;
	[sflag:s21] =	ssyncadd.s32 $0xFFFFFC00  }
0x8e: {  	[spmem:s2] =	stream.indirect.scatter.add.f32 [tilespmem:s26], [sflag:$0x7], $0x8, s9, s23, $0xb8;
	[tilespmem:$0x8610] =	vst v63  }
0x8f: {  	_ =	swait.ge [sflag:s22], $0x400  }
0x90: {  	[sflag:s22] =	ssyncset.done $0x0  }
0x91: {  	s4 =	sadd.s32 $0x2900, s4;
	[sflag:s22] =	ssyncadd.s32 $0xFFFFFC00  }
0x92: {  	[spmem:s2] =	stream.indirect.scatter.add.f32 [tilespmem:s28], [sflag:$0x8], $0x8, s4, s23, $0xb8;
	[tilespmem:$0x8610] =	vst v63  }
0x93: {  	_ =	swait.ge [sflag:s29], $0x400  }
0x94: {  	[sflag:s29] =	ssyncset.done $0x0  }
0x95: {  	[sflag:s29] =	ssyncadd.s32 $0xFFFFFC00  }
0x96: {  	_ =	swait.ge [sflag:s30], $0x400  }
0x97: {  	[sflag:s30] =	ssyncset.done $0x0  }
0x98: {  	[sflag:s30] =	ssyncadd.s32 $0xFFFFFC00  }
0x99: {  	_ =	swait.ge [sflag:s31], $0x400  }
0x9a: {  	[sflag:s31] =	ssyncset.done $0x0  }
0x9b: {  	[sflag:s31] =	ssyncadd.s32 $0xFFFFFC00  }
0x9c: {  	_ =	swait.ge [sflag:s1], $0x400  }
0x9d: {  	[sflag:s1] =	ssyncset.done $0x0  }
0x9e: {  	s7 =	simm.s32 $0x2600;
	[sflag:s1] =	ssyncadd.s32 $0xFFFFFC00  }
0x9f: {  	[tilespmem:s24], [sflag:$0x1] =	stream.indirect.gather [spmem:s3], $0x8, s7, s23, $0xb8;
	[tilespmem:$0x8610] =	vst v63  }
0xa0: {  	s9 =	simm.s32 $0x2680  }
0xa1: {  	[tilespmem:s25], [sflag:$0x2] =	stream.indirect.gather [spmem:s3], $0x8, s9, s23, $0xb8;
	[tilespmem:$0x8610] =	vst v63  }
0xa2: {  	_ =	swait.ge [sflag:s19], $0x400  }
0xa3: {  	[sflag:s19] =	ssyncset.done $0x0  }
0xa4: {  	s5 =	simm.s32 $0x4D80;
	[sflag:s19] =	ssyncadd.s32 $0xFFFFFC00  }
0xa5: {  	[spmem:s2] =	stream.indirect.scatter.add.f32 [tilespmem:s24], [sflag:$0x5], $0x8, s5, s23, $0xb8;
	[tilespmem:$0x8610] =	vst v63  }
0xa6: {  	_ =	swait.ge [sflag:s20], $0x400  }
0xa7: {  	[sflag:s20] =	ssyncset.done $0x0  }
0xa8: {  	s7 =	simm.s32 $0x4E00;
	[sflag:s20] =	ssyncadd.s32 $0xFFFFFC00  }
0xa9: {  	[spmem:s2] =	stream.indirect.scatter.add.f32 [tilespmem:s25], [sflag:$0x6], $0x8, s7, s23, $0xb8;
	[tilespmem:$0x8610] =	vst v63  }
0xaa: {  	_ =	swait.ge [sflag:s29], $0x400  }
0xab: {  	[sflag:s29] =	ssyncset.done $0x0  }
0xac: {  	[sflag:s29] =	ssyncadd.s32 $0xFFFFFC00  }
0xad: {  	_ =	swait.ge [sflag:s30], $0x400  }
0xae: {  	s4 =	simm.s32 @!p0 $0x80;
	[sflag:s30] =	ssyncset.done $0x0  }
0xaf: {  	s5 =	simm.s32 @!p0 $0x2700;
	s7 =	simm.s32 @!p0 $0x5700;
	[sflag:s30] =	ssyncadd.s32 $0xFFFFFC00  }
0xb0: {  	[tilespmem:s7], [sflag:$0x3] =	stream.indirect.gather @!p0 [spmem:s3], $0x8, s5, s4, $0xb8;
	[tilespmem:$0x8610] =	vst v63  }
0xb1: {  	s5 =	simm.s32 @!p0 $0x3  }
0xb2: {  	_ =	swait.ge @!p0 [sflag:s5], $0x400  }
0xb3: {  	[sflag:s5] =	ssyncset.done @!p0 $0x0  }
0xb4: {  	[sflag:s5] =	ssyncadd.s32 @!p0 $0xFFFFFC00;
	s5 =	simm.s32 @!p0 $0x4E80  }
0xb5: {  	[spmem:s2] =	stream.indirect.scatter.add.f32 @!p0 [tilespmem:s7], [sflag:$0x9], $0x8, s5, s4, $0xb8;
	[tilespmem:$0x8610] =	vst v63  }
0xb6: {  	s4 =	simm.s32 @!p0 $0x9  }
0xb7: {  	_ =	swait.ge @!p0 [sflag:s4], $0x400  }
0xb8: {  	s18 =	sadd.s32 $0x1, s18;
	[sflag:s4] =	ssyncset.done @!p0 $0x0  }
0xb9: {  	p1 =	sne.s32 s18, s14;
	[sflag:s4] =	ssyncadd.s32 @!p0 $0xFFFFFC00  }
.Ltmp1:
0xba: {  	s9 =	sor.u32 $0x1C09, s6;
	[bflag:$0x0] =	sbarrier.arrive $0xFFFF;
	(pc) =	sbr.rel @p1 .LBB2_1-.Ltmp1, $4  }
0xbb: {  	[hbm:s13], [sflag:s9] =	dma.local [spmem:s15], $0x271  }
0xbc: {  	_ =	swait.ge [sflag:s0], $0x271  }
0xbd: {  	[sflag:s0] =	ssyncset.done $0x0  }
0xbe: {  	[sflag:s0] =	ssyncadd.s32 $0xFFFFFD8F  }
0xbf: {  	_ =	sfence.sel $0x180000  }
0xc0: {  	[bflag:$0x0] =	sbarrier.arrive $0xFFFF  }
0xc1: {  	_ =	strace $0x9000004D  }
0xc2: {  	s0 =	stileid.u32;
	[bflag:$0x2] =	sbarrier.arrive $0xFFFF  }
0xc3: {  	p0 =	sne.s32 s0, $0x0;
	s0 =	rddreg [dreg:$0x3]  }
0xc4: {  	s0 =	sadd.s32 @!p0 $0x100000, s0  }
0xc5: {  	[sflag:s0] =	ssyncadd.tile.s32 @!p0 $0x1;
	_ =	shalt  }
.Lfunc_end2:
_tile_overlayer_lowered:
.L_overlay_start_2:
0xc6: {  	(tag) =	ssettag $0x2  }
0xc7: {  	s0 =	rddreg [dreg:$0x0];
	s2 =	stileid.u32  }
0xc8: {  	s1 =	rddreg [dreg:$0x1];
	p0 =	sne.s32 s2, $0x0  }
0xc9: {  	s3 =	rddreg [dreg:$0x2];
	[bflag:$0x3] =	sbarrier.arrive $0xFFFF;
	s2 =	simm.s32 @!p0 $0x1C09  }
0xca: {  	[timem:s3], [sflag:s2] =	dma.local @!p0 [hbm:s0], s1  }
0xcb: {  	s0 =	simm.s32 @!p0 $0x9  }
0xcc: {  	_ =	swait.ge @!p0 [sflag:s0], s1  }
0xcd: {  	s1 =	ssub.s32 @!p0 $0x0, s1;
	[sflag:s0] =	ssyncset.done @!p0 $0x0  }
0xce: {  	[sflag:s0] =	ssyncadd.s32 @!p0 s1  }
0xcf: {  	[bflag:$0x3] =	sbarrier.arrive $0xFFFF  }
0xd0: {  	_ =	shalt  }

// kernel: kernel.8.cloned.1.call-start
scs
__scs_entry_jumppad:
0x0: {  	(pc) =	sbr.rel $0x88, $3  }
0x1: {  	(tag) =	ssettag $0x0;
	lr =	simm.s32 $0x1  }
0x2: {  	[smem:$0x3F99] =	sst lr;
	_ =	strace $0xD0000000  }
0x3: {  	_ = 	snop  }
0x4: {  	_ = 	snop  }
0x5: {  	_ = 	snop  }
0x6: {  	_ = 	snop  }
0x7: {  	_ = 	snop  }
__scs_overlays_trampoline_lowered:
0x8: {  	[smem:$0x3FA8] =	sst s0  }
0x9: {  	[smem:$0x3FA9] =	sst s1  }
0xa: {  	[smem:$0x3FAA] =	sst s2  }
0xb: {  	[smem:$0x3FAB] =	sst s3  }
0xc: {  	[smem:$0x3FAC] =	sst s4  }
0xd: {  	[smem:$0x3FAD] =	sst s5  }
0xe: {  	[smem:$0x3FAE] =	sst s6  }
0xf: {  	[smem:$0x3FAF] =	sst s7  }
0x10: {  	[smem:$0x3FB0] =	sst s8  }
0x11: {  	[smem:$0x3FB1] =	sst s9;
	s0 =	simm.s32 @!p0 $0x0  }
0x12: {  	s1 =	sld [smem:$0x3F97];
	s0 =	simm.s32 @p0 $0x1  }
0x13: {  	[smem:$0x3FB2] =	sst s0;
	s0 =	simm.s32 @!p1 $0x0  }
0x14: {  	s2 =	sld [smem:$0x3F96];
	s0 =	simm.s32 @p1 $0x1  }
0x15: {  	[smem:$0x3FB3] =	sst s0;
	s0 =	simm.s32 @!p2 $0x0  }
0x16: {  	s3 =	sld [smem:$0x3FDB];
	s0 =	simm.s32 @p2 $0x1  }
0x17: {  	s4 =	simm.s32 $0x1BF5;
	[smem:$0x3FB5] =	sst s0  }
0x18: {  	s0 =	sld [smem:$0x3F98];
	_ =	swait.ge [sflag:s4], $0x0  }
0x19: {  	s7 =	sld [smem:$0x3F99]  }
0x1a: {  	s8 =	sadd.s32 $0xFFFFE003, lr  }
0x1b: {  	s9 =	sadd.s32 $0xFFFFFEF7, lr;
	s5 =	simm.s32 $0xFFFFFFFF;
	p2 =	slt.u32 s8, $0xFFFFF086  }
0x1c: {  	p1 =	slt.u32 s9, $0xF7A;
	s5 =	simm.s32 @!p2 $0x0  }
0x1d: {  	s5 =	simm.s32 @p1 $0x1;
	p0 =	seq.s32 s7, s2  }
0x1e: {  	s7 =	smul.u32 @!p0 $0xF7A, s2;
	p2 =	seq.s32 @!p0 s5, $0x0  }
0x1f: {  	s9 =	smul.u32 $0xF7A, s1;
	s8 =	simm.s32 @!p0 $0x1BF5;
	p2 =	por !p2, p0  }
0x20: {  	[sflag:s8] =	ssyncset.s32 @!p0 $0xFFFFF086;
	s6 =	sadd.s32 @!p0 s3, s7;
	s7 =	simm.s32 @!p0 $0x108  }
0x21: {  	s3 =	sadd.s32 s3, s9;
	s6 =	sadd.s32 @!p0 $0x88, s6;
	s7 =	simm.s32 @p2 $0x1082  }
0x22: {  	[simem:s7], [sflag:s8] =	dma.local @!p0 [hbm:s6], $0xF7A  }
0x23: {  	s9 =	sor.u32 $0xD0000000, s2;
	s6 =	simm.s32 $0x108;
	_ =	swait.ge @!p0 [sflag:s8], $0x0  }
0x24: {  	s3 =	sadd.s32 $0x88, s3;
	s6 =	simm.s32 @!p1 $0x1082;
	[sflag:s4] =	ssyncset.s32 $0xFFFFF086  }
0x25: {  	[simem:s6], [sflag:s4] =	dma.local [hbm:s3], $0xF7A  }
0x26: {  	[smem:$0x3F99] =	sst s1;
	(tag) =	ssettag s2;
	_ =	strace s9  }
0x27: {  	s1 =	sld [smem:$0x3FA9]  }
0x28: {  	s2 =	sld [smem:$0x3FAA]  }
0x29: {  	s4 =	sld [smem:$0x3FAC]  }
0x2a: {  	p0 =	seq.s32 s5, $0x0;
	s5 =	sld [smem:$0x3FAD]  }
0x2b: {  	s6 =	sld [smem:$0x3FAE]  }
0x2c: {  	s7 =	sld [smem:$0x3FAF]  }
0x2d: {  	s3 =	simm.s32 $0x108;
	s8 =	sld [smem:$0x3FB0]  }
0x2e: {  	s3 =	simm.s32 @!p0 $0x1082;
	s9 =	sld [smem:$0x3FB1]  }
0x2f: {  	lr =	sadd.s32 s0, s3;
	s0 =	sld [smem:$0x3FA8]  }
0x30: {  	s3 =	sld [smem:$0x3FAB]  }
0x31: {  	[smem:$0x3FB4] =	sst s10  }
0x32: {  	s10 =	sld [smem:$0x3FB2];
	_ =	sdelay $0x3  }
0x33: {  	p0 =	seq.s32 s10, $0x1;
	s10 =	sld [smem:$0x3FB4];
	_ =	sdelay $0x3  }
0x34: {  	[smem:$0x3FB4] =	sst s10  }
0x35: {  	s10 =	sld [smem:$0x3FB3];
	_ =	sdelay $0x3  }
0x36: {  	p1 =	seq.s32 s10, $0x1;
	s10 =	sld [smem:$0x3FB4];
	_ =	sdelay $0x3  }
0x37: {  	[smem:$0x3FB4] =	sst s10  }
0x38: {  	s10 =	sld [smem:$0x3FB5]  }
0x39: {  	_ = 	snop;
	(pc) =	sbr.ind lr, $3  }
0x3a: {  	_ = 	snop  }
0x3b: {  	_ = 	snop  }
0x3c: {  	p2 =	seq.s32 s10, $0x1;
	s10 =	sld [smem:$0x3FB4]  }
0x3d: {  	_ =	shalt  }
0x3e: {  	_ =	shalt  }
0x3f: {  	_ =	shalt  }
0x40: {  	_ =	shalt  }
0x41: {  	_ =	shalt  }
0x42: {  	_ =	shalt  }
0x43: {  	_ =	shalt  }
0x44: {  	_ =	shalt  }
0x45: {  	_ =	shalt  }
0x46: {  	_ =	shalt  }
0x47: {  	_ =	shalt  }
0x48: {  	_ =	shalt  }
0x49: {  	_ =	shalt  }
0x4a: {  	_ =	shalt  }
0x4b: {  	_ =	shalt  }
0x4c: {  	_ =	shalt  }
0x4d: {  	_ =	shalt  }
0x4e: {  	_ =	shalt  }
0x4f: {  	_ =	shalt  }
0x50: {  	_ =	shalt  }
0x51: {  	_ =	shalt  }
0x52: {  	_ =	shalt  }
0x53: {  	_ =	shalt  }
0x54: {  	_ =	shalt  }
0x55: {  	_ =	shalt  }
0x56: {  	_ =	shalt  }
0x57: {  	_ =	shalt  }
0x58: {  	_ =	shalt  }
0x59: {  	_ =	shalt  }
0x5a: {  	_ =	shalt  }
0x5b: {  	_ =	shalt  }
0x5c: {  	_ =	shalt  }
0x5d: {  	_ =	shalt  }
0x5e: {  	_ =	shalt  }
0x5f: {  	_ =	shalt  }
0x60: {  	_ =	shalt  }
0x61: {  	_ =	shalt  }
0x62: {  	_ =	shalt  }
0x63: {  	_ =	shalt  }
0x64: {  	_ =	shalt  }
0x65: {  	_ =	shalt  }
0x66: {  	_ =	shalt  }
0x67: {  	_ =	shalt  }
0x68: {  	_ =	shalt  }
0x69: {  	_ =	shalt  }
0x6a: {  	_ =	shalt  }
0x6b: {  	_ =	shalt  }
0x6c: {  	_ =	shalt  }
0x6d: {  	_ =	shalt  }
0x6e: {  	_ =	shalt  }
0x6f: {  	_ =	shalt  }
0x70: {  	_ =	shalt  }
0x71: {  	_ =	shalt  }
0x72: {  	_ =	shalt  }
0x73: {  	_ =	shalt  }
0x74: {  	_ =	shalt  }
0x75: {  	_ =	shalt  }
0x76: {  	_ =	shalt  }
0x77: {  	_ =	shalt  }
0x78: {  	_ =	shalt  }
0x79: {  	_ =	shalt  }
0x7a: {  	_ =	shalt  }
0x7b: {  	_ =	shalt  }
0x7c: {  	_ =	shalt  }
0x7d: {  	_ =	shalt  }
0x7e: {  	_ =	shalt  }
0x7f: {  	_ =	shalt  }
0x80: {  	_ =	shalt  }
0x81: {  	_ =	shalt  }
0x82: {  	_ =	shalt  }
0x83: {  	_ =	shalt  }
0x84: {  	_ =	shalt  }
0x85: {  	_ =	shalt  }
0x86: {  	_ =	shalt  }
0x87: {  	_ =	shalt  }
.Lfunc_end0:
.L_simem_size_0:
called_computation_lowered:
.L_overlay_start_0:
0x88: {  	s2 =	sld [smem:$0x3FD9]  }
0x89: {  	s3 =	sld [smem:$0x3FFE];
	_ =	sdelay $0x1  }
0x8a: {  	s1 =	srdreg.scid  }
0x8b: {  	s0 =	sand.u32 $0x1, s1  }
0x8c: {  	s14 =	sshll.u32 s0, $0xA;
	s2 =	sadd.s32 s3, s2  }
0x8d: {  	s2 =	sadd.s32 s2, s14  }
0x8e: {  	[smem:$0x3FC0] =	sst s2  }
0x8f: {  	_ = 	snop  }
0x90: {  	s2 =	sld [smem:$0x3FD0];
	_ =	sdelay $0x2  }
0x91: {  	s15 =	simm.s32 $0xA;
	s4 =	simm.s32 $0x10  }
0x92: {  	[smem:s4], [sflag:s15] =	dma.local [hbm:s2], $0x1  }
0x93: {  	_ =	swait.eq [sflag:s15], $0x1  }
0x94: {  	[sflag:s15] =	ssyncset.done $0x0  }
0x95: {  	s16 =	sld [smem:$0x10];
	[sflag:s15] =	ssyncadd.s32 $0xFFFFFFFF  }
0x96: {  	s17 =	sld [smem:$0x11];
	(tm) =	ssettm $0x1  }
0x97: {  	s18 =	sld [smem:$0x3FFB];
	_ =	sdelay $0x3  }
0x98: {  	_ =	strace s18  }
0x99: {  	s4 =	sld [smem:$0x3FFC];
	_ =	sdelay $0x3  }
0x9a: {  	_ =	strace s4  }
0x9b: {  	s4 =	sld [smem:$0x3FFD];
	_ =	sdelay $0x3  }
0x9c: {  	_ =	strace s4  }
0x9d: {  	_ =	strace $0x8FFFFFFF  }
0x9e: {  	s19 =	sld [smem:$0x3FDB];
	_ =	sdelay $0x1  }
0x9f: {  	s5 =	simm.s32 $_scs_section_size  }
0xa0: {  	s6 =	simm.s32 $_size__tile_overlayer_lowered;
	s7 =	simm.s32 $_tile_overlayer_lowered  }
0xa1: {  	s22 =	simm.s32 $0x1BFF;
	s21 =	sshll.u32 s7, $0x1;
	s4 =	sadd.s32 s5, s19  }
0xa2: {  	s8 =	simm.s32 $0x0;
	s20 =	sshll.u32 s6, $0x1;
	s6 =	sadd.s32 s21, s4  }
0xa3: {  	[timem:s8], [sflag:s22] =	dma.local [hbm:s6], s20  }
0xa4: {  	_ =	swait.ge [sflag:s22], s20  }
0xa5: {  	s5 =	ssub.s32 $0x0, s20;
	[sflag:s22] =	ssyncset.done $0x0  }
0xa6: {  	[sflag:s22] =	ssyncadd.s32 s5;
	_ =	sdelay $0x1  }
0xa7: {  	s23 =	simm.s32 $0x1B8B  }
0xa8: {  	_ =	swait.ge [sflag:s23], $0x1  }
0xa9: {  	[sflag:s23] =	ssyncset.done $0x0  }
0xaa: {  	s25 =	simm.s32 $0x1B8E;
	s24 =	sld [smem:$0x3FFE];
	[sflag:s23] =	ssyncadd.s32 $0xFFFFFFFF  }
0xab: {  	s26 =	simm.s32 $execute0_lowered;
	[smem:$0x3FD2] =	sst s25  }
0xac: {  	s6 =	sshll.u32 s26, $0x1;
	_ =	strace $0x80000046;
	[dreg:$0x1] =	wrdreg $0xFFFFFFFF  }
0xad: {  	s28 =	simm.s32 $_size_execute0_lowered;
	s4 =	sadd.s32 s4, s6;
	[dreg:$0x0] =	wrdreg $0x0  }
0xae: {  	s6 =	sshll.u32 s28, $0x1;
	[dreg:$0x2] =	wrdreg s4  }
0xaf: {  	[dreg:$0x3] =	wrdreg s6  }
0xb0: {  	[dreg:$0x4] =	wrdreg $0xC0  }
0xb1: {  	_ =	task [dreg:s8], $0x5FFFF  }
0xb2: {  	[dreg:$0x1] =	wrdreg $0xFFFFFFFF  }
0xb3: {  	[dreg:$0x0] =	wrdreg $0x60  }
0xb4: {  	[dreg:$0x2] =	wrdreg s24  }
0xb5: {  	[dreg:$0x3] =	wrdreg s17  }
0xb6: {  	[dreg:$0x4] =	wrdreg s16  }
0xb7: {  	[dreg:$0x5] =	wrdreg $0x28000  }
0xb8: {  	[dreg:$0x6] =	wrdreg $0x9  }
0xb9: {  	_ =	task.clear_ibuf [dreg:s8], $0x7FFFF;
	_ =	strace $0x90000046  }
0xba: {  	s29 =	simm.s32 $0x9;
	_ =	strace $0x80000048  }
0xbb: {  	_ =	swait.ge [sflag:s29], $0x1  }
0xbc: {  	[sflag:s29] =	ssyncadd.s32 $0xFFFFFFFF  }
0xbd: {  	_ =	strace $0x90000048  }
0xbe: {  	_ =	sfence  }
0xbf: {  	s30 =	sld [smem:$0x0];
	_ =	sdelay $0x2  }
0xc0: {  	s31 =	sshll.u32 s1, $0xD;
	s1 =	sshrl.u32 s1, $0x2  }
0xc1: {  	s3 =	sand.u32 $0x4000, s31;
	s1 =	sadd.s32 s1, s30  }
0xc2: {  	s0 =	sor.u32 s3, s0;
	s1 =	sshll.u32 s1, $0x11  }
0xc3: {  	s0 =	sor.u32 s1, s0  }
0xc4: {  	s0 =	sadd.s32 $0x8F2B, s0  }
0xc5: {  	[sflag:s0] =	ssyncadd.remote.s32 $0x1  }
0xc6: {  	_ =	sfence.sel $0xFFFF  }
0xc7: {  	[dreg:$0x0] =	wrdreg $0xFFFFFFFF;
	(pc) =	sbr.abs _section_cstart, $3  }
0xc8: {  	[dreg:$0x1] =	wrdreg $0xFFFFFFFF  }
0xc9: {  	_ =	task.clear_ibuf [dreg:s8], $0x2FFFF;
	_ =	strace $0x9FFFFFFF  }
0xca: {  	(tm) =	ssettm $0x7FFFFFFF  }
0xcb: {  	_ =	shalt  }
tec
execute0_lowered:
.L_overlay_start_1:
0x0: {  	(tag) =	ssettag $0x1  }
0x1: {  	s4 =	rddreg [dreg:$0x0]  }
0x2: {  	s5 =	rddreg [dreg:$0x1]  }
0x3: {  	s8 =	rddreg [dreg:$0x2]  }
0x4: {  	s1 =	rddreg [dreg:$0x3]  }
0x5: {  	s0 =	rddreg [dreg:$0x4];
	s2 =	simm.s32 $0x0;
	s3 =	srdreg.scid  }
0x6: {  	s15 =	simm.s32 $0x2;
	s16 =	simm.s32 $0x0;
	[smem:$0x7FF] =	sst s2  }
0x7: {  	s6 =	sand.u32 $0x1, s3;
	s3 =	stileid.u32;
	s12 =	sadd.s32 $0x2400, s4  }
0x8: {  	_ =	strace $0x80000047;
	s7 =	ssub.s32 $0x2, s6;
	s25 =	smul.u32 $0x280, s3  }
0x9: {  	s9 =	sshll.u32 s6, $0x4;
	s13 =	sshll.u32 s3, $0x6;
	s6 =	smul.u32 $0x2800, s6  }
0xa: {  	s29 =	sshll.u32 s3, $0x4;
	s10 =	sshrl.u32 s7, $0x1;
	s11 =	sor.u32 s3, s9  }
0xb: {  	s30 =	sadd.s32 s29, s12;
	s10 =	ssub.s32 s7, s10;
	s26 =	smul.u32 $0x2700, s11  }
0xc: {  	s28 =	sshrl.u32 s25, $0x3;
	s14 =	sadd.s32 s25, s1;
	s6 =	sadd.s32 s25, s6  }
0xd: {  	p0 =	sgt.u32 s11, $0x3;
	s11 =	simm.s32 $0x3;
	s4 =	sadd.s32 s5, s28  }
0xe: {  	s5 =	sor.u32 $0x1C03, s13;
	s31 =	sshrl.u32 s6, $0x3;
	s9 =	smax.u32 s10, $0x1  }
0xf: {  	s10 =	sshrl.u32 s14, $0x3;
	s13 =	simm.s32 $0x2780;
	s7 =	sshrl.u32 s26, $0x3  }
0x10: {  	s14 =	simm.s32 $0x1;
	s8 =	sadd.s32 s8, s31;
	s7 =	sadd.s32 s12, s7  }
0x11: {  	v0 =	vimm.f32 $1.000000000e+00;
	s12 =	simm.s32 $0x80;
	s6 =	sadd.s32 $0x9C40, s7;
	s7 =	sadd.s32 $0x13840, s30  }
.LBB2_1:
0x12: {  	[spmem:s10], [sflag:s5] =	dma.local [hbm:s4], $0x50  }
0x13: {  	_ =	swait.ge [sflag:s11], $0x50  }
0x14: {  	[sflag:s11] =	ssyncset.done $0x0  }
0x15: {  	[sflag:s11] =	ssyncadd.s32 $0xFFFFFFB0  }
0x16: {  	[tilespmem:$0x2780] =	vst v0  }
0x17: {  	[tilespmem:$0x2790] =	vst v0  }
0x18: {  	[tilespmem:$0x27A0] =	vst v0  }
0x19: {  	[tilespmem:$0x27B0] =	vst v0  }
0x1a: {  	[tilespmem:$0x27C0] =	vst v0  }
0x1b: {  	[tilespmem:$0x27D0] =	vst v0  }
0x1c: {  	[tilespmem:$0x27E0] =	vst v0  }
0x1d: {  	[tilespmem:$0x27F0] =	vst v0  }
0x1e: {  	[tilespmem:s2], [sflag:$0x3] =	stream.linear.gather [hbm4b:s6+s2], $0x2700, $0x38;
	[tilespmem:$0x2A80] =	vst v63  }
0x1f: {  	_ =	swait.ge [sflag:s11], $0x2700  }
0x20: {  	[sflag:s11] =	ssyncset.done $0x0  }
0x21: {  	s17 =	simm.s32 @!p0 $0x0;
	s18 =	simm.s32 @!p0 $0x2700;
	[sflag:s11] =	ssyncadd.s32 $0xFFFFD900  }
0x22: {  	[tilespmem:s18], [sflag:$0x3] =	stream.linear.gather @!p0 [hbm4b:s7+s17], $0x80, $0x38;
	[tilespmem:$0x2A80] =	vst v63  }
0x23: {  	s17 =	simm.s32 @!p0 $0x3  }
0x24: {  	_ =	swait.ge @!p0 [sflag:s17], $0x80  }
0x25: {  	[sflag:s17] =	ssyncset.done @!p0 $0x0  }
0x26: {  	[sflag:s17] =	ssyncadd.s32 @!p0 $0xFFFFFF80  }
0x27: {  	s30 =	simm.s32 $0x0;
	[bflag:$0x0] =	sbarrier.arrive $0xFFFF  }
0x28: {  	[spmem:s1] =	stream.indirect.scatter.add.f32 [tilespmem:s13], [sflag:$0x1], $0x1, s30, s12, $0xb8;
	[tilespmem:$0x2A80] =	vst v63  }
0x29: {  	s31 =	simm.s32 $0x80  }
0x2a: {  	[spmem:s1] =	stream.indirect.scatter.add.f32 [tilespmem:s13], [sflag:$0x2], $0x1, s31, s12, $0xb8;
	[tilespmem:$0x2A80] =	vst v63  }
0x2b: {  	_ =	swait.ge [sflag:s14], $0x80  }
0x2c: {  	[sflag:s14] =	ssyncset.done $0x0  }
0x2d: {  	[sflag:s14] =	ssyncadd.s32 $0xFFFFFF80  }
0x2e: {  	_ =	swait.ge [sflag:s15], $0x80  }
0x2f: {  	s18 =	simm.s32 $0x800;
	s17 =	simm.s32 $0x400;
	[sflag:s15] =	ssyncset.done $0x0  }
.LBB2_2:
0x30: {  	s19 =	sshra.s32 s17, $0x2  }
0x31: {  	[sflag:s15] =	ssyncadd.s32 $0xFFFFFF80;
	s17 =	smov.u32 s18;
	s20 =	sadd.s32 $0x400, s18  }
0x32: {  	[spmem:s1] =	stream.indirect.scatter.add.f32 [tilespmem:s13], [sflag:$0x1], $0x1, s19, s12, $0xb8;
	[tilespmem:$0x2A80] =	vst v63  }
0x33: {  	p1 =	sne.s32 s18, $0x9800;
	s18 =	sadd.s32 $0x80, s19  }
0x34: {  	[spmem:s1] =	stream.indirect.scatter.add.f32 [tilespmem:s13], [sflag:$0x2], $0x1, s18, s12, $0xb8;
	[tilespmem:$0x2A80] =	vst v63  }
.Ltmp0:
0x35: {  	_ =	swait.ge [sflag:s14], $0x80;
	(pc) =	sbr.rel @p1 .LBB2_2-.Ltmp0, $4  }
0x36: {  	[sflag:s14] =	ssyncset.done $0x0  }
0x37: {  	[sflag:s14] =	ssyncadd.s32 $0xFFFFFF80  }
0x38: {  	_ =	swait.ge [sflag:s15], $0x80  }
0x39: {  	s18 =	smov.u32 s20;
	[sflag:s15] =	ssyncset.done $0x0  }
0x3a: {  	s17 =	sshra.s32 s17, $0x2;
	[sflag:s15] =	ssyncadd.s32 $0xFFFFFF80  }
0x3b: {  	[spmem:s1] =	stream.indirect.scatter.add.f32 [tilespmem:s13], [sflag:$0x1], $0x1, s17, s12, $0xb8;
	[tilespmem:$0x2A80] =	vst v63  }
0x3c: {  	s17 =	sadd.s32 $0x80, s17  }
0x3d: {  	[spmem:s1] =	stream.indirect.scatter.add.f32 [tilespmem:s13], [sflag:$0x2], $0x1, s17, s12, $0xb8;
	[tilespmem:$0x2A80] =	vst v63  }
0x3e: {  	_ =	swait.ge [sflag:s14], $0x80  }
0x3f: {  	[sflag:s14] =	ssyncset.done $0x0  }
0x40: {  	[sflag:s14] =	ssyncadd.s32 $0xFFFFFF80  }
0x41: {  	_ =	swait.ge [sflag:s15], $0x80  }
0x42: {  	s18 =	simm.s32 @!p0 $0x2700;
	[sflag:s15] =	ssyncset.done $0x0  }
0x43: {  	s19 =	simm.s32 @!p0 $0x2780;
	s17 =	simm.s32 @!p0 $0x80;
	[sflag:s15] =	ssyncadd.s32 $0xFFFFFF80  }
0x44: {  	[spmem:s1] =	stream.indirect.scatter.add.f32 @!p0 [tilespmem:s19], [sflag:$0x3], $0x1, s18, s17, $0xb8;
	[tilespmem:$0x2A80] =	vst v63  }
0x45: {  	s17 =	simm.s32 @!p0 $0x3  }
0x46: {  	_ =	swait.ge @!p0 [sflag:s17], $0x80  }
0x47: {  	s16 =	sadd.s32 $0x1, s16;
	[sflag:s17] =	ssyncset.done @!p0 $0x0  }
0x48: {  	p1 =	sne.s32 s16, s9;
	[sflag:s17] =	ssyncadd.s32 @!p0 $0xFFFFFF80  }
.Ltmp1:
0x49: {  	[bflag:$0x0] =	sbarrier.arrive $0xFFFF;
	(pc) =	sbr.rel @p1 .LBB2_1-.Ltmp1, $4  }
0x4a: {  	[hbm:s8], [sflag:s5] =	dma.local [spmem:s10], $0x50  }
0x4b: {  	_ =	swait.ge [sflag:s11], $0x50  }
0x4c: {  	[sflag:s11] =	ssyncset.done $0x0  }
0x4d: {  	[sflag:s11] =	ssyncadd.s32 $0xFFFFFFB0  }
0x4e: {  	_ =	sfence.sel $0x180000  }
0x4f: {  	[bflag:$0x0] =	sbarrier.arrive $0xFFFF  }
0x50: {  	p0 =	sne.s32 s3, $0x0;
	_ =	strace $0x90000047  }
0x51: {  	s0 =	sadd.s32 @!p0 $0x100000, s0;
	[bflag:$0x2] =	sbarrier.arrive $0xFFFF  }
0x52: {  	[sflag:s0] =	ssyncadd.tile.s32 @!p0 $0x1;
	_ =	shalt  }
.Lfunc_end2:
_tile_overlayer_lowered:
.L_overlay_start_2:
0x53: {  	(tag) =	ssettag $0x2  }
0x54: {  	s0 =	rddreg [dreg:$0x0];
	s2 =	stileid.u32  }
0x55: {  	s1 =	rddreg [dreg:$0x1];
	p0 =	sne.s32 s2, $0x0  }
0x56: {  	s3 =	rddreg [dreg:$0x2];
	[bflag:$0x3] =	sbarrier.arrive $0xFFFF;
	s2 =	simm.s32 @!p0 $0x1C03  }
0x57: {  	[timem:s3], [sflag:s2] =	dma.local @!p0 [hbm:s0], s1  }
0x58: {  	s0 =	simm.s32 @!p0 $0x3  }
0x59: {  	_ =	swait.ge @!p0 [sflag:s0], s1  }
0x5a: {  	s1 =	ssub.s32 @!p0 $0x0, s1;
	[sflag:s0] =	ssyncset.done @!p0 $0x0  }
0x5b: {  	[sflag:s0] =	ssyncadd.s32 @!p0 s1  }
0x5c: {  	[bflag:$0x3] =	sbarrier.arrive $0xFFFF  }
0x5d: {  	_ =	shalt  }

</sc_bundles>
